<compile_context>
chip_gen: v7x
topology: tpu7x:2x2x1
jax: 0.10.2.dev20260603
libtpu: 0.0.44.dev20260713+nightly
codegen_flags: <defaults>
</compile_context>

<pallas_src>
import functools

import numpy as np
import jax
import jax.numpy as jnp
from jax import lax
from jax.experimental import pallas as pl
from jax.experimental.pallas import tpu as pltpu
from jax.experimental.pallas import tpu_sc as plsc

N = 10000
E = 320000
F = 128
H = F // 2

NC = 2
NS = 16
L = 16
EPW = E // NS
C = 40
NCHUNK = EPW // C
NB = 5
KPF = 2
RPT = 632
PADN = NS * RPT

_LOG2 = 0.6931471805599453


def _mlp_body(edges_ref, w1_ref, b1_ref, w2_ref, b2_ref, out_ref):
    x = jnp.dot(edges_ref[...].astype(jnp.bfloat16), w1_ref[...],
                preferred_element_type=jnp.float32)
    x = x + b1_ref[...]
    x = jnp.log(1.0 + jnp.exp(-jnp.abs(x))) + jnp.maximum(x, 0.0) - _LOG2
    xb = x.astype(jnp.bfloat16)
    y = jnp.dot(xb, w2_ref[...],
                preferred_element_type=jnp.float32) + b2_ref[...]
    y2 = y.reshape(y.shape[0] // 2, 2, F)
    out_ref[0] = jnp.concatenate([y2[:, 0, :H], y2[:, 1, :H]], axis=-1)
    out_ref[1] = jnp.concatenate([y2[:, 0, H:], y2[:, 1, H:]], axis=-1)


def _mlp(edges, W1, b1, W2, b2):
    BLK = 3200
    pc = pl.pallas_call(
        _mlp_body,
        grid=(E // BLK,),
        in_specs=[
            pl.BlockSpec((BLK, F), lambda i: (i, 0)),
            pl.BlockSpec((F, F), lambda i: (0, 0)),
            pl.BlockSpec((1, F), lambda i: (0, 0)),
            pl.BlockSpec((F, F), lambda i: (0, 0)),
            pl.BlockSpec((1, F), lambda i: (0, 0)),
        ],
        out_specs=pl.BlockSpec((NC, BLK // 2, F), lambda i: (0, i, 0)),
        out_shape=jax.ShapeDtypeStruct((NC, E // 2, F), jnp.float32),
    )
    return pc(edges, W1.astype(jnp.bfloat16), b1.reshape(1, F),
              W2.astype(jnp.bfloat16), b2.reshape(1, F))


def _sc_body(filt_hbm, nodes_hbm, src_hbm, dst_hbm, zeros_hbm, out_hbm,
             src_all, dst_all, rows, filtb, acc_sh, *sems):
    sem_g = sems[0:NB]
    sem_f = sems[NB:2 * NB]
    sem_s = sems[2 * NB:3 * NB]
    cid = lax.axis_index("c")
    sid = lax.axis_index("s")

    pltpu.async_copy(src_hbm.at[cid, sid], src_all, sem_g[0])
    pltpu.async_copy(dst_hbm.at[sid], dst_all, sem_f[0])

    row0 = sid * RPT
    pltpu.sync_copy(zeros_hbm, acc_sh.at[pl.ds(row0, RPT)])

    pltpu.make_async_copy(src_hbm.at[cid, sid], src_all, sem_g[0]).wait()
    pltpu.make_async_copy(dst_hbm.at[sid], dst_all, sem_f[0]).wait()

    def issue_fetch(u, b):
        pltpu.async_copy(nodes_hbm.at[src_all.at[u]], rows.at[b], sem_g[b])
        pltpu.async_copy(filt_hbm.at[cid, pl.ds(sid * (EPW // 2) + u * (C // 2),
                                                 C // 2)],
                         filtb.at[b], sem_f[b])

    for b in range(KPF):
        issue_fetch(b, b)
    plsc.subcore_barrier()

    def step(t, b):
        bpf = (b + KPF) % NB

        @pl.when(t < NCHUNK - KPF)
        def _():
            @pl.when(t >= NB - KPF)
            def _():
                pltpu.make_async_copy(
                    rows.at[bpf], acc_sh.at[dst_all.at[t + KPF - NB]],
                    sem_s[bpf]).wait()
            issue_fetch(t + KPF, bpf)

        pltpu.make_async_copy(nodes_hbm.at[src_all.at[t]], rows.at[b],
                              sem_g[b]).wait()
        pltpu.make_async_copy(filt_hbm.at[cid, pl.ds(sid * (EPW // 2)
                                                      + t * (C // 2), C // 2)],
                              filtb.at[b], sem_f[b]).wait()

        rows_b = rows.at[b]
        filt_b = filtb.at[b]

        def mul(p, _):
            i0 = 2 * p
            for j in range(H // L):
                sl = pl.ds(j * L, L)
                rows_b[i0, sl] = rows_b[i0, sl] * filt_b[p, sl]
                rows_b[i0 + 1, sl] = (rows_b[i0 + 1, sl]
                                      * filt_b[p, pl.ds(H + j * L, L)])
            return 0

        lax.fori_loop(0, C // 2, mul, 0)

        @pl.when(t < NCHUNK - NB)
        def _():
            pltpu.async_copy(rows_b, acc_sh.at[dst_all.at[t]], sem_s[b],
                             add=True)

        @pl.when(t >= NCHUNK - NB)
        def _():
            pltpu.sync_copy(rows_b, acc_sh.at[dst_all.at[t]], add=True)

    def group(g, _):
        for b in range(NB):
            step(g * NB + b, b)
        return 0

    lax.fori_loop(0, NCHUNK // NB, group, 0)
    plsc.subcore_barrier()

    pltpu.sync_copy(acc_sh.at[pl.ds(row0, RPT)],
                    out_hbm.at[cid, pl.ds(row0, RPT)])


def _sc_scatter(filt2, nodes2, src2, dst):
    mesh = plsc.VectorSubcoreMesh(core_axis_name="c", subcore_axis_name="s",
                                  num_cores=NC, num_subcores=NS)
    f = functools.partial(
        pl.kernel,
        out_type=jax.ShapeDtypeStruct((NC, PADN, H), jnp.float32),
        mesh=mesh,
        compiler_params=pltpu.CompilerParams(use_tc_tiling_on_sc=False),
        scratch_types=[
            pltpu.VMEM((NCHUNK, C), jnp.int32),
            pltpu.VMEM((NCHUNK, C), jnp.int32),
            pltpu.VMEM((NB, C, H), jnp.float32),
            pltpu.VMEM((NB, C // 2, F), jnp.float32),
            pltpu.VMEM_SHARED((PADN, H), jnp.float32),
        ] + [pltpu.SemaphoreType.DMA] * (3 * NB),
    )(_sc_body)
    zeros = jnp.zeros((RPT, H), jnp.float32)
    return f(filt2, nodes2, src2, dst.reshape(NS, NCHUNK, C), zeros)


def kernel(nodes, edges, edge_index, W1, b1, W2, b2):
    filt2 = _mlp(edges, W1, b1, W2, b2)
    dst = edge_index[0]
    src = edge_index[1].reshape(NS, NCHUNK, C)
    nodes2 = nodes.reshape(NC * N, H)
    src2 = jnp.stack([2 * src, 2 * src + 1])
    partials = _sc_scatter(filt2, nodes2, src2, dst)
    return jnp.concatenate([partials[0, :N], partials[1, :N]], axis=-1)

# --- scband reference (transcript-rebuilt; emitter-appended) ---
"""Pipeline reference for scband-sch-net-cfconv-24953759989864 (READ-ONLY COPY).

The authoritative reference and input builder live on the scoring server;
editing this copy changes nothing except your own understanding.
"""

import jax, jax.numpy as jnp
import numpy as np


def shifted_softplus(x):
    return jax.nn.softplus(x) - jnp.log(2.0)


def setup_inputs(seed: int = 0) -> dict:
    key = jax.random.key(seed)
    k1, k2, k3, k4, k5 = jax.random.split(key, 5)
    N, E, F, units = 10000, 320000, 128, 128
    nodes = jax.random.normal(k1, (N, F), dtype=jnp.float32)
    edges = jax.random.normal(k2, (E, F), dtype=jnp.float32)
    edge_index = jax.random.randint(k3, (2, E), 0, N, dtype=jnp.int64 if jax.config.jax_enable_x64 else jnp.int32).astype(jnp.int32)
    # glorot_uniform init for dense kernels
    limit1 = float(np.sqrt(6.0 / (F + units)))
    W1 = jax.random.uniform(k4, (F, units), minval=-limit1, maxval=limit1, dtype=jnp.float32)
    b1 = jnp.zeros((units,), dtype=jnp.float32)
    limit2 = float(np.sqrt(6.0 / (units + units)))
    W2 = jax.random.uniform(k5, (units, units), minval=-limit2, maxval=limit2, dtype=jnp.float32)
    b2 = jnp.zeros((units,), dtype=jnp.float32)
    return {"nodes": nodes, "edges": edges, "edge_index": edge_index, "W1": W1, "b1": b1, "W2": W2, "b2": b2}


def reference(nodes, edges, edge_index, W1, b1, W2, b2):
    # Dense 1 with shifted softplus activation
    x = shifted_softplus(edges @ W1 + b1)
    # Dense 2 linear
    x = x @ W2 + b2
    # GatherNodesOutgoing: gather node features at sending nodes (edge_index[1])
    node2exp = jnp.take(nodes, edge_index[1], axis=0)
    # Multiply edge filter with gathered node features
    x = node2exp * x
    # AggregateLocalEdges: scatter-sum messages to receiving nodes (edge_index[0])
    out = jax.ops.segment_sum(x, edge_index[0], num_segments=nodes.shape[0])
    return out

if __name__ == "__main__":
    import jax
    _d = setup_inputs()
    print(jax.jit(kernel)(*tuple(_d.values())))

</pallas_src>

<mosaic_0001>
#map = affine_map<(d0, d1) -> (0, 0, 0)>
#map1 = affine_map<(d0, d1) -> (0, 0)>
#map2 = affine_map<(d0, d1) -> (0, 0, 0, 0)>
module attributes {stable_mosaic.version = 14 : i64} {
  func.func @_sc_body(%arg0: i32, %arg1: i32, %arg2: memref<2x160000x128xf32, #tpu.memory_space<hbm>>, %arg3: memref<20000x64xf32, #tpu.memory_space<hbm>>, %arg4: memref<2x16x500x40xi32, #tpu.memory_space<hbm>>, %arg5: memref<16x500x40xi32, #tpu.memory_space<hbm>>, %arg6: memref<632x64xf32, #tpu.memory_space<hbm>>, %arg7: memref<2x10112x64xf32, #tpu.memory_space<hbm>>, %arg8: memref<500x40xi32, #tpu.memory_space<vmem>>, %arg9: memref<500x40xi32, #tpu.memory_space<vmem>>, %arg10: memref<5x40x64xf32, #tpu.memory_space<vmem>>, %arg11: memref<5x20x128xf32, #tpu.memory_space<vmem>>, %arg12: memref<10112x64xf32, #tpu.memory_space<vmem_shared>>, %arg13: memref<!tpu.dma_semaphore, #tpu.memory_space<semaphore_mem>>, %arg14: memref<!tpu.dma_semaphore, #tpu.memory_space<semaphore_mem>>, %arg15: memref<!tpu.dma_semaphore, #tpu.memory_space<semaphore_mem>>, %arg16: memref<!tpu.dma_semaphore, #tpu.memory_space<semaphore_mem>>, %arg17: memref<!tpu.dma_semaphore, #tpu.memory_space<semaphore_mem>>, %arg18: memref<!tpu.dma_semaphore, #tpu.memory_space<semaphore_mem>>, %arg19: memref<!tpu.dma_semaphore, #tpu.memory_space<semaphore_mem>>, %arg20: memref<!tpu.dma_semaphore, #tpu.memory_space<semaphore_mem>>, %arg21: memref<!tpu.dma_semaphore, #tpu.memory_space<semaphore_mem>>, %arg22: memref<!tpu.dma_semaphore, #tpu.memory_space<semaphore_mem>>, %arg23: memref<!tpu.dma_semaphore, #tpu.memory_space<semaphore_mem>>, %arg24: memref<!tpu.dma_semaphore, #tpu.memory_space<semaphore_mem>>, %arg25: memref<!tpu.dma_semaphore, #tpu.memory_space<semaphore_mem>>, %arg26: memref<!tpu.dma_semaphore, #tpu.memory_space<semaphore_mem>>, %arg27: memref<!tpu.dma_semaphore, #tpu.memory_space<semaphore_mem>>) attributes {dimension_semantics = [#tpu.dimension_semantics<core_parallel>, #tpu.dimension_semantics<subcore_parallel>], iteration_bounds = array<i64: 2, 16>, scalar_prefetch = 0 : i64, scratch_operands = 20 : i64, tpu.core_type = #tpu.core_type<sc_vector_subcore>, window_params = [{transform_indices = #map}, {transform_indices = #map1}, {transform_indices = #map2}, {transform_indices = #map}, {transform_indices = #map1}, {transform_indices = #map}]} {
    %dma_start3A = arith.constant 0 : i32
    %dma_start3A_0 = arith.constant 0 : i32
    %dma_start3A_1 = tpu.memref_slice %arg4[%arg0, %arg1, %dma_start3A, %dma_start3A_0] : memref<2x16x500x40xi32, #tpu.memory_space<hbm>> -> memref<1x1x500x40xi32, #tpu.memory_space<hbm>>
    %dma_start3A_2 = tpu.memref_squeeze %dma_start3A_1 : memref<1x1x500x40xi32, #tpu.memory_space<hbm>> -> memref<500x40xi32, #tpu.memory_space<hbm>>
    %dma_start3A_3 = arith.constant 0 : i32
    %dma_start3A_4 = arith.constant 0 : i32
    %dma_start3A_5 = tpu.memref_slice %arg4[%arg0, %arg1, %dma_start3A_3, %dma_start3A_4] : memref<2x16x500x40xi32, #tpu.memory_space<hbm>> -> memref<1x1x500x40xi32, #tpu.memory_space<hbm>>
    %dma_start3A_6 = tpu.memref_squeeze %dma_start3A_5 : memref<1x1x500x40xi32, #tpu.memory_space<hbm>> -> memref<500x40xi32, #tpu.memory_space<hbm>>
    tpu.enqueue_dma source(%dma_start3A_6 : memref<500x40xi32, #tpu.memory_space<hbm>>) target(%arg8 : memref<500x40xi32, #tpu.memory_space<vmem>>) target_semaphore(%arg13 : memref<!tpu.dma_semaphore, #tpu.memory_space<semaphore_mem>>)
    %dma_start3A_7 = arith.constant 0 : i32
    %dma_start3A_8 = arith.constant 0 : i32
    %dma_start3A_9 = tpu.memref_slice %arg5[%arg1, %dma_start3A_7, %dma_start3A_8] : memref<16x500x40xi32, #tpu.memory_space<hbm>> -> memref<1x500x40xi32, #tpu.memory_space<hbm>>
    %dma_start3A_10 = tpu.memref_squeeze %dma_start3A_9 : memref<1x500x40xi32, #tpu.memory_space<hbm>> -> memref<500x40xi32, #tpu.memory_space<hbm>>
    %dma_start3A_11 = arith.constant 0 : i32
    %dma_start3A_12 = arith.constant 0 : i32
    %dma_start3A_13 = tpu.memref_slice %arg5[%arg1, %dma_start3A_11, %dma_start3A_12] : memref<16x500x40xi32, #tpu.memory_space<hbm>> -> memref<1x500x40xi32, #tpu.memory_space<hbm>>
    %dma_start3A_14 = tpu.memref_squeeze %dma_start3A_13 : memref<1x500x40xi32, #tpu.memory_space<hbm>> -> memref<500x40xi32, #tpu.memory_space<hbm>>
    tpu.enqueue_dma source(%dma_start3A_14 : memref<500x40xi32, #tpu.memory_space<hbm>>) target(%arg9 : memref<500x40xi32, #tpu.memory_space<vmem>>) target_semaphore(%arg18 : memref<!tpu.dma_semaphore, #tpu.memory_space<semaphore_mem>>)
    %mul3A = arith.constant 632 : i32
    %mul3A_15 = arith.muli %arg1, %mul3A : i32
    "tpu.region"() ({
      %run_scoped3A = tpu.sem_alloc : memref<!tpu.dma_semaphore, #tpu.memory_space<semaphore_mem>>
      %dma_start3A_99 = arith.constant 0 : i32
      %dma_start3A_100 = tpu.memref_slice %arg12[%mul3A_15, %dma_start3A_99] : memref<10112x64xf32, #tpu.memory_space<vmem_shared>> -> memref<632x64xf32, #tpu.memory_space<vmem_shared>>
      tpu.enqueue_dma source(%arg6 : memref<632x64xf32, #tpu.memory_space<hbm>>) target(%dma_start3A_100 : memref<632x64xf32, #tpu.memory_space<vmem_shared>>) target_semaphore(%run_scoped3A : memref<!tpu.dma_semaphore, #tpu.memory_space<semaphore_mem>>)
      %dma_wait3A_101 = arith.constant 0 : i32
      %dma_wait3A_102 = tpu.memref_slice %arg12[%mul3A_15, %dma_wait3A_101] : memref<10112x64xf32, #tpu.memory_space<vmem_shared>> -> memref<632x64xf32, #tpu.memory_space<vmem_shared>>
      tpu.wait_dma2 semaphore(%run_scoped3A : memref<!tpu.dma_semaphore, #tpu.memory_space<semaphore_mem>>) src(%arg6 : memref<632x64xf32, #tpu.memory_space<hbm>>) dst(%dma_wait3A_102 : memref<632x64xf32, #tpu.memory_space<vmem_shared>>)
      tpu.yield
    }) : () -> ()
    %dma_wait3A = arith.constant 0 : i32
    %dma_wait3A_16 = arith.constant 0 : i32
    %dma_wait3A_17 = tpu.memref_slice %arg4[%arg0, %arg1, %dma_wait3A, %dma_wait3A_16] : memref<2x16x500x40xi32, #tpu.memory_space<hbm>> -> memref<1x1x500x40xi32, #tpu.memory_space<hbm>>
    %dma_wait3A_18 = tpu.memref_squeeze %dma_wait3A_17 : memref<1x1x500x40xi32, #tpu.memory_space<hbm>> -> memref<500x40xi32, #tpu.memory_space<hbm>>
    %dma_wait3A_19 = arith.constant 0 : i32
    %dma_wait3A_20 = arith.constant 0 : i32
    %dma_wait3A_21 = tpu.memref_slice %arg4[%arg0, %arg1, %dma_wait3A_19, %dma_wait3A_20] : memref<2x16x500x40xi32, #tpu.memory_space<hbm>> -> memref<1x1x500x40xi32, #tpu.memory_space<hbm>>
    %dma_wait3A_22 = tpu.memref_squeeze %dma_wait3A_21 : memref<1x1x500x40xi32, #tpu.memory_space<hbm>> -> memref<500x40xi32, #tpu.memory_space<hbm>>
    tpu.wait_dma2 semaphore(%arg13 : memref<!tpu.dma_semaphore, #tpu.memory_space<semaphore_mem>>) src(%dma_wait3A_22 : memref<500x40xi32, #tpu.memory_space<hbm>>) dst(%arg8 : memref<500x40xi32, #tpu.memory_space<vmem>>)
    %dma_wait3A_23 = arith.constant 0 : i32
    %dma_wait3A_24 = arith.constant 0 : i32
    %dma_wait3A_25 = tpu.memref_slice %arg5[%arg1, %dma_wait3A_23, %dma_wait3A_24] : memref<16x500x40xi32, #tpu.memory_space<hbm>> -> memref<1x500x40xi32, #tpu.memory_space<hbm>>
    %dma_wait3A_26 = tpu.memref_squeeze %dma_wait3A_25 : memref<1x500x40xi32, #tpu.memory_space<hbm>> -> memref<500x40xi32, #tpu.memory_space<hbm>>
    %dma_wait3A_27 = arith.constant 0 : i32
    %dma_wait3A_28 = arith.constant 0 : i32
    %dma_wait3A_29 = tpu.memref_slice %arg5[%arg1, %dma_wait3A_27, %dma_wait3A_28] : memref<16x500x40xi32, #tpu.memory_space<hbm>> -> memref<1x500x40xi32, #tpu.memory_space<hbm>>
    %dma_wait3A_30 = tpu.memref_squeeze %dma_wait3A_29 : memref<1x500x40xi32, #tpu.memory_space<hbm>> -> memref<500x40xi32, #tpu.memory_space<hbm>>
    tpu.wait_dma2 semaphore(%arg18 : memref<!tpu.dma_semaphore, #tpu.memory_space<semaphore_mem>>) src(%dma_wait3A_30 : memref<500x40xi32, #tpu.memory_space<hbm>>) dst(%arg9 : memref<500x40xi32, #tpu.memory_space<vmem>>)
    %dma_start3A_31 = arith.constant 0 : i32
    %dma_start3A_32 = arith.constant 0 : i32
    %dma_start3A_33 = arith.constant 0 : i32
    %dma_start3A_34 = arith.constant 0 : i32
    %dma_start3A_35 = tpu.memref_slice %arg10[%dma_start3A_32, %dma_start3A_33, %dma_start3A_34] : memref<5x40x64xf32, #tpu.memory_space<vmem>> -> memref<1x40x64xf32, #tpu.memory_space<vmem>>
    %dma_start3A_36 = tpu.memref_squeeze %dma_start3A_35 : memref<1x40x64xf32, #tpu.memory_space<vmem>> -> memref<40x64xf32, #tpu.memory_space<vmem>>
    %dma_start3A_37 = arith.constant 0 : i32
    %dma_start3A_38 = tpu.memref_slice %arg8[%dma_start3A_31, %dma_start3A_37] : memref<500x40xi32, #tpu.memory_space<vmem>> -> memref<1x40xi32, #tpu.memory_space<vmem>>
    %dma_start3A_39 = tpu.memref_squeeze %dma_start3A_38 : memref<1x40xi32, #tpu.memory_space<vmem>> -> memref<40xi32, #tpu.memory_space<vmem>>
    %dma_start3A_40 = arith.constant 0 : i32
    %dma_start3A_41 = arith.constant 0 : i32
    %dma_start3A_42 = tpu.memref_slice %arg3[%dma_start3A_40, %dma_start3A_41] : memref<20000x64xf32, #tpu.memory_space<hbm>> -> memref<20000x64xf32, #tpu.memory_space<hbm>>
    tpu.enqueue_indirect_dma source(%dma_start3A_42 : memref<20000x64xf32, #tpu.memory_space<hbm>>) target(%dma_start3A_36 : memref<40x64xf32, #tpu.memory_space<vmem>>) offsets(%dma_start3A_39 : memref<40xi32, #tpu.memory_space<vmem>>) semaphore(%arg13 : memref<!tpu.dma_semaphore, #tpu.memory_space<semaphore_mem>>)
    %mul3A_43 = arith.constant 10000 : i32
    %mul3A_44 = arith.muli %arg1, %mul3A_43 : i32
    %add3A = arith.constant 0 : i32
    %add3A_45 = arith.addi %mul3A_44, %add3A : i32
    %dma_start3A_46 = arith.constant 0 : i32
    %dma_start3A_47 = arith.constant 0 : i32
    %dma_start3A_48 = arith.constant 0 : i32
    %dma_start3A_49 = tpu.memref_slice %arg11[%dma_start3A_46, %dma_start3A_47, %dma_start3A_48] : memref<5x20x128xf32, #tpu.memory_space<vmem>> -> memref<1x20x128xf32, #tpu.memory_space<vmem>>
    %dma_start3A_50 = tpu.memref_squeeze %dma_start3A_49 : memref<1x20x128xf32, #tpu.memory_space<vmem>> -> memref<20x128xf32, #tpu.memory_space<vmem>>
    %dma_start3A_51 = arith.constant 0 : i32
    %dma_start3A_52 = tpu.memref_slice %arg2[%arg0, %add3A_45, %dma_start3A_51] : memref<2x160000x128xf32, #tpu.memory_space<hbm>> -> memref<1x20x128xf32, #tpu.memory_space<hbm>>
    %dma_start3A_53 = tpu.memref_squeeze %dma_start3A_52 : memref<1x20x128xf32, #tpu.memory_space<hbm>> -> memref<20x128xf32, #tpu.memory_space<hbm>>
    %dma_start3A_54 = arith.constant 0 : i32
    %dma_start3A_55 = arith.constant 0 : i32
    %dma_start3A_56 = tpu.memref_slice %arg11[%dma_start3A_46, %dma_start3A_54, %dma_start3A_55] : memref<5x20x128xf32, #tpu.memory_space<vmem>> -> memref<1x20x128xf32, #tpu.memory_space<vmem>>
    %dma_start3A_57 = tpu.memref_squeeze %dma_start3A_56 : memref<1x20x128xf32, #tpu.memory_space<vmem>> -> memref<20x128xf32, #tpu.memory_space<vmem>>
    %dma_start3A_58 = arith.constant 0 : i32
    %dma_start3A_59 = tpu.memref_slice %arg2[%arg0, %add3A_45, %dma_start3A_58] : memref<2x160000x128xf32, #tpu.memory_space<hbm>> -> memref<1x20x128xf32, #tpu.memory_space<hbm>>
    %dma_start3A_60 = tpu.memref_squeeze %dma_start3A_59 : memref<1x20x128xf32, #tpu.memory_space<hbm>> -> memref<20x128xf32, #tpu.memory_space<hbm>>
    tpu.enqueue_dma source(%dma_start3A_60 : memref<20x128xf32, #tpu.memory_space<hbm>>) target(%dma_start3A_57 : memref<20x128xf32, #tpu.memory_space<vmem>>) target_semaphore(%arg18 : memref<!tpu.dma_semaphore, #tpu.memory_space<semaphore_mem>>)
    %dma_start3A_61 = arith.constant 1 : i32
    %dma_start3A_62 = arith.constant 1 : i32
    %dma_start3A_63 = arith.constant 0 : i32
    %dma_start3A_64 = arith.constant 0 : i32
    %dma_start3A_65 = tpu.memref_slice %arg10[%dma_start3A_62, %dma_start3A_63, %dma_start3A_64] : memref<5x40x64xf32, #tpu.memory_space<vmem>> -> memref<1x40x64xf32, #tpu.memory_space<vmem>>
    %dma_start3A_66 = tpu.memref_squeeze %dma_start3A_65 : memref<1x40x64xf32, #tpu.memory_space<vmem>> -> memref<40x64xf32, #tpu.memory_space<vmem>>
    %dma_start3A_67 = arith.constant 0 : i32
    %dma_start3A_68 = tpu.memref_slice %arg8[%dma_start3A_61, %dma_start3A_67] : memref<500x40xi32, #tpu.memory_space<vmem>> -> memref<1x40xi32, #tpu.memory_space<vmem>>
    %dma_start3A_69 = tpu.memref_squeeze %dma_start3A_68 : memref<1x40xi32, #tpu.memory_space<vmem>> -> memref<40xi32, #tpu.memory_space<vmem>>
    %dma_start3A_70 = arith.constant 0 : i32
    %dma_start3A_71 = arith.constant 0 : i32
    %dma_start3A_72 = tpu.memref_slice %arg3[%dma_start3A_70, %dma_start3A_71] : memref<20000x64xf32, #tpu.memory_space<hbm>> -> memref<20000x64xf32, #tpu.memory_space<hbm>>
    tpu.enqueue_indirect_dma source(%dma_start3A_72 : memref<20000x64xf32, #tpu.memory_space<hbm>>) target(%dma_start3A_66 : memref<40x64xf32, #tpu.memory_space<vmem>>) offsets(%dma_start3A_69 : memref<40xi32, #tpu.memory_space<vmem>>) semaphore(%arg14 : memref<!tpu.dma_semaphore, #tpu.memory_space<semaphore_mem>>)
    %mul3A_73 = arith.constant 10000 : i32
    %mul3A_74 = arith.muli %arg1, %mul3A_73 : i32
    %add3A_75 = arith.constant 20 : i32
    %add3A_76 = arith.addi %mul3A_74, %add3A_75 : i32
    %dma_start3A_77 = arith.constant 1 : i32
    %dma_start3A_78 = arith.constant 0 : i32
    %dma_start3A_79 = arith.constant 0 : i32
    %dma_start3A_80 = tpu.memref_slice %arg11[%dma_start3A_77, %dma_start3A_78, %dma_start3A_79] : memref<5x20x128xf32, #tpu.memory_space<vmem>> -> memref<1x20x128xf32, #tpu.memory_space<vmem>>
    %dma_start3A_81 = tpu.memref_squeeze %dma_start3A_80 : memref<1x20x128xf32, #tpu.memory_space<vmem>> -> memref<20x128xf32, #tpu.memory_space<vmem>>
    %dma_start3A_82 = arith.constant 0 : i32
    %dma_start3A_83 = tpu.memref_slice %arg2[%arg0, %add3A_76, %dma_start3A_82] : memref<2x160000x128xf32, #tpu.memory_space<hbm>> -> memref<1x20x128xf32, #tpu.memory_space<hbm>>
    %dma_start3A_84 = tpu.memref_squeeze %dma_start3A_83 : memref<1x20x128xf32, #tpu.memory_space<hbm>> -> memref<20x128xf32, #tpu.memory_space<hbm>>
    %dma_start3A_85 = arith.constant 0 : i32
    %dma_start3A_86 = arith.constant 0 : i32
    %dma_start3A_87 = tpu.memref_slice %arg11[%dma_start3A_77, %dma_start3A_85, %dma_start3A_86] : memref<5x20x128xf32, #tpu.memory_space<vmem>> -> memref<1x20x128xf32, #tpu.memory_space<vmem>>
    %dma_start3A_88 = tpu.memref_squeeze %dma_start3A_87 : memref<1x20x128xf32, #tpu.memory_space<vmem>> -> memref<20x128xf32, #tpu.memory_space<vmem>>
    %dma_start3A_89 = arith.constant 0 : i32
    %dma_start3A_90 = tpu.memref_slice %arg2[%arg0, %add3A_76, %dma_start3A_89] : memref<2x160000x128xf32, #tpu.memory_space<hbm>> -> memref<1x20x128xf32, #tpu.memory_space<hbm>>
    %dma_start3A_91 = tpu.memref_squeeze %dma_start3A_90 : memref<1x20x128xf32, #tpu.memory_space<hbm>> -> memref<20x128xf32, #tpu.memory_space<hbm>>
    tpu.enqueue_dma source(%dma_start3A_91 : memref<20x128xf32, #tpu.memory_space<hbm>>) target(%dma_start3A_88 : memref<20x128xf32, #tpu.memory_space<vmem>>) target_semaphore(%arg19 : memref<!tpu.dma_semaphore, #tpu.memory_space<semaphore_mem>>)
    %barrier3A = arith.constant 0 : index
    tpu.barrier barrier_id(%barrier3A)
    %scan3A = arith.constant 0 : i32
    %scan3A_92 = arith.constant 0 : i32
    %scan3A_93 = arith.constant 100 : i32
    %scan3A_94 = arith.addi %scan3A_92, %scan3A_93 : i32
    %scan3A_95 = arith.constant 1 : i32
    %scan3A_96 = scf.for %scan3A_99 = %scan3A_92 to %scan3A_94 step %scan3A_95 iter_args(%scan3A_100 = %scan3A) -> (i32)  : i32 {
      %mul3A_101 = arith.constant 5 : i32
      %mul3A_102 = arith.muli %scan3A_99, %mul3A_101 : i32
      %add3A_103 = arith.constant 0 : i32
      %add3A_104 = arith.addi %mul3A_102, %add3A_103 : i32
      %lt3A = arith.constant 498 : i32
      %lt3A_105 = arith.cmpi slt, %add3A_104, %lt3A : i32
      %convert_element_type3A = arith.extui %lt3A_105 : i1 to i32
      %cond3A = arith.constant 0 : i32
      %cond3A_106 = arith.cmpi ne, %convert_element_type3A, %cond3A : i32
      scf.if %cond3A_106 {
        %ge3A_403 = arith.constant 3 : i32
        %ge3A_404 = arith.cmpi sge, %add3A_104, %ge3A_403 : i32
        %convert_element_type3A_405 = arith.extui %ge3A_404 : i1 to i32
        %cond3A_406 = arith.constant 0 : i32
        %cond3A_407 = arith.cmpi ne, %convert_element_type3A_405, %cond3A_406 : i32
        scf.if %cond3A_407 {
          %add3A_441 = arith.constant 2 : i32
          %add3A_442 = arith.addi %add3A_104, %add3A_441 : i32
          %sub3A = arith.constant 5 : i32
          %sub3A_443 = arith.subi %add3A_442, %sub3A : i32
          %dma_wait3A_444 = arith.constant 2 : i32
          %dma_wait3A_445 = arith.constant 0 : i32
          %dma_wait3A_446 = arith.constant 0 : i32
          %dma_wait3A_447 = tpu.memref_slice %arg10[%dma_wait3A_444, %dma_wait3A_445, %dma_wait3A_446] : memref<5x40x64xf32, #tpu.memory_space<vmem>> -> memref<1x40x64xf32, #tpu.memory_space<vmem>>
          %dma_wait3A_448 = tpu.memref_squeeze %dma_wait3A_447 : memref<1x40x64xf32, #tpu.memory_space<vmem>> -> memref<40x64xf32, #tpu.memory_space<vmem>>
          %dma_wait3A_449 = arith.constant 0 : i32
          %dma_wait3A_450 = tpu.memref_slice %arg9[%sub3A_443, %dma_wait3A_449] : memref<500x40xi32, #tpu.memory_space<vmem>> -> memref<1x40xi32, #tpu.memory_space<vmem>>
          %dma_wait3A_451 = tpu.memref_squeeze %dma_wait3A_450 : memref<1x40xi32, #tpu.memory_space<vmem>> -> memref<40xi32, #tpu.memory_space<vmem>>
          %dma_wait3A_452 = arith.constant 0 : i32
          %dma_wait3A_453 = arith.constant 0 : i32
          %dma_wait3A_454 = tpu.memref_slice %arg12[%dma_wait3A_452, %dma_wait3A_453] : memref<10112x64xf32, #tpu.memory_space<vmem_shared>> -> memref<10112x64xf32, #tpu.memory_space<vmem_shared>>
          tpu.wait_indirect_dma semaphore(%arg25 : memref<!tpu.dma_semaphore, #tpu.memory_space<semaphore_mem>>) src(%dma_wait3A_448 : memref<40x64xf32, #tpu.memory_space<vmem>>) dst(%dma_wait3A_454 : memref<10112x64xf32, #tpu.memory_space<vmem_shared>>)
        } else {
        }
        %add3A_408 = arith.constant 2 : i32
        %add3A_409 = arith.addi %add3A_104, %add3A_408 : i32
        %dma_start3A_410 = arith.constant 2 : i32
        %dma_start3A_411 = arith.constant 0 : i32
        %dma_start3A_412 = arith.constant 0 : i32
        %dma_start3A_413 = tpu.memref_slice %arg10[%dma_start3A_410, %dma_start3A_411, %dma_start3A_412] : memref<5x40x64xf32, #tpu.memory_space<vmem>> -> memref<1x40x64xf32, #tpu.memory_space<vmem>>
        %dma_start3A_414 = tpu.memref_squeeze %dma_start3A_413 : memref<1x40x64xf32, #tpu.memory_space<vmem>> -> memref<40x64xf32, #tpu.memory_space<vmem>>
        %dma_start3A_415 = arith.constant 0 : i32
        %dma_start3A_416 = tpu.memref_slice %arg8[%add3A_409, %dma_start3A_415] : memref<500x40xi32, #tpu.memory_space<vmem>> -> memref<1x40xi32, #tpu.memory_space<vmem>>
        %dma_start3A_417 = tpu.memref_squeeze %dma_start3A_416 : memref<1x40xi32, #tpu.memory_space<vmem>> -> memref<40xi32, #tpu.memory_space<vmem>>
        %dma_start3A_418 = arith.constant 0 : i32
        %dma_start3A_419 = arith.constant 0 : i32
        %dma_start3A_420 = tpu.memref_slice %arg3[%dma_start3A_418, %dma_start3A_419] : memref<20000x64xf32, #tpu.memory_space<hbm>> -> memref<20000x64xf32, #tpu.memory_space<hbm>>
        tpu.enqueue_indirect_dma source(%dma_start3A_420 : memref<20000x64xf32, #tpu.memory_space<hbm>>) target(%dma_start3A_414 : memref<40x64xf32, #tpu.memory_space<vmem>>) offsets(%dma_start3A_417 : memref<40xi32, #tpu.memory_space<vmem>>) semaphore(%arg15 : memref<!tpu.dma_semaphore, #tpu.memory_space<semaphore_mem>>)
        %mul3A_421 = arith.constant 10000 : i32
        %mul3A_422 = arith.muli %arg1, %mul3A_421 : i32
        %mul3A_423 = arith.constant 20 : i32
        %mul3A_424 = arith.muli %add3A_409, %mul3A_423 : i32
        %add3A_425 = arith.addi %mul3A_422, %mul3A_424 : i32
        %dma_start3A_426 = arith.constant 2 : i32
        %dma_start3A_427 = arith.constant 0 : i32
        %dma_start3A_428 = arith.constant 0 : i32
        %dma_start3A_429 = tpu.memref_slice %arg11[%dma_start3A_426, %dma_start3A_427, %dma_start3A_428] : memref<5x20x128xf32, #tpu.memory_space<vmem>> -> memref<1x20x128xf32, #tpu.memory_space<vmem>>
        %dma_start3A_430 = tpu.memref_squeeze %dma_start3A_429 : memref<1x20x128xf32, #tpu.memory_space<vmem>> -> memref<20x128xf32, #tpu.memory_space<vmem>>
        %dma_start3A_431 = arith.constant 0 : i32
        %dma_start3A_432 = tpu.memref_slice %arg2[%arg0, %add3A_425, %dma_start3A_431] : memref<2x160000x128xf32, #tpu.memory_space<hbm>> -> memref<1x20x128xf32, #tpu.memory_space<hbm>>
        %dma_start3A_433 = tpu.memref_squeeze %dma_start3A_432 : memref<1x20x128xf32, #tpu.memory_space<hbm>> -> memref<20x128xf32, #tpu.memory_space<hbm>>
        %dma_start3A_434 = arith.constant 0 : i32
        %dma_start3A_435 = arith.constant 0 : i32
        %dma_start3A_436 = tpu.memref_slice %arg11[%dma_start3A_426, %dma_start3A_434, %dma_start3A_435] : memref<5x20x128xf32, #tpu.memory_space<vmem>> -> memref<1x20x128xf32, #tpu.memory_space<vmem>>
        %dma_start3A_437 = tpu.memref_squeeze %dma_start3A_436 : memref<1x20x128xf32, #tpu.memory_space<vmem>> -> memref<20x128xf32, #tpu.memory_space<vmem>>
        %dma_start3A_438 = arith.constant 0 : i32
        %dma_start3A_439 = tpu.memref_slice %arg2[%arg0, %add3A_425, %dma_start3A_438] : memref<2x160000x128xf32, #tpu.memory_space<hbm>> -> memref<1x20x128xf32, #tpu.memory_space<hbm>>
        %dma_start3A_440 = tpu.memref_squeeze %dma_start3A_439 : memref<1x20x128xf32, #tpu.memory_space<hbm>> -> memref<20x128xf32, #tpu.memory_space<hbm>>
        tpu.enqueue_dma source(%dma_start3A_440 : memref<20x128xf32, #tpu.memory_space<hbm>>) target(%dma_start3A_437 : memref<20x128xf32, #tpu.memory_space<vmem>>) target_semaphore(%arg20 : memref<!tpu.dma_semaphore, #tpu.memory_space<semaphore_mem>>)
      } else {
      }
      %dma_wait3A_107 = arith.constant 0 : i32
      %dma_wait3A_108 = arith.constant 0 : i32
      %dma_wait3A_109 = arith.constant 0 : i32
      %dma_wait3A_110 = tpu.memref_slice %arg10[%dma_wait3A_107, %dma_wait3A_108, %dma_wait3A_109] : memref<5x40x64xf32, #tpu.memory_space<vmem>> -> memref<1x40x64xf32, #tpu.memory_space<vmem>>
      %dma_wait3A_111 = tpu.memref_squeeze %dma_wait3A_110 : memref<1x40x64xf32, #tpu.memory_space<vmem>> -> memref<40x64xf32, #tpu.memory_space<vmem>>
      %dma_wait3A_112 = arith.constant 0 : i32
      %dma_wait3A_113 = tpu.memref_slice %arg8[%add3A_104, %dma_wait3A_112] : memref<500x40xi32, #tpu.memory_space<vmem>> -> memref<1x40xi32, #tpu.memory_space<vmem>>
      %dma_wait3A_114 = tpu.memref_squeeze %dma_wait3A_113 : memref<1x40xi32, #tpu.memory_space<vmem>> -> memref<40xi32, #tpu.memory_space<vmem>>
      %dma_wait3A_115 = arith.constant 0 : i32
      %dma_wait3A_116 = arith.constant 0 : i32
      %dma_wait3A_117 = tpu.memref_slice %arg3[%dma_wait3A_115, %dma_wait3A_116] : memref<20000x64xf32, #tpu.memory_space<hbm>> -> memref<20000x64xf32, #tpu.memory_space<hbm>>
      tpu.wait_indirect_dma semaphore(%arg13 : memref<!tpu.dma_semaphore, #tpu.memory_space<semaphore_mem>>) src(%dma_wait3A_117 : memref<20000x64xf32, #tpu.memory_space<hbm>>) dst(%dma_wait3A_111 : memref<40x64xf32, #tpu.memory_space<vmem>>)
      %mul3A_118 = arith.constant 10000 : i32
      %mul3A_119 = arith.muli %arg1, %mul3A_118 : i32
      %mul3A_120 = arith.constant 20 : i32
      %mul3A_121 = arith.muli %add3A_104, %mul3A_120 : i32
      %add3A_122 = arith.addi %mul3A_119, %mul3A_121 : i32
      %dma_wait3A_123 = arith.constant 0 : i32
      %dma_wait3A_124 = arith.constant 0 : i32
      %dma_wait3A_125 = arith.constant 0 : i32
      %dma_wait3A_126 = tpu.memref_slice %arg11[%dma_wait3A_123, %dma_wait3A_124, %dma_wait3A_125] : memref<5x20x128xf32, #tpu.memory_space<vmem>> -> memref<1x20x128xf32, #tpu.memory_space<vmem>>
      %dma_wait3A_127 = tpu.memref_squeeze %dma_wait3A_126 : memref<1x20x128xf32, #tpu.memory_space<vmem>> -> memref<20x128xf32, #tpu.memory_space<vmem>>
      %dma_wait3A_128 = arith.constant 0 : i32
      %dma_wait3A_129 = tpu.memref_slice %arg2[%arg0, %add3A_122, %dma_wait3A_128] : memref<2x160000x128xf32, #tpu.memory_space<hbm>> -> memref<1x20x128xf32, #tpu.memory_space<hbm>>
      %dma_wait3A_130 = tpu.memref_squeeze %dma_wait3A_129 : memref<1x20x128xf32, #tpu.memory_space<hbm>> -> memref<20x128xf32, #tpu.memory_space<hbm>>
      %dma_wait3A_131 = arith.constant 0 : i32
      %dma_wait3A_132 = arith.constant 0 : i32
      %dma_wait3A_133 = tpu.memref_slice %arg11[%dma_wait3A_123, %dma_wait3A_131, %dma_wait3A_132] : memref<5x20x128xf32, #tpu.memory_space<vmem>> -> memref<1x20x128xf32, #tpu.memory_space<vmem>>
      %dma_wait3A_134 = tpu.memref_squeeze %dma_wait3A_133 : memref<1x20x128xf32, #tpu.memory_space<vmem>> -> memref<20x128xf32, #tpu.memory_space<vmem>>
      %dma_wait3A_135 = arith.constant 0 : i32
      %dma_wait3A_136 = tpu.memref_slice %arg2[%arg0, %add3A_122, %dma_wait3A_135] : memref<2x160000x128xf32, #tpu.memory_space<hbm>> -> memref<1x20x128xf32, #tpu.memory_space<hbm>>
      %dma_wait3A_137 = tpu.memref_squeeze %dma_wait3A_136 : memref<1x20x128xf32, #tpu.memory_space<hbm>> -> memref<20x128xf32, #tpu.memory_space<hbm>>
      tpu.wait_dma2 semaphore(%arg18 : memref<!tpu.dma_semaphore, #tpu.memory_space<semaphore_mem>>) src(%dma_wait3A_137 : memref<20x128xf32, #tpu.memory_space<hbm>>) dst(%dma_wait3A_134 : memref<20x128xf32, #tpu.memory_space<vmem>>)
      %scan3A_138 = arith.constant 0 : i32
      %scan3A_139 = arith.constant 0 : i32
      %scan3A_140 = arith.constant 0 : i32
      %scan3A_141 = arith.constant 0 : i32
      %scan3A_142 = arith.constant 20 : i32
      %scan3A_143 = arith.addi %scan3A_141, %scan3A_142 : i32
      %scan3A_144 = arith.constant 1 : i32
      %scan3A_145 = scf.for %scan3A_403 = %scan3A_141 to %scan3A_143 step %scan3A_144 iter_args(%scan3A_404 = %scan3A_140) -> (i32)  : i32 {
        %mul3A_405 = arith.constant 2 : i32
        %mul3A_406 = arith.muli %mul3A_405, %scan3A_403 : i32
        %get3A = arith.constant 0 : i32
        %get3A_407 = arith.constant 0 : i32
        %get3A_408 = tpu.memref_slice %arg10[%scan3A_138, %get3A, %get3A_407] : memref<5x40x64xf32, #tpu.memory_space<vmem>> -> memref<1x40x64xf32, #tpu.memory_space<vmem>>
        %get3A_409 = tpu.memref_squeeze %get3A_408 : memref<1x40x64xf32, #tpu.memory_space<vmem>> -> memref<40x64xf32, #tpu.memory_space<vmem>>
        %get3A_410 = arith.index_cast %mul3A_406 : i32 to index
        %get3A_411 = arith.constant 0 : index
        %get3A_412 = tpu.vector_load %get3A_409[%get3A_410, %get3A_411] {strides = array<i32>} : memref<40x64xf32, #tpu.memory_space<vmem>>, vector<1x16xf32>,
        %get3A_413 = vector.shape_cast %get3A_412 : vector<1x16xf32> to vector<16xf32>
        %get3A_414 = arith.constant 0 : i32
        %get3A_415 = arith.constant 0 : i32
        %get3A_416 = tpu.memref_slice %arg11[%scan3A_139, %get3A_414, %get3A_415] : memref<5x20x128xf32, #tpu.memory_space<vmem>> -> memref<1x20x128xf32, #tpu.memory_space<vmem>>
        %get3A_417 = tpu.memref_squeeze %get3A_416 : memref<1x20x128xf32, #tpu.memory_space<vmem>> -> memref<20x128xf32, #tpu.memory_space<vmem>>
        %get3A_418 = arith.index_cast %scan3A_403 : i32 to index
        %get3A_419 = arith.constant 0 : index
        %get3A_420 = tpu.vector_load %get3A_417[%get3A_418, %get3A_419] {strides = array<i32>} : memref<20x128xf32, #tpu.memory_space<vmem>>, vector<1x16xf32>,
        %get3A_421 = vector.shape_cast %get3A_420 : vector<1x16xf32> to vector<16xf32>
        %mul3A_422 = arith.mulf %get3A_413, %get3A_421 : vector<16xf32>
        %swap3A = arith.constant 0 : i32
        %swap3A_423 = arith.constant 0 : i32
        %swap3A_424 = tpu.memref_slice %arg10[%scan3A_138, %swap3A, %swap3A_423] : memref<5x40x64xf32, #tpu.memory_space<vmem>> -> memref<1x40x64xf32, #tpu.memory_space<vmem>>
        %swap3A_425 = tpu.memref_squeeze %swap3A_424 : memref<1x40x64xf32, #tpu.memory_space<vmem>> -> memref<40x64xf32, #tpu.memory_space<vmem>>
        %swap3A_426 = arith.index_cast %mul3A_406 : i32 to index
        %swap3A_427 = arith.constant 0 : index
        %swap3A_428 = tpu.vector_load %swap3A_425[%swap3A_426, %swap3A_427] {strides = array<i32>} : memref<40x64xf32, #tpu.memory_space<vmem>>, vector<1x16xf32>,
        %swap3A_429 = vector.shape_cast %swap3A_428 : vector<1x16xf32> to vector<16xf32>
        %swap3A_430 = vector.shape_cast %mul3A_422 : vector<16xf32> to vector<1x16xf32>
        tpu.vector_store %swap3A_425[%swap3A_426, %swap3A_427], %swap3A_430 {strides = array<i32>} : memref<40x64xf32, #tpu.memory_space<vmem>>, vector<1x16xf32>,
        %add3A_431 = arith.constant 1 : i32
        %add3A_432 = arith.addi %mul3A_406, %add3A_431 : i32
        %get3A_433 = arith.constant 0 : i32
        %get3A_434 = arith.constant 0 : i32
        %get3A_435 = tpu.memref_slice %arg10[%scan3A_138, %get3A_433, %get3A_434] : memref<5x40x64xf32, #tpu.memory_space<vmem>> -> memref<1x40x64xf32, #tpu.memory_space<vmem>>
        %get3A_436 = tpu.memref_squeeze %get3A_435 : memref<1x40x64xf32, #tpu.memory_space<vmem>> -> memref<40x64xf32, #tpu.memory_space<vmem>>
        %get3A_437 = arith.index_cast %add3A_432 : i32 to index
        %get3A_438 = arith.constant 0 : index
        %get3A_439 = tpu.vector_load %get3A_436[%get3A_437, %get3A_438] {strides = array<i32>} : memref<40x64xf32, #tpu.memory_space<vmem>>, vector<1x16xf32>,
        %get3A_440 = vector.shape_cast %get3A_439 : vector<1x16xf32> to vector<16xf32>
        %get3A_441 = arith.constant 0 : i32
        %get3A_442 = arith.constant 0 : i32
        %get3A_443 = tpu.memref_slice %arg11[%scan3A_139, %get3A_441, %get3A_442] : memref<5x20x128xf32, #tpu.memory_space<vmem>> -> memref<1x20x128xf32, #tpu.memory_space<vmem>>
        %get3A_444 = tpu.memref_squeeze %get3A_443 : memref<1x20x128xf32, #tpu.memory_space<vmem>> -> memref<20x128xf32, #tpu.memory_space<vmem>>
        %get3A_445 = arith.index_cast %scan3A_403 : i32 to index
        %get3A_446 = arith.constant 64 : index
        %get3A_447 = tpu.vector_load %get3A_444[%get3A_445, %get3A_446] {strides = array<i32>} : memref<20x128xf32, #tpu.memory_space<vmem>>, vector<1x16xf32>,
        %get3A_448 = vector.shape_cast %get3A_447 : vector<1x16xf32> to vector<16xf32>
        %mul3A_449 = arith.mulf %get3A_440, %get3A_448 : vector<16xf32>
        %add3A_450 = arith.constant 1 : i32
        %add3A_451 = arith.addi %mul3A_406, %add3A_450 : i32
        %swap3A_452 = arith.constant 0 : i32
        %swap3A_453 = arith.constant 0 : i32
        %swap3A_454 = tpu.memref_slice %arg10[%scan3A_138, %swap3A_452, %swap3A_453] : memref<5x40x64xf32, #tpu.memory_space<vmem>> -> memref<1x40x64xf32, #tpu.memory_space<vmem>>
        %swap3A_455 = tpu.memref_squeeze %swap3A_454 : memref<1x40x64xf32, #tpu.memory_space<vmem>> -> memref<40x64xf32, #tpu.memory_space<vmem>>
        %swap3A_456 = arith.index_cast %add3A_451 : i32 to index
        %swap3A_457 = arith.constant 0 : index
        %swap3A_458 = tpu.vector_load %swap3A_455[%swap3A_456, %swap3A_457] {strides = array<i32>} : memref<40x64xf32, #tpu.memory_space<vmem>>, vector<1x16xf32>,
        %swap3A_459 = vector.shape_cast %swap3A_458 : vector<1x16xf32> to vector<16xf32>
        %swap3A_460 = vector.shape_cast %mul3A_449 : vector<16xf32> to vector<1x16xf32>
        tpu.vector_store %swap3A_455[%swap3A_456, %swap3A_457], %swap3A_460 {strides = array<i32>} : memref<40x64xf32, #tpu.memory_space<vmem>>, vector<1x16xf32>,
        %get3A_461 = arith.constant 0 : i32
        %get3A_462 = arith.constant 0 : i32
        %get3A_463 = tpu.memref_slice %arg10[%scan3A_138, %get3A_461, %get3A_462] : memref<5x40x64xf32, #tpu.memory_space<vmem>> -> memref<1x40x64xf32, #tpu.memory_space<vmem>>
        %get3A_464 = tpu.memref_squeeze %get3A_463 : memref<1x40x64xf32, #tpu.memory_space<vmem>> -> memref<40x64xf32, #tpu.memory_space<vmem>>
        %get3A_465 = arith.index_cast %mul3A_406 : i32 to index
        %get3A_466 = arith.constant 16 : index
        %get3A_467 = tpu.vector_load %get3A_464[%get3A_465, %get3A_466] {strides = array<i32>} : memref<40x64xf32, #tpu.memory_space<vmem>>, vector<1x16xf32>,
        %get3A_468 = vector.shape_cast %get3A_467 : vector<1x16xf32> to vector<16xf32>
        %get3A_469 = arith.constant 0 : i32
        %get3A_470 = arith.constant 0 : i32
        %get3A_471 = tpu.memref_slice %arg11[%scan3A_139, %get3A_469, %get3A_470] : memref<5x20x128xf32, #tpu.memory_space<vmem>> -> memref<1x20x128xf32, #tpu.memory_space<vmem>>
        %get3A_472 = tpu.memref_squeeze %get3A_471 : memref<1x20x128xf32, #tpu.memory_space<vmem>> -> memref<20x128xf32, #tpu.memory_space<vmem>>
        %get3A_473 = arith.index_cast %scan3A_403 : i32 to index
        %get3A_474 = arith.constant 16 : index
        %get3A_475 = tpu.vector_load %get3A_472[%get3A_473, %get3A_474] {strides = array<i32>} : memref<20x128xf32, #tpu.memory_space<vmem>>, vector<1x16xf32>,
        %get3A_476 = vector.shape_cast %get3A_475 : vector<1x16xf32> to vector<16xf32>
        %mul3A_477 = arith.mulf %get3A_468, %get3A_476 : vector<16xf32>
        %swap3A_478 = arith.constant 0 : i32
        %swap3A_479 = arith.constant 0 : i32
        %swap3A_480 = tpu.memref_slice %arg10[%scan3A_138, %swap3A_478, %swap3A_479] : memref<5x40x64xf32, #tpu.memory_space<vmem>> -> memref<1x40x64xf32, #tpu.memory_space<vmem>>
        %swap3A_481 = tpu.memref_squeeze %swap3A_480 : memref<1x40x64xf32, #tpu.memory_space<vmem>> -> memref<40x64xf32, #tpu.memory_space<vmem>>
        %swap3A_482 = arith.index_cast %mul3A_406 : i32 to index
        %swap3A_483 = arith.constant 16 : index
        %swap3A_484 = tpu.vector_load %swap3A_481[%swap3A_482, %swap3A_483] {strides = array<i32>} : memref<40x64xf32, #tpu.memory_space<vmem>>, vector<1x16xf32>,
        %swap3A_485 = vector.shape_cast %swap3A_484 : vector<1x16xf32> to vector<16xf32>
        %swap3A_486 = vector.shape_cast %mul3A_477 : vector<16xf32> to vector<1x16xf32>
        tpu.vector_store %swap3A_481[%swap3A_482, %swap3A_483], %swap3A_486 {strides = array<i32>} : memref<40x64xf32, #tpu.memory_space<vmem>>, vector<1x16xf32>,
        %add3A_487 = arith.constant 1 : i32
        %add3A_488 = arith.addi %mul3A_406, %add3A_487 : i32
        %get3A_489 = arith.constant 0 : i32
        %get3A_490 = arith.constant 0 : i32
        %get3A_491 = tpu.memref_slice %arg10[%scan3A_138, %get3A_489, %get3A_490] : memref<5x40x64xf32, #tpu.memory_space<vmem>> -> memref<1x40x64xf32, #tpu.memory_space<vmem>>
        %get3A_492 = tpu.memref_squeeze %get3A_491 : memref<1x40x64xf32, #tpu.memory_space<vmem>> -> memref<40x64xf32, #tpu.memory_space<vmem>>
        %get3A_493 = arith.index_cast %add3A_488 : i32 to index
        %get3A_494 = arith.constant 16 : index
        %get3A_495 = tpu.vector_load %get3A_492[%get3A_493, %get3A_494] {strides = array<i32>} : memref<40x64xf32, #tpu.memory_space<vmem>>, vector<1x16xf32>,
        %get3A_496 = vector.shape_cast %get3A_495 : vector<1x16xf32> to vector<16xf32>
        %get3A_497 = arith.constant 0 : i32
        %get3A_498 = arith.constant 0 : i32
        %get3A_499 = tpu.memref_slice %arg11[%scan3A_139, %get3A_497, %get3A_498] : memref<5x20x128xf32, #tpu.memory_space<vmem>> -> memref<1x20x128xf32, #tpu.memory_space<vmem>>
        %get3A_500 = tpu.memref_squeeze %get3A_499 : memref<1x20x128xf32, #tpu.memory_space<vmem>> -> memref<20x128xf32, #tpu.memory_space<vmem>>
        %get3A_501 = arith.index_cast %scan3A_403 : i32 to index
        %get3A_502 = arith.constant 80 : index
        %get3A_503 = tpu.vector_load %get3A_500[%get3A_501, %get3A_502] {strides = array<i32>} : memref<20x128xf32, #tpu.memory_space<vmem>>, vector<1x16xf32>,
        %get3A_504 = vector.shape_cast %get3A_503 : vector<1x16xf32> to vector<16xf32>
        %mul3A_505 = arith.mulf %get3A_496, %get3A_504 : vector<16xf32>
        %add3A_506 = arith.constant 1 : i32
        %add3A_507 = arith.addi %mul3A_406, %add3A_506 : i32
        %swap3A_508 = arith.constant 0 : i32
        %swap3A_509 = arith.constant 0 : i32
        %swap3A_510 = tpu.memref_slice %arg10[%scan3A_138, %swap3A_508, %swap3A_509] : memref<5x40x64xf32, #tpu.memory_space<vmem>> -> memref<1x40x64xf32, #tpu.memory_space<vmem>>
        %swap3A_511 = tpu.memref_squeeze %swap3A_510 : memref<1x40x64xf32, #tpu.memory_space<vmem>> -> memref<40x64xf32, #tpu.memory_space<vmem>>
        %swap3A_512 = arith.index_cast %add3A_507 : i32 to index
        %swap3A_513 = arith.constant 16 : index
        %swap3A_514 = tpu.vector_load %swap3A_511[%swap3A_512, %swap3A_513] {strides = array<i32>} : memref<40x64xf32, #tpu.memory_space<vmem>>, vector<1x16xf32>,
        %swap3A_515 = vector.shape_cast %swap3A_514 : vector<1x16xf32> to vector<16xf32>
        %swap3A_516 = vector.shape_cast %mul3A_505 : vector<16xf32> to vector<1x16xf32>
        tpu.vector_store %swap3A_511[%swap3A_512, %swap3A_513], %swap3A_516 {strides = array<i32>} : memref<40x64xf32, #tpu.memory_space<vmem>>, vector<1x16xf32>,
        %get3A_517 = arith.constant 0 : i32
        %get3A_518 = arith.constant 0 : i32
        %get3A_519 = tpu.memref_slice %arg10[%scan3A_138, %get3A_517, %get3A_518] : memref<5x40x64xf32, #tpu.memory_space<vmem>> -> memref<1x40x64xf32, #tpu.memory_space<vmem>>
        %get3A_520 = tpu.memref_squeeze %get3A_519 : memref<1x40x64xf32, #tpu.memory_space<vmem>> -> memref<40x64xf32, #tpu.memory_space<vmem>>
        %get3A_521 = arith.index_cast %mul3A_406 : i32 to index
        %get3A_522 = arith.constant 32 : index
        %get3A_523 = tpu.vector_load %get3A_520[%get3A_521, %get3A_522] {strides = array<i32>} : memref<40x64xf32, #tpu.memory_space<vmem>>, vector<1x16xf32>,
        %get3A_524 = vector.shape_cast %get3A_523 : vector<1x16xf32> to vector<16xf32>
        %get3A_525 = arith.constant 0 : i32
        %get3A_526 = arith.constant 0 : i32
        %get3A_527 = tpu.memref_slice %arg11[%scan3A_139, %get3A_525, %get3A_526] : memref<5x20x128xf32, #tpu.memory_space<vmem>> -> memref<1x20x128xf32, #tpu.memory_space<vmem>>
        %get3A_528 = tpu.memref_squeeze %get3A_527 : memref<1x20x128xf32, #tpu.memory_space<vmem>> -> memref<20x128xf32, #tpu.memory_space<vmem>>
        %get3A_529 = arith.index_cast %scan3A_403 : i32 to index
        %get3A_530 = arith.constant 32 : index
        %get3A_531 = tpu.vector_load %get3A_528[%get3A_529, %get3A_530] {strides = array<i32>} : memref<20x128xf32, #tpu.memory_space<vmem>>, vector<1x16xf32>,
        %get3A_532 = vector.shape_cast %get3A_531 : vector<1x16xf32> to vector<16xf32>
        %mul3A_533 = arith.mulf %get3A_524, %get3A_532 : vector<16xf32>
        %swap3A_534 = arith.constant 0 : i32
        %swap3A_535 = arith.constant 0 : i32
        %swap3A_536 = tpu.memref_slice %arg10[%scan3A_138, %swap3A_534, %swap3A_535] : memref<5x40x64xf32, #tpu.memory_space<vmem>> -> memref<1x40x64xf32, #tpu.memory_space<vmem>>
        %swap3A_537 = tpu.memref_squeeze %swap3A_536 : memref<1x40x64xf32, #tpu.memory_space<vmem>> -> memref<40x64xf32, #tpu.memory_space<vmem>>
        %swap3A_538 = arith.index_cast %mul3A_406 : i32 to index
        %swap3A_539 = arith.constant 32 : index
        %swap3A_540 = tpu.vector_load %swap3A_537[%swap3A_538, %swap3A_539] {strides = array<i32>} : memref<40x64xf32, #tpu.memory_space<vmem>>, vector<1x16xf32>,
        %swap3A_541 = vector.shape_cast %swap3A_540 : vector<1x16xf32> to vector<16xf32>
        %swap3A_542 = vector.shape_cast %mul3A_533 : vector<16xf32> to vector<1x16xf32>
        tpu.vector_store %swap3A_537[%swap3A_538, %swap3A_539], %swap3A_542 {strides = array<i32>} : memref<40x64xf32, #tpu.memory_space<vmem>>, vector<1x16xf32>,
        %add3A_543 = arith.constant 1 : i32
        %add3A_544 = arith.addi %mul3A_406, %add3A_543 : i32
        %get3A_545 = arith.constant 0 : i32
        %get3A_546 = arith.constant 0 : i32
        %get3A_547 = tpu.memref_slice %arg10[%scan3A_138, %get3A_545, %get3A_546] : memref<5x40x64xf32, #tpu.memory_space<vmem>> -> memref<1x40x64xf32, #tpu.memory_space<vmem>>
        %get3A_548 = tpu.memref_squeeze %get3A_547 : memref<1x40x64xf32, #tpu.memory_space<vmem>> -> memref<40x64xf32, #tpu.memory_space<vmem>>
        %get3A_549 = arith.index_cast %add3A_544 : i32 to index
        %get3A_550 = arith.constant 32 : index
        %get3A_551 = tpu.vector_load %get3A_548[%get3A_549, %get3A_550] {strides = array<i32>} : memref<40x64xf32, #tpu.memory_space<vmem>>, vector<1x16xf32>,
        %get3A_552 = vector.shape_cast %get3A_551 : vector<1x16xf32> to vector<16xf32>
        %get3A_553 = arith.constant 0 : i32
        %get3A_554 = arith.constant 0 : i32
        %get3A_555 = tpu.memref_slice %arg11[%scan3A_139, %get3A_553, %get3A_554] : memref<5x20x128xf32, #tpu.memory_space<vmem>> -> memref<1x20x128xf32, #tpu.memory_space<vmem>>
        %get3A_556 = tpu.memref_squeeze %get3A_555 : memref<1x20x128xf32, #tpu.memory_space<vmem>> -> memref<20x128xf32, #tpu.memory_space<vmem>>
        %get3A_557 = arith.index_cast %scan3A_403 : i32 to index
        %get3A_558 = arith.constant 96 : index
        %get3A_559 = tpu.vector_load %get3A_556[%get3A_557, %get3A_558] {strides = array<i32>} : memref<20x128xf32, #tpu.memory_space<vmem>>, vector<1x16xf32>,
        %get3A_560 = vector.shape_cast %get3A_559 : vector<1x16xf32> to vector<16xf32>
        %mul3A_561 = arith.mulf %get3A_552, %get3A_560 : vector<16xf32>
        %add3A_562 = arith.constant 1 : i32
        %add3A_563 = arith.addi %mul3A_406, %add3A_562 : i32
        %swap3A_564 = arith.constant 0 : i32
        %swap3A_565 = arith.constant 0 : i32
        %swap3A_566 = tpu.memref_slice %arg10[%scan3A_138, %swap3A_564, %swap3A_565] : memref<5x40x64xf32, #tpu.memory_space<vmem>> -> memref<1x40x64xf32, #tpu.memory_space<vmem>>
        %swap3A_567 = tpu.memref_squeeze %swap3A_566 : memref<1x40x64xf32, #tpu.memory_space<vmem>> -> memref<40x64xf32, #tpu.memory_space<vmem>>
        %swap3A_568 = arith.index_cast %add3A_563 : i32 to index
        %swap3A_569 = arith.constant 32 : index
        %swap3A_570 = tpu.vector_load %swap3A_567[%swap3A_568, %swap3A_569] {strides = array<i32>} : memref<40x64xf32, #tpu.memory_space<vmem>>, vector<1x16xf32>,
        %swap3A_571 = vector.shape_cast %swap3A_570 : vector<1x16xf32> to vector<16xf32>
        %swap3A_572 = vector.shape_cast %mul3A_561 : vector<16xf32> to vector<1x16xf32>
        tpu.vector_store %swap3A_567[%swap3A_568, %swap3A_569], %swap3A_572 {strides = array<i32>} : memref<40x64xf32, #tpu.memory_space<vmem>>, vector<1x16xf32>,
        %get3A_573 = arith.constant 0 : i32
        %get3A_574 = arith.constant 0 : i32
        %get3A_575 = tpu.memref_slice %arg10[%scan3A_138, %get3A_573, %get3A_574] : memref<5x40x64xf32, #tpu.memory_space<vmem>> -> memref<1x40x64xf32, #tpu.memory_space<vmem>>
        %get3A_576 = tpu.memref_squeeze %get3A_575 : memref<1x40x64xf32, #tpu.memory_space<vmem>> -> memref<40x64xf32, #tpu.memory_space<vmem>>
        %get3A_577 = arith.index_cast %mul3A_406 : i32 to index
        %get3A_578 = arith.constant 48 : index
        %get3A_579 = tpu.vector_load %get3A_576[%get3A_577, %get3A_578] {strides = array<i32>} : memref<40x64xf32, #tpu.memory_space<vmem>>, vector<1x16xf32>,
        %get3A_580 = vector.shape_cast %get3A_579 : vector<1x16xf32> to vector<16xf32>
        %get3A_581 = arith.constant 0 : i32
        %get3A_582 = arith.constant 0 : i32
        %get3A_583 = tpu.memref_slice %arg11[%scan3A_139, %get3A_581, %get3A_582] : memref<5x20x128xf32, #tpu.memory_space<vmem>> -> memref<1x20x128xf32, #tpu.memory_space<vmem>>
        %get3A_584 = tpu.memref_squeeze %get3A_583 : memref<1x20x128xf32, #tpu.memory_space<vmem>> -> memref<20x128xf32, #tpu.memory_space<vmem>>
        %get3A_585 = arith.index_cast %scan3A_403 : i32 to index
        %get3A_586 = arith.constant 48 : index
        %get3A_587 = tpu.vector_load %get3A_584[%get3A_585, %get3A_586] {strides = array<i32>} : memref<20x128xf32, #tpu.memory_space<vmem>>, vector<1x16xf32>,
        %get3A_588 = vector.shape_cast %get3A_587 : vector<1x16xf32> to vector<16xf32>
        %mul3A_589 = arith.mulf %get3A_580, %get3A_588 : vector<16xf32>
        %swap3A_590 = arith.constant 0 : i32
        %swap3A_591 = arith.constant 0 : i32
        %swap3A_592 = tpu.memref_slice %arg10[%scan3A_138, %swap3A_590, %swap3A_591] : memref<5x40x64xf32, #tpu.memory_space<vmem>> -> memref<1x40x64xf32, #tpu.memory_space<vmem>>
        %swap3A_593 = tpu.memref_squeeze %swap3A_592 : memref<1x40x64xf32, #tpu.memory_space<vmem>> -> memref<40x64xf32, #tpu.memory_space<vmem>>
        %swap3A_594 = arith.index_cast %mul3A_406 : i32 to index
        %swap3A_595 = arith.constant 48 : index
        %swap3A_596 = tpu.vector_load %swap3A_593[%swap3A_594, %swap3A_595] {strides = array<i32>} : memref<40x64xf32, #tpu.memory_space<vmem>>, vector<1x16xf32>,
        %swap3A_597 = vector.shape_cast %swap3A_596 : vector<1x16xf32> to vector<16xf32>
        %swap3A_598 = vector.shape_cast %mul3A_589 : vector<16xf32> to vector<1x16xf32>
        tpu.vector_store %swap3A_593[%swap3A_594, %swap3A_595], %swap3A_598 {strides = array<i32>} : memref<40x64xf32, #tpu.memory_space<vmem>>, vector<1x16xf32>,
        %add3A_599 = arith.constant 1 : i32
        %add3A_600 = arith.addi %mul3A_406, %add3A_599 : i32
        %get3A_601 = arith.constant 0 : i32
        %get3A_602 = arith.constant 0 : i32
        %get3A_603 = tpu.memref_slice %arg10[%scan3A_138, %get3A_601, %get3A_602] : memref<5x40x64xf32, #tpu.memory_space<vmem>> -> memref<1x40x64xf32, #tpu.memory_space<vmem>>
        %get3A_604 = tpu.memref_squeeze %get3A_603 : memref<1x40x64xf32, #tpu.memory_space<vmem>> -> memref<40x64xf32, #tpu.memory_space<vmem>>
        %get3A_605 = arith.index_cast %add3A_600 : i32 to index
        %get3A_606 = arith.constant 48 : index
        %get3A_607 = tpu.vector_load %get3A_604[%get3A_605, %get3A_606] {strides = array<i32>} : memref<40x64xf32, #tpu.memory_space<vmem>>, vector<1x16xf32>,
        %get3A_608 = vector.shape_cast %get3A_607 : vector<1x16xf32> to vector<16xf32>
        %get3A_609 = arith.constant 0 : i32
        %get3A_610 = arith.constant 0 : i32
        %get3A_611 = tpu.memref_slice %arg11[%scan3A_139, %get3A_609, %get3A_610] : memref<5x20x128xf32, #tpu.memory_space<vmem>> -> memref<1x20x128xf32, #tpu.memory_space<vmem>>
        %get3A_612 = tpu.memref_squeeze %get3A_611 : memref<1x20x128xf32, #tpu.memory_space<vmem>> -> memref<20x128xf32, #tpu.memory_space<vmem>>
        %get3A_613 = arith.index_cast %scan3A_403 : i32 to index
        %get3A_614 = arith.constant 112 : index
        %get3A_615 = tpu.vector_load %get3A_612[%get3A_613, %get3A_614] {strides = array<i32>} : memref<20x128xf32, #tpu.memory_space<vmem>>, vector<1x16xf32>,
        %get3A_616 = vector.shape_cast %get3A_615 : vector<1x16xf32> to vector<16xf32>
        %mul3A_617 = arith.mulf %get3A_608, %get3A_616 : vector<16xf32>
        %add3A_618 = arith.constant 1 : i32
        %add3A_619 = arith.addi %mul3A_406, %add3A_618 : i32
        %swap3A_620 = arith.constant 0 : i32
        %swap3A_621 = arith.constant 0 : i32
        %swap3A_622 = tpu.memref_slice %arg10[%scan3A_138, %swap3A_620, %swap3A_621] : memref<5x40x64xf32, #tpu.memory_space<vmem>> -> memref<1x40x64xf32, #tpu.memory_space<vmem>>
        %swap3A_623 = tpu.memref_squeeze %swap3A_622 : memref<1x40x64xf32, #tpu.memory_space<vmem>> -> memref<40x64xf32, #tpu.memory_space<vmem>>
        %swap3A_624 = arith.index_cast %add3A_619 : i32 to index
        %swap3A_625 = arith.constant 48 : index
        %swap3A_626 = tpu.vector_load %swap3A_623[%swap3A_624, %swap3A_625] {strides = array<i32>} : memref<40x64xf32, #tpu.memory_space<vmem>>, vector<1x16xf32>,
        %swap3A_627 = vector.shape_cast %swap3A_626 : vector<1x16xf32> to vector<16xf32>
        %swap3A_628 = vector.shape_cast %mul3A_617 : vector<16xf32> to vector<1x16xf32>
        tpu.vector_store %swap3A_623[%swap3A_624, %swap3A_625], %swap3A_628 {strides = array<i32>} : memref<40x64xf32, #tpu.memory_space<vmem>>, vector<1x16xf32>,
        %scan3A_629 = arith.constant 0 : i32
        scf.yield %scan3A_629 : i32
      }
      %scan3A_146 = arith.constant 20 : i32
      %lt3A_147 = arith.constant 495 : i32
      %lt3A_148 = arith.cmpi slt, %add3A_104, %lt3A_147 : i32
      %convert_element_type3A_149 = arith.extui %lt3A_148 : i1 to i32
      %cond3A_150 = arith.constant 0 : i32
      %cond3A_151 = arith.constant 0 : i32
      %cond3A_152 = arith.cmpi ne, %convert_element_type3A_149, %cond3A_151 : i32
      scf.if %cond3A_152 {
        %dma_start3A_403 = arith.constant 0 : i32
        %dma_start3A_404 = arith.constant 0 : i32
        %dma_start3A_405 = tpu.memref_slice %arg10[%cond3A_150, %dma_start3A_403, %dma_start3A_404] : memref<5x40x64xf32, #tpu.memory_space<vmem>> -> memref<1x40x64xf32, #tpu.memory_space<vmem>>
        %dma_start3A_406 = tpu.memref_squeeze %dma_start3A_405 : memref<1x40x64xf32, #tpu.memory_space<vmem>> -> memref<40x64xf32, #tpu.memory_space<vmem>>
        %dma_start3A_407 = arith.constant 0 : i32
        %dma_start3A_408 = tpu.memref_slice %arg9[%add3A_104, %dma_start3A_407] : memref<500x40xi32, #tpu.memory_space<vmem>> -> memref<1x40xi32, #tpu.memory_space<vmem>>
        %dma_start3A_409 = tpu.memref_squeeze %dma_start3A_408 : memref<1x40xi32, #tpu.memory_space<vmem>> -> memref<40xi32, #tpu.memory_space<vmem>>
        %dma_start3A_410 = arith.constant 0 : i32
        %dma_start3A_411 = arith.constant 0 : i32
        %dma_start3A_412 = tpu.memref_slice %arg12[%dma_start3A_410, %dma_start3A_411] : memref<10112x64xf32, #tpu.memory_space<vmem_shared>> -> memref<10112x64xf32, #tpu.memory_space<vmem_shared>>
        tpu.enqueue_indirect_dma source(%dma_start3A_406 : memref<40x64xf32, #tpu.memory_space<vmem>>) target(%dma_start3A_412 : memref<10112x64xf32, #tpu.memory_space<vmem_shared>>) offsets(%dma_start3A_409 : memref<40xi32, #tpu.memory_space<vmem>>) semaphore(%arg23 : memref<!tpu.dma_semaphore, #tpu.memory_space<semaphore_mem>>) {add = true}
      } else {
      }
      %ge3A = arith.constant 495 : i32
      %ge3A_153 = arith.cmpi sge, %add3A_104, %ge3A : i32
      %convert_element_type3A_154 = arith.extui %ge3A_153 : i1 to i32
      %cond3A_155 = arith.constant 0 : i32
      %cond3A_156 = arith.constant 0 : i32
      %cond3A_157 = arith.cmpi ne, %convert_element_type3A_154, %cond3A_156 : i32
      scf.if %cond3A_157 {
        "tpu.region"() ({
          %run_scoped3A = tpu.sem_alloc : memref<!tpu.dma_semaphore, #tpu.memory_space<semaphore_mem>>
          %dma_start3A_403 = arith.constant 0 : i32
          %dma_start3A_404 = arith.constant 0 : i32
          %dma_start3A_405 = tpu.memref_slice %arg10[%cond3A_155, %dma_start3A_403, %dma_start3A_404] : memref<5x40x64xf32, #tpu.memory_space<vmem>> -> memref<1x40x64xf32, #tpu.memory_space<vmem>>
          %dma_start3A_406 = tpu.memref_squeeze %dma_start3A_405 : memref<1x40x64xf32, #tpu.memory_space<vmem>> -> memref<40x64xf32, #tpu.memory_space<vmem>>
          %dma_start3A_407 = arith.constant 0 : i32
          %dma_start3A_408 = tpu.memref_slice %arg9[%add3A_104, %dma_start3A_407] : memref<500x40xi32, #tpu.memory_space<vmem>> -> memref<1x40xi32, #tpu.memory_space<vmem>>
          %dma_start3A_409 = tpu.memref_squeeze %dma_start3A_408 : memref<1x40xi32, #tpu.memory_space<vmem>> -> memref<40xi32, #tpu.memory_space<vmem>>
          %dma_start3A_410 = arith.constant 0 : i32
          %dma_start3A_411 = arith.constant 0 : i32
          %dma_start3A_412 = tpu.memref_slice %arg12[%dma_start3A_410, %dma_start3A_411] : memref<10112x64xf32, #tpu.memory_space<vmem_shared>> -> memref<10112x64xf32, #tpu.memory_space<vmem_shared>>
          tpu.enqueue_indirect_dma source(%dma_start3A_406 : memref<40x64xf32, #tpu.memory_space<vmem>>) target(%dma_start3A_412 : memref<10112x64xf32, #tpu.memory_space<vmem_shared>>) offsets(%dma_start3A_409 : memref<40xi32, #tpu.memory_space<vmem>>) semaphore(%run_scoped3A : memref<!tpu.dma_semaphore, #tpu.memory_space<semaphore_mem>>) {add = true}
          %dma_wait3A_413 = arith.constant 0 : i32
          %dma_wait3A_414 = arith.constant 0 : i32
          %dma_wait3A_415 = tpu.memref_slice %arg10[%cond3A_155, %dma_wait3A_413, %dma_wait3A_414] : memref<5x40x64xf32, #tpu.memory_space<vmem>> -> memref<1x40x64xf32, #tpu.memory_space<vmem>>
          %dma_wait3A_416 = tpu.memref_squeeze %dma_wait3A_415 : memref<1x40x64xf32, #tpu.memory_space<vmem>> -> memref<40x64xf32, #tpu.memory_space<vmem>>
          %dma_wait3A_417 = arith.constant 0 : i32
          %dma_wait3A_418 = tpu.memref_slice %arg9[%add3A_104, %dma_wait3A_417] : memref<500x40xi32, #tpu.memory_space<vmem>> -> memref<1x40xi32, #tpu.memory_space<vmem>>
          %dma_wait3A_419 = tpu.memref_squeeze %dma_wait3A_418 : memref<1x40xi32, #tpu.memory_space<vmem>> -> memref<40xi32, #tpu.memory_space<vmem>>
          %dma_wait3A_420 = arith.constant 0 : i32
          %dma_wait3A_421 = arith.constant 0 : i32
          %dma_wait3A_422 = tpu.memref_slice %arg12[%dma_wait3A_420, %dma_wait3A_421] : memref<10112x64xf32, #tpu.memory_space<vmem_shared>> -> memref<10112x64xf32, #tpu.memory_space<vmem_shared>>
          tpu.wait_indirect_dma semaphore(%run_scoped3A : memref<!tpu.dma_semaphore, #tpu.memory_space<semaphore_mem>>) src(%dma_wait3A_416 : memref<40x64xf32, #tpu.memory_space<vmem>>) dst(%dma_wait3A_422 : memref<10112x64xf32, #tpu.memory_space<vmem_shared>>)
          tpu.yield
        }) : () -> ()
      } else {
      }
      %mul3A_158 = arith.constant 5 : i32
      %mul3A_159 = arith.muli %scan3A_99, %mul3A_158 : i32
      %add3A_160 = arith.constant 1 : i32
      %add3A_161 = arith.addi %mul3A_159, %add3A_160 : i32
      %lt3A_162 = arith.constant 498 : i32
      %lt3A_163 = arith.cmpi slt, %add3A_161, %lt3A_162 : i32
      %convert_element_type3A_164 = arith.extui %lt3A_163 : i1 to i32
      %cond3A_165 = arith.constant 0 : i32
      %cond3A_166 = arith.cmpi ne, %convert_element_type3A_164, %cond3A_165 : i32
      scf.if %cond3A_166 {
        %ge3A_403 = arith.constant 3 : i32
        %ge3A_404 = arith.cmpi sge, %add3A_161, %ge3A_403 : i32
        %convert_element_type3A_405 = arith.extui %ge3A_404 : i1 to i32
        %cond3A_406 = arith.constant 0 : i32
        %cond3A_407 = arith.cmpi ne, %convert_element_type3A_405, %cond3A_406 : i32
        scf.if %cond3A_407 {
          %add3A_441 = arith.constant 2 : i32
          %add3A_442 = arith.addi %add3A_161, %add3A_441 : i32
          %sub3A = arith.constant 5 : i32
          %sub3A_443 = arith.subi %add3A_442, %sub3A : i32
          %dma_wait3A_444 = arith.constant 3 : i32
          %dma_wait3A_445 = arith.constant 0 : i32
          %dma_wait3A_446 = arith.constant 0 : i32
          %dma_wait3A_447 = tpu.memref_slice %arg10[%dma_wait3A_444, %dma_wait3A_445, %dma_wait3A_446] : memref<5x40x64xf32, #tpu.memory_space<vmem>> -> memref<1x40x64xf32, #tpu.memory_space<vmem>>
          %dma_wait3A_448 = tpu.memref_squeeze %dma_wait3A_447 : memref<1x40x64xf32, #tpu.memory_space<vmem>> -> memref<40x64xf32, #tpu.memory_space<vmem>>
          %dma_wait3A_449 = arith.constant 0 : i32
          %dma_wait3A_450 = tpu.memref_slice %arg9[%sub3A_443, %dma_wait3A_449] : memref<500x40xi32, #tpu.memory_space<vmem>> -> memref<1x40xi32, #tpu.memory_space<vmem>>
          %dma_wait3A_451 = tpu.memref_squeeze %dma_wait3A_450 : memref<1x40xi32, #tpu.memory_space<vmem>> -> memref<40xi32, #tpu.memory_space<vmem>>
          %dma_wait3A_452 = arith.constant 0 : i32
          %dma_wait3A_453 = arith.constant 0 : i32
          %dma_wait3A_454 = tpu.memref_slice %arg12[%dma_wait3A_452, %dma_wait3A_453] : memref<10112x64xf32, #tpu.memory_space<vmem_shared>> -> memref<10112x64xf32, #tpu.memory_space<vmem_shared>>
          tpu.wait_indirect_dma semaphore(%arg26 : memref<!tpu.dma_semaphore, #tpu.memory_space<semaphore_mem>>) src(%dma_wait3A_448 : memref<40x64xf32, #tpu.memory_space<vmem>>) dst(%dma_wait3A_454 : memref<10112x64xf32, #tpu.memory_space<vmem_shared>>)
        } else {
        }
        %add3A_408 = arith.constant 2 : i32
        %add3A_409 = arith.addi %add3A_161, %add3A_408 : i32
        %dma_start3A_410 = arith.constant 3 : i32
        %dma_start3A_411 = arith.constant 0 : i32
        %dma_start3A_412 = arith.constant 0 : i32
        %dma_start3A_413 = tpu.memref_slice %arg10[%dma_start3A_410, %dma_start3A_411, %dma_start3A_412] : memref<5x40x64xf32, #tpu.memory_space<vmem>> -> memref<1x40x64xf32, #tpu.memory_space<vmem>>
        %dma_start3A_414 = tpu.memref_squeeze %dma_start3A_413 : memref<1x40x64xf32, #tpu.memory_space<vmem>> -> memref<40x64xf32, #tpu.memory_space<vmem>>
        %dma_start3A_415 = arith.constant 0 : i32
        %dma_start3A_416 = tpu.memref_slice %arg8[%add3A_409, %dma_start3A_415] : memref<500x40xi32, #tpu.memory_space<vmem>> -> memref<1x40xi32, #tpu.memory_space<vmem>>
        %dma_start3A_417 = tpu.memref_squeeze %dma_start3A_416 : memref<1x40xi32, #tpu.memory_space<vmem>> -> memref<40xi32, #tpu.memory_space<vmem>>
        %dma_start3A_418 = arith.constant 0 : i32
        %dma_start3A_419 = arith.constant 0 : i32
        %dma_start3A_420 = tpu.memref_slice %arg3[%dma_start3A_418, %dma_start3A_419] : memref<20000x64xf32, #tpu.memory_space<hbm>> -> memref<20000x64xf32, #tpu.memory_space<hbm>>
        tpu.enqueue_indirect_dma source(%dma_start3A_420 : memref<20000x64xf32, #tpu.memory_space<hbm>>) target(%dma_start3A_414 : memref<40x64xf32, #tpu.memory_space<vmem>>) offsets(%dma_start3A_417 : memref<40xi32, #tpu.memory_space<vmem>>) semaphore(%arg16 : memref<!tpu.dma_semaphore, #tpu.memory_space<semaphore_mem>>)
        %mul3A_421 = arith.constant 10000 : i32
        %mul3A_422 = arith.muli %arg1, %mul3A_421 : i32
        %mul3A_423 = arith.constant 20 : i32
        %mul3A_424 = arith.muli %add3A_409, %mul3A_423 : i32
        %add3A_425 = arith.addi %mul3A_422, %mul3A_424 : i32
        %dma_start3A_426 = arith.constant 3 : i32
        %dma_start3A_427 = arith.constant 0 : i32
        %dma_start3A_428 = arith.constant 0 : i32
        %dma_start3A_429 = tpu.memref_slice %arg11[%dma_start3A_426, %dma_start3A_427, %dma_start3A_428] : memref<5x20x128xf32, #tpu.memory_space<vmem>> -> memref<1x20x128xf32, #tpu.memory_space<vmem>>
        %dma_start3A_430 = tpu.memref_squeeze %dma_start3A_429 : memref<1x20x128xf32, #tpu.memory_space<vmem>> -> memref<20x128xf32, #tpu.memory_space<vmem>>
        %dma_start3A_431 = arith.constant 0 : i32
        %dma_start3A_432 = tpu.memref_slice %arg2[%arg0, %add3A_425, %dma_start3A_431] : memref<2x160000x128xf32, #tpu.memory_space<hbm>> -> memref<1x20x128xf32, #tpu.memory_space<hbm>>
        %dma_start3A_433 = tpu.memref_squeeze %dma_start3A_432 : memref<1x20x128xf32, #tpu.memory_space<hbm>> -> memref<20x128xf32, #tpu.memory_space<hbm>>
        %dma_start3A_434 = arith.constant 0 : i32
        %dma_start3A_435 = arith.constant 0 : i32
        %dma_start3A_436 = tpu.memref_slice %arg11[%dma_start3A_426, %dma_start3A_434, %dma_start3A_435] : memref<5x20x128xf32, #tpu.memory_space<vmem>> -> memref<1x20x128xf32, #tpu.memory_space<vmem>>
        %dma_start3A_437 = tpu.memref_squeeze %dma_start3A_436 : memref<1x20x128xf32, #tpu.memory_space<vmem>> -> memref<20x128xf32, #tpu.memory_space<vmem>>
        %dma_start3A_438 = arith.constant 0 : i32
        %dma_start3A_439 = tpu.memref_slice %arg2[%arg0, %add3A_425, %dma_start3A_438] : memref<2x160000x128xf32, #tpu.memory_space<hbm>> -> memref<1x20x128xf32, #tpu.memory_space<hbm>>
        %dma_start3A_440 = tpu.memref_squeeze %dma_start3A_439 : memref<1x20x128xf32, #tpu.memory_space<hbm>> -> memref<20x128xf32, #tpu.memory_space<hbm>>
        tpu.enqueue_dma source(%dma_start3A_440 : memref<20x128xf32, #tpu.memory_space<hbm>>) target(%dma_start3A_437 : memref<20x128xf32, #tpu.memory_space<vmem>>) target_semaphore(%arg21 : memref<!tpu.dma_semaphore, #tpu.memory_space<semaphore_mem>>)
      } else {
      }
      %dma_wait3A_167 = arith.constant 1 : i32
      %dma_wait3A_168 = arith.constant 0 : i32
      %dma_wait3A_169 = arith.constant 0 : i32
      %dma_wait3A_170 = tpu.memref_slice %arg10[%dma_wait3A_167, %dma_wait3A_168, %dma_wait3A_169] : memref<5x40x64xf32, #tpu.memory_space<vmem>> -> memref<1x40x64xf32, #tpu.memory_space<vmem>>
      %dma_wait3A_171 = tpu.memref_squeeze %dma_wait3A_170 : memref<1x40x64xf32, #tpu.memory_space<vmem>> -> memref<40x64xf32, #tpu.memory_space<vmem>>
      %dma_wait3A_172 = arith.constant 0 : i32
      %dma_wait3A_173 = tpu.memref_slice %arg8[%add3A_161, %dma_wait3A_172] : memref<500x40xi32, #tpu.memory_space<vmem>> -> memref<1x40xi32, #tpu.memory_space<vmem>>
      %dma_wait3A_174 = tpu.memref_squeeze %dma_wait3A_173 : memref<1x40xi32, #tpu.memory_space<vmem>> -> memref<40xi32, #tpu.memory_space<vmem>>
      %dma_wait3A_175 = arith.constant 0 : i32
      %dma_wait3A_176 = arith.constant 0 : i32
      %dma_wait3A_177 = tpu.memref_slice %arg3[%dma_wait3A_175, %dma_wait3A_176] : memref<20000x64xf32, #tpu.memory_space<hbm>> -> memref<20000x64xf32, #tpu.memory_space<hbm>>
      tpu.wait_indirect_dma semaphore(%arg14 : memref<!tpu.dma_semaphore, #tpu.memory_space<semaphore_mem>>) src(%dma_wait3A_177 : memref<20000x64xf32, #tpu.memory_space<hbm>>) dst(%dma_wait3A_171 : memref<40x64xf32, #tpu.memory_space<vmem>>)
      %mul3A_178 = arith.constant 10000 : i32
      %mul3A_179 = arith.muli %arg1, %mul3A_178 : i32
      %mul3A_180 = arith.constant 20 : i32
      %mul3A_181 = arith.muli %add3A_161, %mul3A_180 : i32
      %add3A_182 = arith.addi %mul3A_179, %mul3A_181 : i32
      %dma_wait3A_183 = arith.constant 1 : i32
      %dma_wait3A_184 = arith.constant 0 : i32
      %dma_wait3A_185 = arith.constant 0 : i32
      %dma_wait3A_186 = tpu.memref_slice %arg11[%dma_wait3A_183, %dma_wait3A_184, %dma_wait3A_185] : memref<5x20x128xf32, #tpu.memory_space<vmem>> -> memref<1x20x128xf32, #tpu.memory_space<vmem>>
      %dma_wait3A_187 = tpu.memref_squeeze %dma_wait3A_186 : memref<1x20x128xf32, #tpu.memory_space<vmem>> -> memref<20x128xf32, #tpu.memory_space<vmem>>
      %dma_wait3A_188 = arith.constant 0 : i32
      %dma_wait3A_189 = tpu.memref_slice %arg2[%arg0, %add3A_182, %dma_wait3A_188] : memref<2x160000x128xf32, #tpu.memory_space<hbm>> -> memref<1x20x128xf32, #tpu.memory_space<hbm>>
      %dma_wait3A_190 = tpu.memref_squeeze %dma_wait3A_189 : memref<1x20x128xf32, #tpu.memory_space<hbm>> -> memref<20x128xf32, #tpu.memory_space<hbm>>
      %dma_wait3A_191 = arith.constant 0 : i32
      %dma_wait3A_192 = arith.constant 0 : i32
      %dma_wait3A_193 = tpu.memref_slice %arg11[%dma_wait3A_183, %dma_wait3A_191, %dma_wait3A_192] : memref<5x20x128xf32, #tpu.memory_space<vmem>> -> memref<1x20x128xf32, #tpu.memory_space<vmem>>
      %dma_wait3A_194 = tpu.memref_squeeze %dma_wait3A_193 : memref<1x20x128xf32, #tpu.memory_space<vmem>> -> memref<20x128xf32, #tpu.memory_space<vmem>>
      %dma_wait3A_195 = arith.constant 0 : i32
      %dma_wait3A_196 = tpu.memref_slice %arg2[%arg0, %add3A_182, %dma_wait3A_195] : memref<2x160000x128xf32, #tpu.memory_space<hbm>> -> memref<1x20x128xf32, #tpu.memory_space<hbm>>
      %dma_wait3A_197 = tpu.memref_squeeze %dma_wait3A_196 : memref<1x20x128xf32, #tpu.memory_space<hbm>> -> memref<20x128xf32, #tpu.memory_space<hbm>>
      tpu.wait_dma2 semaphore(%arg19 : memref<!tpu.dma_semaphore, #tpu.memory_space<semaphore_mem>>) src(%dma_wait3A_197 : memref<20x128xf32, #tpu.memory_space<hbm>>) dst(%dma_wait3A_194 : memref<20x128xf32, #tpu.memory_space<vmem>>)
      %scan3A_198 = arith.constant 1 : i32
      %scan3A_199 = arith.constant 1 : i32
      %scan3A_200 = arith.constant 0 : i32
      %scan3A_201 = arith.constant 0 : i32
      %scan3A_202 = arith.constant 20 : i32
      %scan3A_203 = arith.addi %scan3A_201, %scan3A_202 : i32
      %scan3A_204 = arith.constant 1 : i32
      %scan3A_205 = scf.for %scan3A_403 = %scan3A_201 to %scan3A_203 step %scan3A_204 iter_args(%scan3A_404 = %scan3A_200) -> (i32)  : i32 {
        %mul3A_405 = arith.constant 2 : i32
        %mul3A_406 = arith.muli %mul3A_405, %scan3A_403 : i32
        %get3A = arith.constant 0 : i32
        %get3A_407 = arith.constant 0 : i32
        %get3A_408 = tpu.memref_slice %arg10[%scan3A_198, %get3A, %get3A_407] : memref<5x40x64xf32, #tpu.memory_space<vmem>> -> memref<1x40x64xf32, #tpu.memory_space<vmem>>
        %get3A_409 = tpu.memref_squeeze %get3A_408 : memref<1x40x64xf32, #tpu.memory_space<vmem>> -> memref<40x64xf32, #tpu.memory_space<vmem>>
        %get3A_410 = arith.index_cast %mul3A_406 : i32 to index
        %get3A_411 = arith.constant 0 : index
        %get3A_412 = tpu.vector_load %get3A_409[%get3A_410, %get3A_411] {strides = array<i32>} : memref<40x64xf32, #tpu.memory_space<vmem>>, vector<1x16xf32>,
        %get3A_413 = vector.shape_cast %get3A_412 : vector<1x16xf32> to vector<16xf32>
        %get3A_414 = arith.constant 0 : i32
        %get3A_415 = arith.constant 0 : i32
        %get3A_416 = tpu.memref_slice %arg11[%scan3A_199, %get3A_414, %get3A_415] : memref<5x20x128xf32, #tpu.memory_space<vmem>> -> memref<1x20x128xf32, #tpu.memory_space<vmem>>
        %get3A_417 = tpu.memref_squeeze %get3A_416 : memref<1x20x128xf32, #tpu.memory_space<vmem>> -> memref<20x128xf32, #tpu.memory_space<vmem>>
        %get3A_418 = arith.index_cast %scan3A_403 : i32 to index
        %get3A_419 = arith.constant 0 : index
        %get3A_420 = tpu.vector_load %get3A_417[%get3A_418, %get3A_419] {strides = array<i32>} : memref<20x128xf32, #tpu.memory_space<vmem>>, vector<1x16xf32>,
        %get3A_421 = vector.shape_cast %get3A_420 : vector<1x16xf32> to vector<16xf32>
        %mul3A_422 = arith.mulf %get3A_413, %get3A_421 : vector<16xf32>
        %swap3A = arith.constant 0 : i32
        %swap3A_423 = arith.constant 0 : i32
        %swap3A_424 = tpu.memref_slice %arg10[%scan3A_198, %swap3A, %swap3A_423] : memref<5x40x64xf32, #tpu.memory_space<vmem>> -> memref<1x40x64xf32, #tpu.memory_space<vmem>>
        %swap3A_425 = tpu.memref_squeeze %swap3A_424 : memref<1x40x64xf32, #tpu.memory_space<vmem>> -> memref<40x64xf32, #tpu.memory_space<vmem>>
        %swap3A_426 = arith.index_cast %mul3A_406 : i32 to index
        %swap3A_427 = arith.constant 0 : index
        %swap3A_428 = tpu.vector_load %swap3A_425[%swap3A_426, %swap3A_427] {strides = array<i32>} : memref<40x64xf32, #tpu.memory_space<vmem>>, vector<1x16xf32>,
        %swap3A_429 = vector.shape_cast %swap3A_428 : vector<1x16xf32> to vector<16xf32>
        %swap3A_430 = vector.shape_cast %mul3A_422 : vector<16xf32> to vector<1x16xf32>
        tpu.vector_store %swap3A_425[%swap3A_426, %swap3A_427], %swap3A_430 {strides = array<i32>} : memref<40x64xf32, #tpu.memory_space<vmem>>, vector<1x16xf32>,
        %add3A_431 = arith.constant 1 : i32
        %add3A_432 = arith.addi %mul3A_406, %add3A_431 : i32
        %get3A_433 = arith.constant 0 : i32
        %get3A_434 = arith.constant 0 : i32
        %get3A_435 = tpu.memref_slice %arg10[%scan3A_198, %get3A_433, %get3A_434] : memref<5x40x64xf32, #tpu.memory_space<vmem>> -> memref<1x40x64xf32, #tpu.memory_space<vmem>>
        %get3A_436 = tpu.memref_squeeze %get3A_435 : memref<1x40x64xf32, #tpu.memory_space<vmem>> -> memref<40x64xf32, #tpu.memory_space<vmem>>
        %get3A_437 = arith.index_cast %add3A_432 : i32 to index
        %get3A_438 = arith.constant 0 : index
        %get3A_439 = tpu.vector_load %get3A_436[%get3A_437, %get3A_438] {strides = array<i32>} : memref<40x64xf32, #tpu.memory_space<vmem>>, vector<1x16xf32>,
        %get3A_440 = vector.shape_cast %get3A_439 : vector<1x16xf32> to vector<16xf32>
        %get3A_441 = arith.constant 0 : i32
        %get3A_442 = arith.constant 0 : i32
        %get3A_443 = tpu.memref_slice %arg11[%scan3A_199, %get3A_441, %get3A_442] : memref<5x20x128xf32, #tpu.memory_space<vmem>> -> memref<1x20x128xf32, #tpu.memory_space<vmem>>
        %get3A_444 = tpu.memref_squeeze %get3A_443 : memref<1x20x128xf32, #tpu.memory_space<vmem>> -> memref<20x128xf32, #tpu.memory_space<vmem>>
        %get3A_445 = arith.index_cast %scan3A_403 : i32 to index
        %get3A_446 = arith.constant 64 : index
        %get3A_447 = tpu.vector_load %get3A_444[%get3A_445, %get3A_446] {strides = array<i32>} : memref<20x128xf32, #tpu.memory_space<vmem>>, vector<1x16xf32>,
        %get3A_448 = vector.shape_cast %get3A_447 : vector<1x16xf32> to vector<16xf32>
        %mul3A_449 = arith.mulf %get3A_440, %get3A_448 : vector<16xf32>
        %add3A_450 = arith.constant 1 : i32
        %add3A_451 = arith.addi %mul3A_406, %add3A_450 : i32
        %swap3A_452 = arith.constant 0 : i32
        %swap3A_453 = arith.constant 0 : i32
        %swap3A_454 = tpu.memref_slice %arg10[%scan3A_198, %swap3A_452, %swap3A_453] : memref<5x40x64xf32, #tpu.memory_space<vmem>> -> memref<1x40x64xf32, #tpu.memory_space<vmem>>
        %swap3A_455 = tpu.memref_squeeze %swap3A_454 : memref<1x40x64xf32, #tpu.memory_space<vmem>> -> memref<40x64xf32, #tpu.memory_space<vmem>>
        %swap3A_456 = arith.index_cast %add3A_451 : i32 to index
        %swap3A_457 = arith.constant 0 : index
        %swap3A_458 = tpu.vector_load %swap3A_455[%swap3A_456, %swap3A_457] {strides = array<i32>} : memref<40x64xf32, #tpu.memory_space<vmem>>, vector<1x16xf32>,
        %swap3A_459 = vector.shape_cast %swap3A_458 : vector<1x16xf32> to vector<16xf32>
        %swap3A_460 = vector.shape_cast %mul3A_449 : vector<16xf32> to vector<1x16xf32>
        tpu.vector_store %swap3A_455[%swap3A_456, %swap3A_457], %swap3A_460 {strides = array<i32>} : memref<40x64xf32, #tpu.memory_space<vmem>>, vector<1x16xf32>,
        %get3A_461 = arith.constant 0 : i32
        %get3A_462 = arith.constant 0 : i32
        %get3A_463 = tpu.memref_slice %arg10[%scan3A_198, %get3A_461, %get3A_462] : memref<5x40x64xf32, #tpu.memory_space<vmem>> -> memref<1x40x64xf32, #tpu.memory_space<vmem>>
        %get3A_464 = tpu.memref_squeeze %get3A_463 : memref<1x40x64xf32, #tpu.memory_space<vmem>> -> memref<40x64xf32, #tpu.memory_space<vmem>>
        %get3A_465 = arith.index_cast %mul3A_406 : i32 to index
        %get3A_466 = arith.constant 16 : index
        %get3A_467 = tpu.vector_load %get3A_464[%get3A_465, %get3A_466] {strides = array<i32>} : memref<40x64xf32, #tpu.memory_space<vmem>>, vector<1x16xf32>,
        %get3A_468 = vector.shape_cast %get3A_467 : vector<1x16xf32> to vector<16xf32>
        %get3A_469 = arith.constant 0 : i32
        %get3A_470 = arith.constant 0 : i32
        %get3A_471 = tpu.memref_slice %arg11[%scan3A_199, %get3A_469, %get3A_470] : memref<5x20x128xf32, #tpu.memory_space<vmem>> -> memref<1x20x128xf32, #tpu.memory_space<vmem>>
        %get3A_472 = tpu.memref_squeeze %get3A_471 : memref<1x20x128xf32, #tpu.memory_space<vmem>> -> memref<20x128xf32, #tpu.memory_space<vmem>>
        %get3A_473 = arith.index_cast %scan3A_403 : i32 to index
        %get3A_474 = arith.constant 16 : index
        %get3A_475 = tpu.vector_load %get3A_472[%get3A_473, %get3A_474] {strides = array<i32>} : memref<20x128xf32, #tpu.memory_space<vmem>>, vector<1x16xf32>,
        %get3A_476 = vector.shape_cast %get3A_475 : vector<1x16xf32> to vector<16xf32>
        %mul3A_477 = arith.mulf %get3A_468, %get3A_476 : vector<16xf32>
        %swap3A_478 = arith.constant 0 : i32
        %swap3A_479 = arith.constant 0 : i32
        %swap3A_480 = tpu.memref_slice %arg10[%scan3A_198, %swap3A_478, %swap3A_479] : memref<5x40x64xf32, #tpu.memory_space<vmem>> -> memref<1x40x64xf32, #tpu.memory_space<vmem>>
        %swap3A_481 = tpu.memref_squeeze %swap3A_480 : memref<1x40x64xf32, #tpu.memory_space<vmem>> -> memref<40x64xf32, #tpu.memory_space<vmem>>
        %swap3A_482 = arith.index_cast %mul3A_406 : i32 to index
        %swap3A_483 = arith.constant 16 : index
        %swap3A_484 = tpu.vector_load %swap3A_481[%swap3A_482, %swap3A_483] {strides = array<i32>} : memref<40x64xf32, #tpu.memory_space<vmem>>, vector<1x16xf32>,
        %swap3A_485 = vector.shape_cast %swap3A_484 : vector<1x16xf32> to vector<16xf32>
        %swap3A_486 = vector.shape_cast %mul3A_477 : vector<16xf32> to vector<1x16xf32>
        tpu.vector_store %swap3A_481[%swap3A_482, %swap3A_483], %swap3A_486 {strides = array<i32>} : memref<40x64xf32, #tpu.memory_space<vmem>>, vector<1x16xf32>,
        %add3A_487 = arith.constant 1 : i32
        %add3A_488 = arith.addi %mul3A_406, %add3A_487 : i32
        %get3A_489 = arith.constant 0 : i32
        %get3A_490 = arith.constant 0 : i32
        %get3A_491 = tpu.memref_slice %arg10[%scan3A_198, %get3A_489, %get3A_490] : memref<5x40x64xf32, #tpu.memory_space<vmem>> -> memref<1x40x64xf32, #tpu.memory_space<vmem>>
        %get3A_492 = tpu.memref_squeeze %get3A_491 : memref<1x40x64xf32, #tpu.memory_space<vmem>> -> memref<40x64xf32, #tpu.memory_space<vmem>>
        %get3A_493 = arith.index_cast %add3A_488 : i32 to index
        %get3A_494 = arith.constant 16 : index
        %get3A_495 = tpu.vector_load %get3A_492[%get3A_493, %get3A_494] {strides = array<i32>} : memref<40x64xf32, #tpu.memory_space<vmem>>, vector<1x16xf32>,
        %get3A_496 = vector.shape_cast %get3A_495 : vector<1x16xf32> to vector<16xf32>
        %get3A_497 = arith.constant 0 : i32
        %get3A_498 = arith.constant 0 : i32
        %get3A_499 = tpu.memref_slice %arg11[%scan3A_199, %get3A_497, %get3A_498] : memref<5x20x128xf32, #tpu.memory_space<vmem>> -> memref<1x20x128xf32, #tpu.memory_space<vmem>>
        %get3A_500 = tpu.memref_squeeze %get3A_499 : memref<1x20x128xf32, #tpu.memory_space<vmem>> -> memref<20x128xf32, #tpu.memory_space<vmem>>
        %get3A_501 = arith.index_cast %scan3A_403 : i32 to index
        %get3A_502 = arith.constant 80 : index
        %get3A_503 = tpu.vector_load %get3A_500[%get3A_501, %get3A_502] {strides = array<i32>} : memref<20x128xf32, #tpu.memory_space<vmem>>, vector<1x16xf32>,
        %get3A_504 = vector.shape_cast %get3A_503 : vector<1x16xf32> to vector<16xf32>
        %mul3A_505 = arith.mulf %get3A_496, %get3A_504 : vector<16xf32>
        %add3A_506 = arith.constant 1 : i32
        %add3A_507 = arith.addi %mul3A_406, %add3A_506 : i32
        %swap3A_508 = arith.constant 0 : i32
        %swap3A_509 = arith.constant 0 : i32
        %swap3A_510 = tpu.memref_slice %arg10[%scan3A_198, %swap3A_508, %swap3A_509] : memref<5x40x64xf32, #tpu.memory_space<vmem>> -> memref<1x40x64xf32, #tpu.memory_space<vmem>>
        %swap3A_511 = tpu.memref_squeeze %swap3A_510 : memref<1x40x64xf32, #tpu.memory_space<vmem>> -> memref<40x64xf32, #tpu.memory_space<vmem>>
        %swap3A_512 = arith.index_cast %add3A_507 : i32 to index
        %swap3A_513 = arith.constant 16 : index
        %swap3A_514 = tpu.vector_load %swap3A_511[%swap3A_512, %swap3A_513] {strides = array<i32>} : memref<40x64xf32, #tpu.memory_space<vmem>>, vector<1x16xf32>,
        %swap3A_515 = vector.shape_cast %swap3A_514 : vector<1x16xf32> to vector<16xf32>
        %swap3A_516 = vector.shape_cast %mul3A_505 : vector<16xf32> to vector<1x16xf32>
        tpu.vector_store %swap3A_511[%swap3A_512, %swap3A_513], %swap3A_516 {strides = array<i32>} : memref<40x64xf32, #tpu.memory_space<vmem>>, vector<1x16xf32>,
        %get3A_517 = arith.constant 0 : i32
        %get3A_518 = arith.constant 0 : i32
        %get3A_519 = tpu.memref_slice %arg10[%scan3A_198, %get3A_517, %get3A_518] : memref<5x40x64xf32, #tpu.memory_space<vmem>> -> memref<1x40x64xf32, #tpu.memory_space<vmem>>
        %get3A_520 = tpu.memref_squeeze %get3A_519 : memref<1x40x64xf32, #tpu.memory_space<vmem>> -> memref<40x64xf32, #tpu.memory_space<vmem>>
        %get3A_521 = arith.index_cast %mul3A_406 : i32 to index
        %get3A_522 = arith.constant 32 : index
        %get3A_523 = tpu.vector_load %get3A_520[%get3A_521, %get3A_522] {strides = array<i32>} : memref<40x64xf32, #tpu.memory_space<vmem>>, vector<1x16xf32>,
        %get3A_524 = vector.shape_cast %get3A_523 : vector<1x16xf32> to vector<16xf32>
        %get3A_525 = arith.constant 0 : i32
        %get3A_526 = arith.constant 0 : i32
        %get3A_527 = tpu.memref_slice %arg11[%scan3A_199, %get3A_525, %get3A_526] : memref<5x20x128xf32, #tpu.memory_space<vmem>> -> memref<1x20x128xf32, #tpu.memory_space<vmem>>
        %get3A_528 = tpu.memref_squeeze %get3A_527 : memref<1x20x128xf32, #tpu.memory_space<vmem>> -> memref<20x128xf32, #tpu.memory_space<vmem>>
        %get3A_529 = arith.index_cast %scan3A_403 : i32 to index
        %get3A_530 = arith.constant 32 : index
        %get3A_531 = tpu.vector_load %get3A_528[%get3A_529, %get3A_530] {strides = array<i32>} : memref<20x128xf32, #tpu.memory_space<vmem>>, vector<1x16xf32>,
        %get3A_532 = vector.shape_cast %get3A_531 : vector<1x16xf32> to vector<16xf32>
        %mul3A_533 = arith.mulf %get3A_524, %get3A_532 : vector<16xf32>
        %swap3A_534 = arith.constant 0 : i32
        %swap3A_535 = arith.constant 0 : i32
        %swap3A_536 = tpu.memref_slice %arg10[%scan3A_198, %swap3A_534, %swap3A_535] : memref<5x40x64xf32, #tpu.memory_space<vmem>> -> memref<1x40x64xf32, #tpu.memory_space<vmem>>
        %swap3A_537 = tpu.memref_squeeze %swap3A_536 : memref<1x40x64xf32, #tpu.memory_space<vmem>> -> memref<40x64xf32, #tpu.memory_space<vmem>>
        %swap3A_538 = arith.index_cast %mul3A_406 : i32 to index
        %swap3A_539 = arith.constant 32 : index
        %swap3A_540 = tpu.vector_load %swap3A_537[%swap3A_538, %swap3A_539] {strides = array<i32>} : memref<40x64xf32, #tpu.memory_space<vmem>>, vector<1x16xf32>,
        %swap3A_541 = vector.shape_cast %swap3A_540 : vector<1x16xf32> to vector<16xf32>
        %swap3A_542 = vector.shape_cast %mul3A_533 : vector<16xf32> to vector<1x16xf32>
        tpu.vector_store %swap3A_537[%swap3A_538, %swap3A_539], %swap3A_542 {strides = array<i32>} : memref<40x64xf32, #tpu.memory_space<vmem>>, vector<1x16xf32>,
        %add3A_543 = arith.constant 1 : i32
        %add3A_544 = arith.addi %mul3A_406, %add3A_543 : i32
        %get3A_545 = arith.constant 0 : i32
        %get3A_546 = arith.constant 0 : i32
        %get3A_547 = tpu.memref_slice %arg10[%scan3A_198, %get3A_545, %get3A_546] : memref<5x40x64xf32, #tpu.memory_space<vmem>> -> memref<1x40x64xf32, #tpu.memory_space<vmem>>
        %get3A_548 = tpu.memref_squeeze %get3A_547 : memref<1x40x64xf32, #tpu.memory_space<vmem>> -> memref<40x64xf32, #tpu.memory_space<vmem>>
        %get3A_549 = arith.index_cast %add3A_544 : i32 to index
        %get3A_550 = arith.constant 32 : index
        %get3A_551 = tpu.vector_load %get3A_548[%get3A_549, %get3A_550] {strides = array<i32>} : memref<40x64xf32, #tpu.memory_space<vmem>>, vector<1x16xf32>,
        %get3A_552 = vector.shape_cast %get3A_551 : vector<1x16xf32> to vector<16xf32>
        %get3A_553 = arith.constant 0 : i32
        %get3A_554 = arith.constant 0 : i32
        %get3A_555 = tpu.memref_slice %arg11[%scan3A_199, %get3A_553, %get3A_554] : memref<5x20x128xf32, #tpu.memory_space<vmem>> -> memref<1x20x128xf32, #tpu.memory_space<vmem>>
        %get3A_556 = tpu.memref_squeeze %get3A_555 : memref<1x20x128xf32, #tpu.memory_space<vmem>> -> memref<20x128xf32, #tpu.memory_space<vmem>>
        %get3A_557 = arith.index_cast %scan3A_403 : i32 to index
        %get3A_558 = arith.constant 96 : index
        %get3A_559 = tpu.vector_load %get3A_556[%get3A_557, %get3A_558] {strides = array<i32>} : memref<20x128xf32, #tpu.memory_space<vmem>>, vector<1x16xf32>,
        %get3A_560 = vector.shape_cast %get3A_559 : vector<1x16xf32> to vector<16xf32>
        %mul3A_561 = arith.mulf %get3A_552, %get3A_560 : vector<16xf32>
        %add3A_562 = arith.constant 1 : i32
        %add3A_563 = arith.addi %mul3A_406, %add3A_562 : i32
        %swap3A_564 = arith.constant 0 : i32
        %swap3A_565 = arith.constant 0 : i32
        %swap3A_566 = tpu.memref_slice %arg10[%scan3A_198, %swap3A_564, %swap3A_565] : memref<5x40x64xf32, #tpu.memory_space<vmem>> -> memref<1x40x64xf32, #tpu.memory_space<vmem>>
        %swap3A_567 = tpu.memref_squeeze %swap3A_566 : memref<1x40x64xf32, #tpu.memory_space<vmem>> -> memref<40x64xf32, #tpu.memory_space<vmem>>
        %swap3A_568 = arith.index_cast %add3A_563 : i32 to index
        %swap3A_569 = arith.constant 32 : index
        %swap3A_570 = tpu.vector_load %swap3A_567[%swap3A_568, %swap3A_569] {strides = array<i32>} : memref<40x64xf32, #tpu.memory_space<vmem>>, vector<1x16xf32>,
        %swap3A_571 = vector.shape_cast %swap3A_570 : vector<1x16xf32> to vector<16xf32>
        %swap3A_572 = vector.shape_cast %mul3A_561 : vector<16xf32> to vector<1x16xf32>
        tpu.vector_store %swap3A_567[%swap3A_568, %swap3A_569], %swap3A_572 {strides = array<i32>} : memref<40x64xf32, #tpu.memory_space<vmem>>, vector<1x16xf32>,
        %get3A_573 = arith.constant 0 : i32
        %get3A_574 = arith.constant 0 : i32
        %get3A_575 = tpu.memref_slice %arg10[%scan3A_198, %get3A_573, %get3A_574] : memref<5x40x64xf32, #tpu.memory_space<vmem>> -> memref<1x40x64xf32, #tpu.memory_space<vmem>>
        %get3A_576 = tpu.memref_squeeze %get3A_575 : memref<1x40x64xf32, #tpu.memory_space<vmem>> -> memref<40x64xf32, #tpu.memory_space<vmem>>
        %get3A_577 = arith.index_cast %mul3A_406 : i32 to index
        %get3A_578 = arith.constant 48 : index
        %get3A_579 = tpu.vector_load %get3A_576[%get3A_577, %get3A_578] {strides = array<i32>} : memref<40x64xf32, #tpu.memory_space<vmem>>, vector<1x16xf32>,
        %get3A_580 = vector.shape_cast %get3A_579 : vector<1x16xf32> to vector<16xf32>
        %get3A_581 = arith.constant 0 : i32
        %get3A_582 = arith.constant 0 : i32
        %get3A_583 = tpu.memref_slice %arg11[%scan3A_199, %get3A_581, %get3A_582] : memref<5x20x128xf32, #tpu.memory_space<vmem>> -> memref<1x20x128xf32, #tpu.memory_space<vmem>>
        %get3A_584 = tpu.memref_squeeze %get3A_583 : memref<1x20x128xf32, #tpu.memory_space<vmem>> -> memref<20x128xf32, #tpu.memory_space<vmem>>
        %get3A_585 = arith.index_cast %scan3A_403 : i32 to index
        %get3A_586 = arith.constant 48 : index
        %get3A_587 = tpu.vector_load %get3A_584[%get3A_585, %get3A_586] {strides = array<i32>} : memref<20x128xf32, #tpu.memory_space<vmem>>, vector<1x16xf32>,
        %get3A_588 = vector.shape_cast %get3A_587 : vector<1x16xf32> to vector<16xf32>
        %mul3A_589 = arith.mulf %get3A_580, %get3A_588 : vector<16xf32>
        %swap3A_590 = arith.constant 0 : i32
        %swap3A_591 = arith.constant 0 : i32
        %swap3A_592 = tpu.memref_slice %arg10[%scan3A_198, %swap3A_590, %swap3A_591] : memref<5x40x64xf32, #tpu.memory_space<vmem>> -> memref<1x40x64xf32, #tpu.memory_space<vmem>>
        %swap3A_593 = tpu.memref_squeeze %swap3A_592 : memref<1x40x64xf32, #tpu.memory_space<vmem>> -> memref<40x64xf32, #tpu.memory_space<vmem>>
        %swap3A_594 = arith.index_cast %mul3A_406 : i32 to index
        %swap3A_595 = arith.constant 48 : index
        %swap3A_596 = tpu.vector_load %swap3A_593[%swap3A_594, %swap3A_595] {strides = array<i32>} : memref<40x64xf32, #tpu.memory_space<vmem>>, vector<1x16xf32>,
        %swap3A_597 = vector.shape_cast %swap3A_596 : vector<1x16xf32> to vector<16xf32>
        %swap3A_598 = vector.shape_cast %mul3A_589 : vector<16xf32> to vector<1x16xf32>
        tpu.vector_store %swap3A_593[%swap3A_594, %swap3A_595], %swap3A_598 {strides = array<i32>} : memref<40x64xf32, #tpu.memory_space<vmem>>, vector<1x16xf32>,
        %add3A_599 = arith.constant 1 : i32
        %add3A_600 = arith.addi %mul3A_406, %add3A_599 : i32
        %get3A_601 = arith.constant 0 : i32
        %get3A_602 = arith.constant 0 : i32
        %get3A_603 = tpu.memref_slice %arg10[%scan3A_198, %get3A_601, %get3A_602] : memref<5x40x64xf32, #tpu.memory_space<vmem>> -> memref<1x40x64xf32, #tpu.memory_space<vmem>>
        %get3A_604 = tpu.memref_squeeze %get3A_603 : memref<1x40x64xf32, #tpu.memory_space<vmem>> -> memref<40x64xf32, #tpu.memory_space<vmem>>
        %get3A_605 = arith.index_cast %add3A_600 : i32 to index
        %get3A_606 = arith.constant 48 : index
        %get3A_607 = tpu.vector_load %get3A_604[%get3A_605, %get3A_606] {strides = array<i32>} : memref<40x64xf32, #tpu.memory_space<vmem>>, vector<1x16xf32>,
        %get3A_608 = vector.shape_cast %get3A_607 : vector<1x16xf32> to vector<16xf32>
        %get3A_609 = arith.constant 0 : i32
        %get3A_610 = arith.constant 0 : i32
        %get3A_611 = tpu.memref_slice %arg11[%scan3A_199, %get3A_609, %get3A_610] : memref<5x20x128xf32, #tpu.memory_space<vmem>> -> memref<1x20x128xf32, #tpu.memory_space<vmem>>
        %get3A_612 = tpu.memref_squeeze %get3A_611 : memref<1x20x128xf32, #tpu.memory_space<vmem>> -> memref<20x128xf32, #tpu.memory_space<vmem>>
        %get3A_613 = arith.index_cast %scan3A_403 : i32 to index
        %get3A_614 = arith.constant 112 : index
        %get3A_615 = tpu.vector_load %get3A_612[%get3A_613, %get3A_614] {strides = array<i32>} : memref<20x128xf32, #tpu.memory_space<vmem>>, vector<1x16xf32>,
        %get3A_616 = vector.shape_cast %get3A_615 : vector<1x16xf32> to vector<16xf32>
        %mul3A_617 = arith.mulf %get3A_608, %get3A_616 : vector<16xf32>
        %add3A_618 = arith.constant 1 : i32
        %add3A_619 = arith.addi %mul3A_406, %add3A_618 : i32
        %swap3A_620 = arith.constant 0 : i32
        %swap3A_621 = arith.constant 0 : i32
        %swap3A_622 = tpu.memref_slice %arg10[%scan3A_198, %swap3A_620, %swap3A_621] : memref<5x40x64xf32, #tpu.memory_space<vmem>> -> memref<1x40x64xf32, #tpu.memory_space<vmem>>
        %swap3A_623 = tpu.memref_squeeze %swap3A_622 : memref<1x40x64xf32, #tpu.memory_space<vmem>> -> memref<40x64xf32, #tpu.memory_space<vmem>>
        %swap3A_624 = arith.index_cast %add3A_619 : i32 to index
        %swap3A_625 = arith.constant 48 : index
        %swap3A_626 = tpu.vector_load %swap3A_623[%swap3A_624, %swap3A_625] {strides = array<i32>} : memref<40x64xf32, #tpu.memory_space<vmem>>, vector<1x16xf32>,
        %swap3A_627 = vector.shape_cast %swap3A_626 : vector<1x16xf32> to vector<16xf32>
        %swap3A_628 = vector.shape_cast %mul3A_617 : vector<16xf32> to vector<1x16xf32>
        tpu.vector_store %swap3A_623[%swap3A_624, %swap3A_625], %swap3A_628 {strides = array<i32>} : memref<40x64xf32, #tpu.memory_space<vmem>>, vector<1x16xf32>,
        %scan3A_629 = arith.constant 0 : i32
        scf.yield %scan3A_629 : i32
      }
      %scan3A_206 = arith.constant 20 : i32
      %lt3A_207 = arith.constant 495 : i32
      %lt3A_208 = arith.cmpi slt, %add3A_161, %lt3A_207 : i32
      %convert_element_type3A_209 = arith.extui %lt3A_208 : i1 to i32
      %cond3A_210 = arith.constant 1 : i32
      %cond3A_211 = arith.constant 0 : i32
      %cond3A_212 = arith.cmpi ne, %convert_element_type3A_209, %cond3A_211 : i32
      scf.if %cond3A_212 {
        %dma_start3A_403 = arith.constant 0 : i32
        %dma_start3A_404 = arith.constant 0 : i32
        %dma_start3A_405 = tpu.memref_slice %arg10[%cond3A_210, %dma_start3A_403, %dma_start3A_404] : memref<5x40x64xf32, #tpu.memory_space<vmem>> -> memref<1x40x64xf32, #tpu.memory_space<vmem>>
        %dma_start3A_406 = tpu.memref_squeeze %dma_start3A_405 : memref<1x40x64xf32, #tpu.memory_space<vmem>> -> memref<40x64xf32, #tpu.memory_space<vmem>>
        %dma_start3A_407 = arith.constant 0 : i32
        %dma_start3A_408 = tpu.memref_slice %arg9[%add3A_161, %dma_start3A_407] : memref<500x40xi32, #tpu.memory_space<vmem>> -> memref<1x40xi32, #tpu.memory_space<vmem>>
        %dma_start3A_409 = tpu.memref_squeeze %dma_start3A_408 : memref<1x40xi32, #tpu.memory_space<vmem>> -> memref<40xi32, #tpu.memory_space<vmem>>
        %dma_start3A_410 = arith.constant 0 : i32
        %dma_start3A_411 = arith.constant 0 : i32
        %dma_start3A_412 = tpu.memref_slice %arg12[%dma_start3A_410, %dma_start3A_411] : memref<10112x64xf32, #tpu.memory_space<vmem_shared>> -> memref<10112x64xf32, #tpu.memory_space<vmem_shared>>
        tpu.enqueue_indirect_dma source(%dma_start3A_406 : memref<40x64xf32, #tpu.memory_space<vmem>>) target(%dma_start3A_412 : memref<10112x64xf32, #tpu.memory_space<vmem_shared>>) offsets(%dma_start3A_409 : memref<40xi32, #tpu.memory_space<vmem>>) semaphore(%arg24 : memref<!tpu.dma_semaphore, #tpu.memory_space<semaphore_mem>>) {add = true}
      } else {
      }
      %ge3A_213 = arith.constant 495 : i32
      %ge3A_214 = arith.cmpi sge, %add3A_161, %ge3A_213 : i32
      %convert_element_type3A_215 = arith.extui %ge3A_214 : i1 to i32
      %cond3A_216 = arith.constant 1 : i32
      %cond3A_217 = arith.constant 0 : i32
      %cond3A_218 = arith.cmpi ne, %convert_element_type3A_215, %cond3A_217 : i32
      scf.if %cond3A_218 {
        "tpu.region"() ({
          %run_scoped3A = tpu.sem_alloc : memref<!tpu.dma_semaphore, #tpu.memory_space<semaphore_mem>>
          %dma_start3A_403 = arith.constant 0 : i32
          %dma_start3A_404 = arith.constant 0 : i32
          %dma_start3A_405 = tpu.memref_slice %arg10[%cond3A_216, %dma_start3A_403, %dma_start3A_404] : memref<5x40x64xf32, #tpu.memory_space<vmem>> -> memref<1x40x64xf32, #tpu.memory_space<vmem>>
          %dma_start3A_406 = tpu.memref_squeeze %dma_start3A_405 : memref<1x40x64xf32, #tpu.memory_space<vmem>> -> memref<40x64xf32, #tpu.memory_space<vmem>>
          %dma_start3A_407 = arith.constant 0 : i32
          %dma_start3A_408 = tpu.memref_slice %arg9[%add3A_161, %dma_start3A_407] : memref<500x40xi32, #tpu.memory_space<vmem>> -> memref<1x40xi32, #tpu.memory_space<vmem>>
          %dma_start3A_409 = tpu.memref_squeeze %dma_start3A_408 : memref<1x40xi32, #tpu.memory_space<vmem>> -> memref<40xi32, #tpu.memory_space<vmem>>
          %dma_start3A_410 = arith.constant 0 : i32
          %dma_start3A_411 = arith.constant 0 : i32
          %dma_start3A_412 = tpu.memref_slice %arg12[%dma_start3A_410, %dma_start3A_411] : memref<10112x64xf32, #tpu.memory_space<vmem_shared>> -> memref<10112x64xf32, #tpu.memory_space<vmem_shared>>
          tpu.enqueue_indirect_dma source(%dma_start3A_406 : memref<40x64xf32, #tpu.memory_space<vmem>>) target(%dma_start3A_412 : memref<10112x64xf32, #tpu.memory_space<vmem_shared>>) offsets(%dma_start3A_409 : memref<40xi32, #tpu.memory_space<vmem>>) semaphore(%run_scoped3A : memref<!tpu.dma_semaphore, #tpu.memory_space<semaphore_mem>>) {add = true}
          %dma_wait3A_413 = arith.constant 0 : i32
          %dma_wait3A_414 = arith.constant 0 : i32
          %dma_wait3A_415 = tpu.memref_slice %arg10[%cond3A_216, %dma_wait3A_413, %dma_wait3A_414] : memref<5x40x64xf32, #tpu.memory_space<vmem>> -> memref<1x40x64xf32, #tpu.memory_space<vmem>>
          %dma_wait3A_416 = tpu.memref_squeeze %dma_wait3A_415 : memref<1x40x64xf32, #tpu.memory_space<vmem>> -> memref<40x64xf32, #tpu.memory_space<vmem>>
          %dma_wait3A_417 = arith.constant 0 : i32
          %dma_wait3A_418 = tpu.memref_slice %arg9[%add3A_161, %dma_wait3A_417] : memref<500x40xi32, #tpu.memory_space<vmem>> -> memref<1x40xi32, #tpu.memory_space<vmem>>
          %dma_wait3A_419 = tpu.memref_squeeze %dma_wait3A_418 : memref<1x40xi32, #tpu.memory_space<vmem>> -> memref<40xi32, #tpu.memory_space<vmem>>
          %dma_wait3A_420 = arith.constant 0 : i32
          %dma_wait3A_421 = arith.constant 0 : i32
          %dma_wait3A_422 = tpu.memref_slice %arg12[%dma_wait3A_420, %dma_wait3A_421] : memref<10112x64xf32, #tpu.memory_space<vmem_shared>> -> memref<10112x64xf32, #tpu.memory_space<vmem_shared>>
          tpu.wait_indirect_dma semaphore(%run_scoped3A : memref<!tpu.dma_semaphore, #tpu.memory_space<semaphore_mem>>) src(%dma_wait3A_416 : memref<40x64xf32, #tpu.memory_space<vmem>>) dst(%dma_wait3A_422 : memref<10112x64xf32, #tpu.memory_space<vmem_shared>>)
          tpu.yield
        }) : () -> ()
      } else {
      }
      %mul3A_219 = arith.constant 5 : i32
      %mul3A_220 = arith.muli %scan3A_99, %mul3A_219 : i32
      %add3A_221 = arith.constant 2 : i32
      %add3A_222 = arith.addi %mul3A_220, %add3A_221 : i32
      %lt3A_223 = arith.constant 498 : i32
      %lt3A_224 = arith.cmpi slt, %add3A_222, %lt3A_223 : i32
      %convert_element_type3A_225 = arith.extui %lt3A_224 : i1 to i32
      %cond3A_226 = arith.constant 0 : i32
      %cond3A_227 = arith.cmpi ne, %convert_element_type3A_225, %cond3A_226 : i32
      scf.if %cond3A_227 {
        %ge3A_403 = arith.constant 3 : i32
        %ge3A_404 = arith.cmpi sge, %add3A_222, %ge3A_403 : i32
        %convert_element_type3A_405 = arith.extui %ge3A_404 : i1 to i32
        %cond3A_406 = arith.constant 0 : i32
        %cond3A_407 = arith.cmpi ne, %convert_element_type3A_405, %cond3A_406 : i32
        scf.if %cond3A_407 {
          %add3A_441 = arith.constant 2 : i32
          %add3A_442 = arith.addi %add3A_222, %add3A_441 : i32
          %sub3A = arith.constant 5 : i32
          %sub3A_443 = arith.subi %add3A_442, %sub3A : i32
          %dma_wait3A_444 = arith.constant 4 : i32
          %dma_wait3A_445 = arith.constant 0 : i32
          %dma_wait3A_446 = arith.constant 0 : i32
          %dma_wait3A_447 = tpu.memref_slice %arg10[%dma_wait3A_444, %dma_wait3A_445, %dma_wait3A_446] : memref<5x40x64xf32, #tpu.memory_space<vmem>> -> memref<1x40x64xf32, #tpu.memory_space<vmem>>
          %dma_wait3A_448 = tpu.memref_squeeze %dma_wait3A_447 : memref<1x40x64xf32, #tpu.memory_space<vmem>> -> memref<40x64xf32, #tpu.memory_space<vmem>>
          %dma_wait3A_449 = arith.constant 0 : i32
          %dma_wait3A_450 = tpu.memref_slice %arg9[%sub3A_443, %dma_wait3A_449] : memref<500x40xi32, #tpu.memory_space<vmem>> -> memref<1x40xi32, #tpu.memory_space<vmem>>
          %dma_wait3A_451 = tpu.memref_squeeze %dma_wait3A_450 : memref<1x40xi32, #tpu.memory_space<vmem>> -> memref<40xi32, #tpu.memory_space<vmem>>
          %dma_wait3A_452 = arith.constant 0 : i32
          %dma_wait3A_453 = arith.constant 0 : i32
          %dma_wait3A_454 = tpu.memref_slice %arg12[%dma_wait3A_452, %dma_wait3A_453] : memref<10112x64xf32, #tpu.memory_space<vmem_shared>> -> memref<10112x64xf32, #tpu.memory_space<vmem_shared>>
          tpu.wait_indirect_dma semaphore(%arg27 : memref<!tpu.dma_semaphore, #tpu.memory_space<semaphore_mem>>) src(%dma_wait3A_448 : memref<40x64xf32, #tpu.memory_space<vmem>>) dst(%dma_wait3A_454 : memref<10112x64xf32, #tpu.memory_space<vmem_shared>>)
        } else {
        }
        %add3A_408 = arith.constant 2 : i32
        %add3A_409 = arith.addi %add3A_222, %add3A_408 : i32
        %dma_start3A_410 = arith.constant 4 : i32
        %dma_start3A_411 = arith.constant 0 : i32
        %dma_start3A_412 = arith.constant 0 : i32
        %dma_start3A_413 = tpu.memref_slice %arg10[%dma_start3A_410, %dma_start3A_411, %dma_start3A_412] : memref<5x40x64xf32, #tpu.memory_space<vmem>> -> memref<1x40x64xf32, #tpu.memory_space<vmem>>
        %dma_start3A_414 = tpu.memref_squeeze %dma_start3A_413 : memref<1x40x64xf32, #tpu.memory_space<vmem>> -> memref<40x64xf32, #tpu.memory_space<vmem>>
        %dma_start3A_415 = arith.constant 0 : i32
        %dma_start3A_416 = tpu.memref_slice %arg8[%add3A_409, %dma_start3A_415] : memref<500x40xi32, #tpu.memory_space<vmem>> -> memref<1x40xi32, #tpu.memory_space<vmem>>
        %dma_start3A_417 = tpu.memref_squeeze %dma_start3A_416 : memref<1x40xi32, #tpu.memory_space<vmem>> -> memref<40xi32, #tpu.memory_space<vmem>>
        %dma_start3A_418 = arith.constant 0 : i32
        %dma_start3A_419 = arith.constant 0 : i32
        %dma_start3A_420 = tpu.memref_slice %arg3[%dma_start3A_418, %dma_start3A_419] : memref<20000x64xf32, #tpu.memory_space<hbm>> -> memref<20000x64xf32, #tpu.memory_space<hbm>>
        tpu.enqueue_indirect_dma source(%dma_start3A_420 : memref<20000x64xf32, #tpu.memory_space<hbm>>) target(%dma_start3A_414 : memref<40x64xf32, #tpu.memory_space<vmem>>) offsets(%dma_start3A_417 : memref<40xi32, #tpu.memory_space<vmem>>) semaphore(%arg17 : memref<!tpu.dma_semaphore, #tpu.memory_space<semaphore_mem>>)
        %mul3A_421 = arith.constant 10000 : i32
        %mul3A_422 = arith.muli %arg1, %mul3A_421 : i32
        %mul3A_423 = arith.constant 20 : i32
        %mul3A_424 = arith.muli %add3A_409, %mul3A_423 : i32
        %add3A_425 = arith.addi %mul3A_422, %mul3A_424 : i32
        %dma_start3A_426 = arith.constant 4 : i32
        %dma_start3A_427 = arith.constant 0 : i32
        %dma_start3A_428 = arith.constant 0 : i32
        %dma_start3A_429 = tpu.memref_slice %arg11[%dma_start3A_426, %dma_start3A_427, %dma_start3A_428] : memref<5x20x128xf32, #tpu.memory_space<vmem>> -> memref<1x20x128xf32, #tpu.memory_space<vmem>>
        %dma_start3A_430 = tpu.memref_squeeze %dma_start3A_429 : memref<1x20x128xf32, #tpu.memory_space<vmem>> -> memref<20x128xf32, #tpu.memory_space<vmem>>
        %dma_start3A_431 = arith.constant 0 : i32
        %dma_start3A_432 = tpu.memref_slice %arg2[%arg0, %add3A_425, %dma_start3A_431] : memref<2x160000x128xf32, #tpu.memory_space<hbm>> -> memref<1x20x128xf32, #tpu.memory_space<hbm>>
        %dma_start3A_433 = tpu.memref_squeeze %dma_start3A_432 : memref<1x20x128xf32, #tpu.memory_space<hbm>> -> memref<20x128xf32, #tpu.memory_space<hbm>>
        %dma_start3A_434 = arith.constant 0 : i32
        %dma_start3A_435 = arith.constant 0 : i32
        %dma_start3A_436 = tpu.memref_slice %arg11[%dma_start3A_426, %dma_start3A_434, %dma_start3A_435] : memref<5x20x128xf32, #tpu.memory_space<vmem>> -> memref<1x20x128xf32, #tpu.memory_space<vmem>>
        %dma_start3A_437 = tpu.memref_squeeze %dma_start3A_436 : memref<1x20x128xf32, #tpu.memory_space<vmem>> -> memref<20x128xf32, #tpu.memory_space<vmem>>
        %dma_start3A_438 = arith.constant 0 : i32
        %dma_start3A_439 = tpu.memref_slice %arg2[%arg0, %add3A_425, %dma_start3A_438] : memref<2x160000x128xf32, #tpu.memory_space<hbm>> -> memref<1x20x128xf32, #tpu.memory_space<hbm>>
        %dma_start3A_440 = tpu.memref_squeeze %dma_start3A_439 : memref<1x20x128xf32, #tpu.memory_space<hbm>> -> memref<20x128xf32, #tpu.memory_space<hbm>>
        tpu.enqueue_dma source(%dma_start3A_440 : memref<20x128xf32, #tpu.memory_space<hbm>>) target(%dma_start3A_437 : memref<20x128xf32, #tpu.memory_space<vmem>>) target_semaphore(%arg22 : memref<!tpu.dma_semaphore, #tpu.memory_space<semaphore_mem>>)
      } else {
      }
      %dma_wait3A_228 = arith.constant 2 : i32
      %dma_wait3A_229 = arith.constant 0 : i32
      %dma_wait3A_230 = arith.constant 0 : i32
      %dma_wait3A_231 = tpu.memref_slice %arg10[%dma_wait3A_228, %dma_wait3A_229, %dma_wait3A_230] : memref<5x40x64xf32, #tpu.memory_space<vmem>> -> memref<1x40x64xf32, #tpu.memory_space<vmem>>
      %dma_wait3A_232 = tpu.memref_squeeze %dma_wait3A_231 : memref<1x40x64xf32, #tpu.memory_space<vmem>> -> memref<40x64xf32, #tpu.memory_space<vmem>>
      %dma_wait3A_233 = arith.constant 0 : i32
      %dma_wait3A_234 = tpu.memref_slice %arg8[%add3A_222, %dma_wait3A_233] : memref<500x40xi32, #tpu.memory_space<vmem>> -> memref<1x40xi32, #tpu.memory_space<vmem>>
      %dma_wait3A_235 = tpu.memref_squeeze %dma_wait3A_234 : memref<1x40xi32, #tpu.memory_space<vmem>> -> memref<40xi32, #tpu.memory_space<vmem>>
      %dma_wait3A_236 = arith.constant 0 : i32
      %dma_wait3A_237 = arith.constant 0 : i32
      %dma_wait3A_238 = tpu.memref_slice %arg3[%dma_wait3A_236, %dma_wait3A_237] : memref<20000x64xf32, #tpu.memory_space<hbm>> -> memref<20000x64xf32, #tpu.memory_space<hbm>>
      tpu.wait_indirect_dma semaphore(%arg15 : memref<!tpu.dma_semaphore, #tpu.memory_space<semaphore_mem>>) src(%dma_wait3A_238 : memref<20000x64xf32, #tpu.memory_space<hbm>>) dst(%dma_wait3A_232 : memref<40x64xf32, #tpu.memory_space<vmem>>)
      %mul3A_239 = arith.constant 10000 : i32
      %mul3A_240 = arith.muli %arg1, %mul3A_239 : i32
      %mul3A_241 = arith.constant 20 : i32
      %mul3A_242 = arith.muli %add3A_222, %mul3A_241 : i32
      %add3A_243 = arith.addi %mul3A_240, %mul3A_242 : i32
      %dma_wait3A_244 = arith.constant 2 : i32
      %dma_wait3A_245 = arith.constant 0 : i32
      %dma_wait3A_246 = arith.constant 0 : i32
      %dma_wait3A_247 = tpu.memref_slice %arg11[%dma_wait3A_244, %dma_wait3A_245, %dma_wait3A_246] : memref<5x20x128xf32, #tpu.memory_space<vmem>> -> memref<1x20x128xf32, #tpu.memory_space<vmem>>
      %dma_wait3A_248 = tpu.memref_squeeze %dma_wait3A_247 : memref<1x20x128xf32, #tpu.memory_space<vmem>> -> memref<20x128xf32, #tpu.memory_space<vmem>>
      %dma_wait3A_249 = arith.constant 0 : i32
      %dma_wait3A_250 = tpu.memref_slice %arg2[%arg0, %add3A_243, %dma_wait3A_249] : memref<2x160000x128xf32, #tpu.memory_space<hbm>> -> memref<1x20x128xf32, #tpu.memory_space<hbm>>
      %dma_wait3A_251 = tpu.memref_squeeze %dma_wait3A_250 : memref<1x20x128xf32, #tpu.memory_space<hbm>> -> memref<20x128xf32, #tpu.memory_space<hbm>>
      %dma_wait3A_252 = arith.constant 0 : i32
      %dma_wait3A_253 = arith.constant 0 : i32
      %dma_wait3A_254 = tpu.memref_slice %arg11[%dma_wait3A_244, %dma_wait3A_252, %dma_wait3A_253] : memref<5x20x128xf32, #tpu.memory_space<vmem>> -> memref<1x20x128xf32, #tpu.memory_space<vmem>>
      %dma_wait3A_255 = tpu.memref_squeeze %dma_wait3A_254 : memref<1x20x128xf32, #tpu.memory_space<vmem>> -> memref<20x128xf32, #tpu.memory_space<vmem>>
      %dma_wait3A_256 = arith.constant 0 : i32
      %dma_wait3A_257 = tpu.memref_slice %arg2[%arg0, %add3A_243, %dma_wait3A_256] : memref<2x160000x128xf32, #tpu.memory_space<hbm>> -> memref<1x20x128xf32, #tpu.memory_space<hbm>>
      %dma_wait3A_258 = tpu.memref_squeeze %dma_wait3A_257 : memref<1x20x128xf32, #tpu.memory_space<hbm>> -> memref<20x128xf32, #tpu.memory_space<hbm>>
      tpu.wait_dma2 semaphore(%arg20 : memref<!tpu.dma_semaphore, #tpu.memory_space<semaphore_mem>>) src(%dma_wait3A_258 : memref<20x128xf32, #tpu.memory_space<hbm>>) dst(%dma_wait3A_255 : memref<20x128xf32, #tpu.memory_space<vmem>>)
      %scan3A_259 = arith.constant 2 : i32
      %scan3A_260 = arith.constant 2 : i32
      %scan3A_261 = arith.constant 0 : i32
      %scan3A_262 = arith.constant 0 : i32
      %scan3A_263 = arith.constant 20 : i32
      %scan3A_264 = arith.addi %scan3A_262, %scan3A_263 : i32
      %scan3A_265 = arith.constant 1 : i32
      %scan3A_266 = scf.for %scan3A_403 = %scan3A_262 to %scan3A_264 step %scan3A_265 iter_args(%scan3A_404 = %scan3A_261) -> (i32)  : i32 {
        %mul3A_405 = arith.constant 2 : i32
        %mul3A_406 = arith.muli %mul3A_405, %scan3A_403 : i32
        %get3A = arith.constant 0 : i32
        %get3A_407 = arith.constant 0 : i32
        %get3A_408 = tpu.memref_slice %arg10[%scan3A_259, %get3A, %get3A_407] : memref<5x40x64xf32, #tpu.memory_space<vmem>> -> memref<1x40x64xf32, #tpu.memory_space<vmem>>
        %get3A_409 = tpu.memref_squeeze %get3A_408 : memref<1x40x64xf32, #tpu.memory_space<vmem>> -> memref<40x64xf32, #tpu.memory_space<vmem>>
        %get3A_410 = arith.index_cast %mul3A_406 : i32 to index
        %get3A_411 = arith.constant 0 : index
        %get3A_412 = tpu.vector_load %get3A_409[%get3A_410, %get3A_411] {strides = array<i32>} : memref<40x64xf32, #tpu.memory_space<vmem>>, vector<1x16xf32>,
        %get3A_413 = vector.shape_cast %get3A_412 : vector<1x16xf32> to vector<16xf32>
        %get3A_414 = arith.constant 0 : i32
        %get3A_415 = arith.constant 0 : i32
        %get3A_416 = tpu.memref_slice %arg11[%scan3A_260, %get3A_414, %get3A_415] : memref<5x20x128xf32, #tpu.memory_space<vmem>> -> memref<1x20x128xf32, #tpu.memory_space<vmem>>
        %get3A_417 = tpu.memref_squeeze %get3A_416 : memref<1x20x128xf32, #tpu.memory_space<vmem>> -> memref<20x128xf32, #tpu.memory_space<vmem>>
        %get3A_418 = arith.index_cast %scan3A_403 : i32 to index
        %get3A_419 = arith.constant 0 : index
        %get3A_420 = tpu.vector_load %get3A_417[%get3A_418, %get3A_419] {strides = array<i32>} : memref<20x128xf32, #tpu.memory_space<vmem>>, vector<1x16xf32>,
        %get3A_421 = vector.shape_cast %get3A_420 : vector<1x16xf32> to vector<16xf32>
        %mul3A_422 = arith.mulf %get3A_413, %get3A_421 : vector<16xf32>
        %swap3A = arith.constant 0 : i32
        %swap3A_423 = arith.constant 0 : i32
        %swap3A_424 = tpu.memref_slice %arg10[%scan3A_259, %swap3A, %swap3A_423] : memref<5x40x64xf32, #tpu.memory_space<vmem>> -> memref<1x40x64xf32, #tpu.memory_space<vmem>>
        %swap3A_425 = tpu.memref_squeeze %swap3A_424 : memref<1x40x64xf32, #tpu.memory_space<vmem>> -> memref<40x64xf32, #tpu.memory_space<vmem>>
        %swap3A_426 = arith.index_cast %mul3A_406 : i32 to index
        %swap3A_427 = arith.constant 0 : index
        %swap3A_428 = tpu.vector_load %swap3A_425[%swap3A_426, %swap3A_427] {strides = array<i32>} : memref<40x64xf32, #tpu.memory_space<vmem>>, vector<1x16xf32>,
        %swap3A_429 = vector.shape_cast %swap3A_428 : vector<1x16xf32> to vector<16xf32>
        %swap3A_430 = vector.shape_cast %mul3A_422 : vector<16xf32> to vector<1x16xf32>
        tpu.vector_store %swap3A_425[%swap3A_426, %swap3A_427], %swap3A_430 {strides = array<i32>} : memref<40x64xf32, #tpu.memory_space<vmem>>, vector<1x16xf32>,
        %add3A_431 = arith.constant 1 : i32
        %add3A_432 = arith.addi %mul3A_406, %add3A_431 : i32
        %get3A_433 = arith.constant 0 : i32
        %get3A_434 = arith.constant 0 : i32
        %get3A_435 = tpu.memref_slice %arg10[%scan3A_259, %get3A_433, %get3A_434] : memref<5x40x64xf32, #tpu.memory_space<vmem>> -> memref<1x40x64xf32, #tpu.memory_space<vmem>>
        %get3A_436 = tpu.memref_squeeze %get3A_435 : memref<1x40x64xf32, #tpu.memory_space<vmem>> -> memref<40x64xf32, #tpu.memory_space<vmem>>
        %get3A_437 = arith.index_cast %add3A_432 : i32 to index
        %get3A_438 = arith.constant 0 : index
        %get3A_439 = tpu.vector_load %get3A_436[%get3A_437, %get3A_438] {strides = array<i32>} : memref<40x64xf32, #tpu.memory_space<vmem>>, vector<1x16xf32>,
        %get3A_440 = vector.shape_cast %get3A_439 : vector<1x16xf32> to vector<16xf32>
        %get3A_441 = arith.constant 0 : i32
        %get3A_442 = arith.constant 0 : i32
        %get3A_443 = tpu.memref_slice %arg11[%scan3A_260, %get3A_441, %get3A_442] : memref<5x20x128xf32, #tpu.memory_space<vmem>> -> memref<1x20x128xf32, #tpu.memory_space<vmem>>
        %get3A_444 = tpu.memref_squeeze %get3A_443 : memref<1x20x128xf32, #tpu.memory_space<vmem>> -> memref<20x128xf32, #tpu.memory_space<vmem>>
        %get3A_445 = arith.index_cast %scan3A_403 : i32 to index
        %get3A_446 = arith.constant 64 : index
        %get3A_447 = tpu.vector_load %get3A_444[%get3A_445, %get3A_446] {strides = array<i32>} : memref<20x128xf32, #tpu.memory_space<vmem>>, vector<1x16xf32>,
        %get3A_448 = vector.shape_cast %get3A_447 : vector<1x16xf32> to vector<16xf32>
        %mul3A_449 = arith.mulf %get3A_440, %get3A_448 : vector<16xf32>
        %add3A_450 = arith.constant 1 : i32
        %add3A_451 = arith.addi %mul3A_406, %add3A_450 : i32
        %swap3A_452 = arith.constant 0 : i32
        %swap3A_453 = arith.constant 0 : i32
        %swap3A_454 = tpu.memref_slice %arg10[%scan3A_259, %swap3A_452, %swap3A_453] : memref<5x40x64xf32, #tpu.memory_space<vmem>> -> memref<1x40x64xf32, #tpu.memory_space<vmem>>
        %swap3A_455 = tpu.memref_squeeze %swap3A_454 : memref<1x40x64xf32, #tpu.memory_space<vmem>> -> memref<40x64xf32, #tpu.memory_space<vmem>>
        %swap3A_456 = arith.index_cast %add3A_451 : i32 to index
        %swap3A_457 = arith.constant 0 : index
        %swap3A_458 = tpu.vector_load %swap3A_455[%swap3A_456, %swap3A_457] {strides = array<i32>} : memref<40x64xf32, #tpu.memory_space<vmem>>, vector<1x16xf32>,
        %swap3A_459 = vector.shape_cast %swap3A_458 : vector<1x16xf32> to vector<16xf32>
        %swap3A_460 = vector.shape_cast %mul3A_449 : vector<16xf32> to vector<1x16xf32>
        tpu.vector_store %swap3A_455[%swap3A_456, %swap3A_457], %swap3A_460 {strides = array<i32>} : memref<40x64xf32, #tpu.memory_space<vmem>>, vector<1x16xf32>,
        %get3A_461 = arith.constant 0 : i32
        %get3A_462 = arith.constant 0 : i32
        %get3A_463 = tpu.memref_slice %arg10[%scan3A_259, %get3A_461, %get3A_462] : memref<5x40x64xf32, #tpu.memory_space<vmem>> -> memref<1x40x64xf32, #tpu.memory_space<vmem>>
        %get3A_464 = tpu.memref_squeeze %get3A_463 : memref<1x40x64xf32, #tpu.memory_space<vmem>> -> memref<40x64xf32, #tpu.memory_space<vmem>>
        %get3A_465 = arith.index_cast %mul3A_406 : i32 to index
        %get3A_466 = arith.constant 16 : index
        %get3A_467 = tpu.vector_load %get3A_464[%get3A_465, %get3A_466] {strides = array<i32>} : memref<40x64xf32, #tpu.memory_space<vmem>>, vector<1x16xf32>,
        %get3A_468 = vector.shape_cast %get3A_467 : vector<1x16xf32> to vector<16xf32>
        %get3A_469 = arith.constant 0 : i32
        %get3A_470 = arith.constant 0 : i32
        %get3A_471 = tpu.memref_slice %arg11[%scan3A_260, %get3A_469, %get3A_470] : memref<5x20x128xf32, #tpu.memory_space<vmem>> -> memref<1x20x128xf32, #tpu.memory_space<vmem>>
        %get3A_472 = tpu.memref_squeeze %get3A_471 : memref<1x20x128xf32, #tpu.memory_space<vmem>> -> memref<20x128xf32, #tpu.memory_space<vmem>>
        %get3A_473 = arith.index_cast %scan3A_403 : i32 to index
        %get3A_474 = arith.constant 16 : index
        %get3A_475 = tpu.vector_load %get3A_472[%get3A_473, %get3A_474] {strides = array<i32>} : memref<20x128xf32, #tpu.memory_space<vmem>>, vector<1x16xf32>,
        %get3A_476 = vector.shape_cast %get3A_475 : vector<1x16xf32> to vector<16xf32>
        %mul3A_477 = arith.mulf %get3A_468, %get3A_476 : vector<16xf32>
        %swap3A_478 = arith.constant 0 : i32
        %swap3A_479 = arith.constant 0 : i32
        %swap3A_480 = tpu.memref_slice %arg10[%scan3A_259, %swap3A_478, %swap3A_479] : memref<5x40x64xf32, #tpu.memory_space<vmem>> -> memref<1x40x64xf32, #tpu.memory_space<vmem>>
        %swap3A_481 = tpu.memref_squeeze %swap3A_480 : memref<1x40x64xf32, #tpu.memory_space<vmem>> -> memref<40x64xf32, #tpu.memory_space<vmem>>
        %swap3A_482 = arith.index_cast %mul3A_406 : i32 to index
        %swap3A_483 = arith.constant 16 : index
        %swap3A_484 = tpu.vector_load %swap3A_481[%swap3A_482, %swap3A_483] {strides = array<i32>} : memref<40x64xf32, #tpu.memory_space<vmem>>, vector<1x16xf32>,
        %swap3A_485 = vector.shape_cast %swap3A_484 : vector<1x16xf32> to vector<16xf32>
        %swap3A_486 = vector.shape_cast %mul3A_477 : vector<16xf32> to vector<1x16xf32>
        tpu.vector_store %swap3A_481[%swap3A_482, %swap3A_483], %swap3A_486 {strides = array<i32>} : memref<40x64xf32, #tpu.memory_space<vmem>>, vector<1x16xf32>,
        %add3A_487 = arith.constant 1 : i32
        %add3A_488 = arith.addi %mul3A_406, %add3A_487 : i32
        %get3A_489 = arith.constant 0 : i32
        %get3A_490 = arith.constant 0 : i32
        %get3A_491 = tpu.memref_slice %arg10[%scan3A_259, %get3A_489, %get3A_490] : memref<5x40x64xf32, #tpu.memory_space<vmem>> -> memref<1x40x64xf32, #tpu.memory_space<vmem>>
        %get3A_492 = tpu.memref_squeeze %get3A_491 : memref<1x40x64xf32, #tpu.memory_space<vmem>> -> memref<40x64xf32, #tpu.memory_space<vmem>>
        %get3A_493 = arith.index_cast %add3A_488 : i32 to index
        %get3A_494 = arith.constant 16 : index
        %get3A_495 = tpu.vector_load %get3A_492[%get3A_493, %get3A_494] {strides = array<i32>} : memref<40x64xf32, #tpu.memory_space<vmem>>, vector<1x16xf32>,
        %get3A_496 = vector.shape_cast %get3A_495 : vector<1x16xf32> to vector<16xf32>
        %get3A_497 = arith.constant 0 : i32
        %get3A_498 = arith.constant 0 : i32
        %get3A_499 = tpu.memref_slice %arg11[%scan3A_260, %get3A_497, %get3A_498] : memref<5x20x128xf32, #tpu.memory_space<vmem>> -> memref<1x20x128xf32, #tpu.memory_space<vmem>>
        %get3A_500 = tpu.memref_squeeze %get3A_499 : memref<1x20x128xf32, #tpu.memory_space<vmem>> -> memref<20x128xf32, #tpu.memory_space<vmem>>
        %get3A_501 = arith.index_cast %scan3A_403 : i32 to index
        %get3A_502 = arith.constant 80 : index
        %get3A_503 = tpu.vector_load %get3A_500[%get3A_501, %get3A_502] {strides = array<i32>} : memref<20x128xf32, #tpu.memory_space<vmem>>, vector<1x16xf32>,
        %get3A_504 = vector.shape_cast %get3A_503 : vector<1x16xf32> to vector<16xf32>
        %mul3A_505 = arith.mulf %get3A_496, %get3A_504 : vector<16xf32>
        %add3A_506 = arith.constant 1 : i32
        %add3A_507 = arith.addi %mul3A_406, %add3A_506 : i32
        %swap3A_508 = arith.constant 0 : i32
        %swap3A_509 = arith.constant 0 : i32
        %swap3A_510 = tpu.memref_slice %arg10[%scan3A_259, %swap3A_508, %swap3A_509] : memref<5x40x64xf32, #tpu.memory_space<vmem>> -> memref<1x40x64xf32, #tpu.memory_space<vmem>>
        %swap3A_511 = tpu.memref_squeeze %swap3A_510 : memref<1x40x64xf32, #tpu.memory_space<vmem>> -> memref<40x64xf32, #tpu.memory_space<vmem>>
        %swap3A_512 = arith.index_cast %add3A_507 : i32 to index
        %swap3A_513 = arith.constant 16 : index
        %swap3A_514 = tpu.vector_load %swap3A_511[%swap3A_512, %swap3A_513] {strides = array<i32>} : memref<40x64xf32, #tpu.memory_space<vmem>>, vector<1x16xf32>,
        %swap3A_515 = vector.shape_cast %swap3A_514 : vector<1x16xf32> to vector<16xf32>
        %swap3A_516 = vector.shape_cast %mul3A_505 : vector<16xf32> to vector<1x16xf32>
        tpu.vector_store %swap3A_511[%swap3A_512, %swap3A_513], %swap3A_516 {strides = array<i32>} : memref<40x64xf32, #tpu.memory_space<vmem>>, vector<1x16xf32>,
        %get3A_517 = arith.constant 0 : i32
        %get3A_518 = arith.constant 0 : i32
        %get3A_519 = tpu.memref_slice %arg10[%scan3A_259, %get3A_517, %get3A_518] : memref<5x40x64xf32, #tpu.memory_space<vmem>> -> memref<1x40x64xf32, #tpu.memory_space<vmem>>
        %get3A_520 = tpu.memref_squeeze %get3A_519 : memref<1x40x64xf32, #tpu.memory_space<vmem>> -> memref<40x64xf32, #tpu.memory_space<vmem>>
        %get3A_521 = arith.index_cast %mul3A_406 : i32 to index
        %get3A_522 = arith.constant 32 : index
        %get3A_523 = tpu.vector_load %get3A_520[%get3A_521, %get3A_522] {strides = array<i32>} : memref<40x64xf32, #tpu.memory_space<vmem>>, vector<1x16xf32>,
        %get3A_524 = vector.shape_cast %get3A_523 : vector<1x16xf32> to vector<16xf32>
        %get3A_525 = arith.constant 0 : i32
        %get3A_526 = arith.constant 0 : i32
        %get3A_527 = tpu.memref_slice %arg11[%scan3A_260, %get3A_525, %get3A_526] : memref<5x20x128xf32, #tpu.memory_space<vmem>> -> memref<1x20x128xf32, #tpu.memory_space<vmem>>
        %get3A_528 = tpu.memref_squeeze %get3A_527 : memref<1x20x128xf32, #tpu.memory_space<vmem>> -> memref<20x128xf32, #tpu.memory_space<vmem>>
        %get3A_529 = arith.index_cast %scan3A_403 : i32 to index
        %get3A_530 = arith.constant 32 : index
        %get3A_531 = tpu.vector_load %get3A_528[%get3A_529, %get3A_530] {strides = array<i32>} : memref<20x128xf32, #tpu.memory_space<vmem>>, vector<1x16xf32>,
        %get3A_532 = vector.shape_cast %get3A_531 : vector<1x16xf32> to vector<16xf32>
        %mul3A_533 = arith.mulf %get3A_524, %get3A_532 : vector<16xf32>
        %swap3A_534 = arith.constant 0 : i32
        %swap3A_535 = arith.constant 0 : i32
        %swap3A_536 = tpu.memref_slice %arg10[%scan3A_259, %swap3A_534, %swap3A_535] : memref<5x40x64xf32, #tpu.memory_space<vmem>> -> memref<1x40x64xf32, #tpu.memory_space<vmem>>
        %swap3A_537 = tpu.memref_squeeze %swap3A_536 : memref<1x40x64xf32, #tpu.memory_space<vmem>> -> memref<40x64xf32, #tpu.memory_space<vmem>>
        %swap3A_538 = arith.index_cast %mul3A_406 : i32 to index
        %swap3A_539 = arith.constant 32 : index
        %swap3A_540 = tpu.vector_load %swap3A_537[%swap3A_538, %swap3A_539] {strides = array<i32>} : memref<40x64xf32, #tpu.memory_space<vmem>>, vector<1x16xf32>,
        %swap3A_541 = vector.shape_cast %swap3A_540 : vector<1x16xf32> to vector<16xf32>
        %swap3A_542 = vector.shape_cast %mul3A_533 : vector<16xf32> to vector<1x16xf32>
        tpu.vector_store %swap3A_537[%swap3A_538, %swap3A_539], %swap3A_542 {strides = array<i32>} : memref<40x64xf32, #tpu.memory_space<vmem>>, vector<1x16xf32>,
        %add3A_543 = arith.constant 1 : i32
        %add3A_544 = arith.addi %mul3A_406, %add3A_543 : i32
        %get3A_545 = arith.constant 0 : i32
        %get3A_546 = arith.constant 0 : i32
        %get3A_547 = tpu.memref_slice %arg10[%scan3A_259, %get3A_545, %get3A_546] : memref<5x40x64xf32, #tpu.memory_space<vmem>> -> memref<1x40x64xf32, #tpu.memory_space<vmem>>
        %get3A_548 = tpu.memref_squeeze %get3A_547 : memref<1x40x64xf32, #tpu.memory_space<vmem>> -> memref<40x64xf32, #tpu.memory_space<vmem>>
        %get3A_549 = arith.index_cast %add3A_544 : i32 to index
        %get3A_550 = arith.constant 32 : index
        %get3A_551 = tpu.vector_load %get3A_548[%get3A_549, %get3A_550] {strides = array<i32>} : memref<40x64xf32, #tpu.memory_space<vmem>>, vector<1x16xf32>,
        %get3A_552 = vector.shape_cast %get3A_551 : vector<1x16xf32> to vector<16xf32>
        %get3A_553 = arith.constant 0 : i32
        %get3A_554 = arith.constant 0 : i32
        %get3A_555 = tpu.memref_slice %arg11[%scan3A_260, %get3A_553, %get3A_554] : memref<5x20x128xf32, #tpu.memory_space<vmem>> -> memref<1x20x128xf32, #tpu.memory_space<vmem>>
        %get3A_556 = tpu.memref_squeeze %get3A_555 : memref<1x20x128xf32, #tpu.memory_space<vmem>> -> memref<20x128xf32, #tpu.memory_space<vmem>>
        %get3A_557 = arith.index_cast %scan3A_403 : i32 to index
        %get3A_558 = arith.constant 96 : index
        %get3A_559 = tpu.vector_load %get3A_556[%get3A_557, %get3A_558] {strides = array<i32>} : memref<20x128xf32, #tpu.memory_space<vmem>>, vector<1x16xf32>,
        %get3A_560 = vector.shape_cast %get3A_559 : vector<1x16xf32> to vector<16xf32>
        %mul3A_561 = arith.mulf %get3A_552, %get3A_560 : vector<16xf32>
        %add3A_562 = arith.constant 1 : i32
        %add3A_563 = arith.addi %mul3A_406, %add3A_562 : i32
        %swap3A_564 = arith.constant 0 : i32
        %swap3A_565 = arith.constant 0 : i32
        %swap3A_566 = tpu.memref_slice %arg10[%scan3A_259, %swap3A_564, %swap3A_565] : memref<5x40x64xf32, #tpu.memory_space<vmem>> -> memref<1x40x64xf32, #tpu.memory_space<vmem>>
        %swap3A_567 = tpu.memref_squeeze %swap3A_566 : memref<1x40x64xf32, #tpu.memory_space<vmem>> -> memref<40x64xf32, #tpu.memory_space<vmem>>
        %swap3A_568 = arith.index_cast %add3A_563 : i32 to index
        %swap3A_569 = arith.constant 32 : index
        %swap3A_570 = tpu.vector_load %swap3A_567[%swap3A_568, %swap3A_569] {strides = array<i32>} : memref<40x64xf32, #tpu.memory_space<vmem>>, vector<1x16xf32>,
        %swap3A_571 = vector.shape_cast %swap3A_570 : vector<1x16xf32> to vector<16xf32>
        %swap3A_572 = vector.shape_cast %mul3A_561 : vector<16xf32> to vector<1x16xf32>
        tpu.vector_store %swap3A_567[%swap3A_568, %swap3A_569], %swap3A_572 {strides = array<i32>} : memref<40x64xf32, #tpu.memory_space<vmem>>, vector<1x16xf32>,
        %get3A_573 = arith.constant 0 : i32
        %get3A_574 = arith.constant 0 : i32
        %get3A_575 = tpu.memref_slice %arg10[%scan3A_259, %get3A_573, %get3A_574] : memref<5x40x64xf32, #tpu.memory_space<vmem>> -> memref<1x40x64xf32, #tpu.memory_space<vmem>>
        %get3A_576 = tpu.memref_squeeze %get3A_575 : memref<1x40x64xf32, #tpu.memory_space<vmem>> -> memref<40x64xf32, #tpu.memory_space<vmem>>
        %get3A_577 = arith.index_cast %mul3A_406 : i32 to index
        %get3A_578 = arith.constant 48 : index
        %get3A_579 = tpu.vector_load %get3A_576[%get3A_577, %get3A_578] {strides = array<i32>} : memref<40x64xf32, #tpu.memory_space<vmem>>, vector<1x16xf32>,
        %get3A_580 = vector.shape_cast %get3A_579 : vector<1x16xf32> to vector<16xf32>
        %get3A_581 = arith.constant 0 : i32
        %get3A_582 = arith.constant 0 : i32
        %get3A_583 = tpu.memref_slice %arg11[%scan3A_260, %get3A_581, %get3A_582] : memref<5x20x128xf32, #tpu.memory_space<vmem>> -> memref<1x20x128xf32, #tpu.memory_space<vmem>>
        %get3A_584 = tpu.memref_squeeze %get3A_583 : memref<1x20x128xf32, #tpu.memory_space<vmem>> -> memref<20x128xf32, #tpu.memory_space<vmem>>
        %get3A_585 = arith.index_cast %scan3A_403 : i32 to index
        %get3A_586 = arith.constant 48 : index
        %get3A_587 = tpu.vector_load %get3A_584[%get3A_585, %get3A_586] {strides = array<i32>} : memref<20x128xf32, #tpu.memory_space<vmem>>, vector<1x16xf32>,
        %get3A_588 = vector.shape_cast %get3A_587 : vector<1x16xf32> to vector<16xf32>
        %mul3A_589 = arith.mulf %get3A_580, %get3A_588 : vector<16xf32>
        %swap3A_590 = arith.constant 0 : i32
        %swap3A_591 = arith.constant 0 : i32
        %swap3A_592 = tpu.memref_slice %arg10[%scan3A_259, %swap3A_590, %swap3A_591] : memref<5x40x64xf32, #tpu.memory_space<vmem>> -> memref<1x40x64xf32, #tpu.memory_space<vmem>>
        %swap3A_593 = tpu.memref_squeeze %swap3A_592 : memref<1x40x64xf32, #tpu.memory_space<vmem>> -> memref<40x64xf32, #tpu.memory_space<vmem>>
        %swap3A_594 = arith.index_cast %mul3A_406 : i32 to index
        %swap3A_595 = arith.constant 48 : index
        %swap3A_596 = tpu.vector_load %swap3A_593[%swap3A_594, %swap3A_595] {strides = array<i32>} : memref<40x64xf32, #tpu.memory_space<vmem>>, vector<1x16xf32>,
        %swap3A_597 = vector.shape_cast %swap3A_596 : vector<1x16xf32> to vector<16xf32>
        %swap3A_598 = vector.shape_cast %mul3A_589 : vector<16xf32> to vector<1x16xf32>
        tpu.vector_store %swap3A_593[%swap3A_594, %swap3A_595], %swap3A_598 {strides = array<i32>} : memref<40x64xf32, #tpu.memory_space<vmem>>, vector<1x16xf32>,
        %add3A_599 = arith.constant 1 : i32
        %add3A_600 = arith.addi %mul3A_406, %add3A_599 : i32
        %get3A_601 = arith.constant 0 : i32
        %get3A_602 = arith.constant 0 : i32
        %get3A_603 = tpu.memref_slice %arg10[%scan3A_259, %get3A_601, %get3A_602] : memref<5x40x64xf32, #tpu.memory_space<vmem>> -> memref<1x40x64xf32, #tpu.memory_space<vmem>>
        %get3A_604 = tpu.memref_squeeze %get3A_603 : memref<1x40x64xf32, #tpu.memory_space<vmem>> -> memref<40x64xf32, #tpu.memory_space<vmem>>
        %get3A_605 = arith.index_cast %add3A_600 : i32 to index
        %get3A_606 = arith.constant 48 : index
        %get3A_607 = tpu.vector_load %get3A_604[%get3A_605, %get3A_606] {strides = array<i32>} : memref<40x64xf32, #tpu.memory_space<vmem>>, vector<1x16xf32>,
        %get3A_608 = vector.shape_cast %get3A_607 : vector<1x16xf32> to vector<16xf32>
        %get3A_609 = arith.constant 0 : i32
        %get3A_610 = arith.constant 0 : i32
        %get3A_611 = tpu.memref_slice %arg11[%scan3A_260, %get3A_609, %get3A_610] : memref<5x20x128xf32, #tpu.memory_space<vmem>> -> memref<1x20x128xf32, #tpu.memory_space<vmem>>
        %get3A_612 = tpu.memref_squeeze %get3A_611 : memref<1x20x128xf32, #tpu.memory_space<vmem>> -> memref<20x128xf32, #tpu.memory_space<vmem>>
        %get3A_613 = arith.index_cast %scan3A_403 : i32 to index
        %get3A_614 = arith.constant 112 : index
        %get3A_615 = tpu.vector_load %get3A_612[%get3A_613, %get3A_614] {strides = array<i32>} : memref<20x128xf32, #tpu.memory_space<vmem>>, vector<1x16xf32>,
        %get3A_616 = vector.shape_cast %get3A_615 : vector<1x16xf32> to vector<16xf32>
        %mul3A_617 = arith.mulf %get3A_608, %get3A_616 : vector<16xf32>
        %add3A_618 = arith.constant 1 : i32
        %add3A_619 = arith.addi %mul3A_406, %add3A_618 : i32
        %swap3A_620 = arith.constant 0 : i32
        %swap3A_621 = arith.constant 0 : i32
        %swap3A_622 = tpu.memref_slice %arg10[%scan3A_259, %swap3A_620, %swap3A_621] : memref<5x40x64xf32, #tpu.memory_space<vmem>> -> memref<1x40x64xf32, #tpu.memory_space<vmem>>
        %swap3A_623 = tpu.memref_squeeze %swap3A_622 : memref<1x40x64xf32, #tpu.memory_space<vmem>> -> memref<40x64xf32, #tpu.memory_space<vmem>>
        %swap3A_624 = arith.index_cast %add3A_619 : i32 to index
        %swap3A_625 = arith.constant 48 : index
        %swap3A_626 = tpu.vector_load %swap3A_623[%swap3A_624, %swap3A_625] {strides = array<i32>} : memref<40x64xf32, #tpu.memory_space<vmem>>, vector<1x16xf32>,
        %swap3A_627 = vector.shape_cast %swap3A_626 : vector<1x16xf32> to vector<16xf32>
        %swap3A_628 = vector.shape_cast %mul3A_617 : vector<16xf32> to vector<1x16xf32>
        tpu.vector_store %swap3A_623[%swap3A_624, %swap3A_625], %swap3A_628 {strides = array<i32>} : memref<40x64xf32, #tpu.memory_space<vmem>>, vector<1x16xf32>,
        %scan3A_629 = arith.constant 0 : i32
        scf.yield %scan3A_629 : i32
      }
      %scan3A_267 = arith.constant 20 : i32
      %lt3A_268 = arith.constant 495 : i32
      %lt3A_269 = arith.cmpi slt, %add3A_222, %lt3A_268 : i32
      %convert_element_type3A_270 = arith.extui %lt3A_269 : i1 to i32
      %cond3A_271 = arith.constant 2 : i32
      %cond3A_272 = arith.constant 0 : i32
      %cond3A_273 = arith.cmpi ne, %convert_element_type3A_270, %cond3A_272 : i32
      scf.if %cond3A_273 {
        %dma_start3A_403 = arith.constant 0 : i32
        %dma_start3A_404 = arith.constant 0 : i32
        %dma_start3A_405 = tpu.memref_slice %arg10[%cond3A_271, %dma_start3A_403, %dma_start3A_404] : memref<5x40x64xf32, #tpu.memory_space<vmem>> -> memref<1x40x64xf32, #tpu.memory_space<vmem>>
        %dma_start3A_406 = tpu.memref_squeeze %dma_start3A_405 : memref<1x40x64xf32, #tpu.memory_space<vmem>> -> memref<40x64xf32, #tpu.memory_space<vmem>>
        %dma_start3A_407 = arith.constant 0 : i32
        %dma_start3A_408 = tpu.memref_slice %arg9[%add3A_222, %dma_start3A_407] : memref<500x40xi32, #tpu.memory_space<vmem>> -> memref<1x40xi32, #tpu.memory_space<vmem>>
        %dma_start3A_409 = tpu.memref_squeeze %dma_start3A_408 : memref<1x40xi32, #tpu.memory_space<vmem>> -> memref<40xi32, #tpu.memory_space<vmem>>
        %dma_start3A_410 = arith.constant 0 : i32
        %dma_start3A_411 = arith.constant 0 : i32
        %dma_start3A_412 = tpu.memref_slice %arg12[%dma_start3A_410, %dma_start3A_411] : memref<10112x64xf32, #tpu.memory_space<vmem_shared>> -> memref<10112x64xf32, #tpu.memory_space<vmem_shared>>
        tpu.enqueue_indirect_dma source(%dma_start3A_406 : memref<40x64xf32, #tpu.memory_space<vmem>>) target(%dma_start3A_412 : memref<10112x64xf32, #tpu.memory_space<vmem_shared>>) offsets(%dma_start3A_409 : memref<40xi32, #tpu.memory_space<vmem>>) semaphore(%arg25 : memref<!tpu.dma_semaphore, #tpu.memory_space<semaphore_mem>>) {add = true}
      } else {
      }
      %ge3A_274 = arith.constant 495 : i32
      %ge3A_275 = arith.cmpi sge, %add3A_222, %ge3A_274 : i32
      %convert_element_type3A_276 = arith.extui %ge3A_275 : i1 to i32
      %cond3A_277 = arith.constant 2 : i32
      %cond3A_278 = arith.constant 0 : i32
      %cond3A_279 = arith.cmpi ne, %convert_element_type3A_276, %cond3A_278 : i32
      scf.if %cond3A_279 {
        "tpu.region"() ({
          %run_scoped3A = tpu.sem_alloc : memref<!tpu.dma_semaphore, #tpu.memory_space<semaphore_mem>>
          %dma_start3A_403 = arith.constant 0 : i32
          %dma_start3A_404 = arith.constant 0 : i32
          %dma_start3A_405 = tpu.memref_slice %arg10[%cond3A_277, %dma_start3A_403, %dma_start3A_404] : memref<5x40x64xf32, #tpu.memory_space<vmem>> -> memref<1x40x64xf32, #tpu.memory_space<vmem>>
          %dma_start3A_406 = tpu.memref_squeeze %dma_start3A_405 : memref<1x40x64xf32, #tpu.memory_space<vmem>> -> memref<40x64xf32, #tpu.memory_space<vmem>>
          %dma_start3A_407 = arith.constant 0 : i32
          %dma_start3A_408 = tpu.memref_slice %arg9[%add3A_222, %dma_start3A_407] : memref<500x40xi32, #tpu.memory_space<vmem>> -> memref<1x40xi32, #tpu.memory_space<vmem>>
          %dma_start3A_409 = tpu.memref_squeeze %dma_start3A_408 : memref<1x40xi32, #tpu.memory_space<vmem>> -> memref<40xi32, #tpu.memory_space<vmem>>
          %dma_start3A_410 = arith.constant 0 : i32
          %dma_start3A_411 = arith.constant 0 : i32
          %dma_start3A_412 = tpu.memref_slice %arg12[%dma_start3A_410, %dma_start3A_411] : memref<10112x64xf32, #tpu.memory_space<vmem_shared>> -> memref<10112x64xf32, #tpu.memory_space<vmem_shared>>
          tpu.enqueue_indirect_dma source(%dma_start3A_406 : memref<40x64xf32, #tpu.memory_space<vmem>>) target(%dma_start3A_412 : memref<10112x64xf32, #tpu.memory_space<vmem_shared>>) offsets(%dma_start3A_409 : memref<40xi32, #tpu.memory_space<vmem>>) semaphore(%run_scoped3A : memref<!tpu.dma_semaphore, #tpu.memory_space<semaphore_mem>>) {add = true}
          %dma_wait3A_413 = arith.constant 0 : i32
          %dma_wait3A_414 = arith.constant 0 : i32
          %dma_wait3A_415 = tpu.memref_slice %arg10[%cond3A_277, %dma_wait3A_413, %dma_wait3A_414] : memref<5x40x64xf32, #tpu.memory_space<vmem>> -> memref<1x40x64xf32, #tpu.memory_space<vmem>>
          %dma_wait3A_416 = tpu.memref_squeeze %dma_wait3A_415 : memref<1x40x64xf32, #tpu.memory_space<vmem>> -> memref<40x64xf32, #tpu.memory_space<vmem>>
          %dma_wait3A_417 = arith.constant 0 : i32
          %dma_wait3A_418 = tpu.memref_slice %arg9[%add3A_222, %dma_wait3A_417] : memref<500x40xi32, #tpu.memory_space<vmem>> -> memref<1x40xi32, #tpu.memory_space<vmem>>
          %dma_wait3A_419 = tpu.memref_squeeze %dma_wait3A_418 : memref<1x40xi32, #tpu.memory_space<vmem>> -> memref<40xi32, #tpu.memory_space<vmem>>
          %dma_wait3A_420 = arith.constant 0 : i32
          %dma_wait3A_421 = arith.constant 0 : i32
          %dma_wait3A_422 = tpu.memref_slice %arg12[%dma_wait3A_420, %dma_wait3A_421] : memref<10112x64xf32, #tpu.memory_space<vmem_shared>> -> memref<10112x64xf32, #tpu.memory_space<vmem_shared>>
          tpu.wait_indirect_dma semaphore(%run_scoped3A : memref<!tpu.dma_semaphore, #tpu.memory_space<semaphore_mem>>) src(%dma_wait3A_416 : memref<40x64xf32, #tpu.memory_space<vmem>>) dst(%dma_wait3A_422 : memref<10112x64xf32, #tpu.memory_space<vmem_shared>>)
          tpu.yield
        }) : () -> ()
      } else {
      }
      %mul3A_280 = arith.constant 5 : i32
      %mul3A_281 = arith.muli %scan3A_99, %mul3A_280 : i32
      %add3A_282 = arith.constant 3 : i32
      %add3A_283 = arith.addi %mul3A_281, %add3A_282 : i32
      %lt3A_284 = arith.constant 498 : i32
      %lt3A_285 = arith.cmpi slt, %add3A_283, %lt3A_284 : i32
      %convert_element_type3A_286 = arith.extui %lt3A_285 : i1 to i32
      %cond3A_287 = arith.constant 0 : i32
      %cond3A_288 = arith.cmpi ne, %convert_element_type3A_286, %cond3A_287 : i32
      scf.if %cond3A_288 {
        %ge3A_403 = arith.constant 3 : i32
        %ge3A_404 = arith.cmpi sge, %add3A_283, %ge3A_403 : i32
        %convert_element_type3A_405 = arith.extui %ge3A_404 : i1 to i32
        %cond3A_406 = arith.constant 0 : i32
        %cond3A_407 = arith.cmpi ne, %convert_element_type3A_405, %cond3A_406 : i32
        scf.if %cond3A_407 {
          %add3A_441 = arith.constant 2 : i32
          %add3A_442 = arith.addi %add3A_283, %add3A_441 : i32
          %sub3A = arith.constant 5 : i32
          %sub3A_443 = arith.subi %add3A_442, %sub3A : i32
          %dma_wait3A_444 = arith.constant 0 : i32
          %dma_wait3A_445 = arith.constant 0 : i32
          %dma_wait3A_446 = arith.constant 0 : i32
          %dma_wait3A_447 = tpu.memref_slice %arg10[%dma_wait3A_444, %dma_wait3A_445, %dma_wait3A_446] : memref<5x40x64xf32, #tpu.memory_space<vmem>> -> memref<1x40x64xf32, #tpu.memory_space<vmem>>
          %dma_wait3A_448 = tpu.memref_squeeze %dma_wait3A_447 : memref<1x40x64xf32, #tpu.memory_space<vmem>> -> memref<40x64xf32, #tpu.memory_space<vmem>>
          %dma_wait3A_449 = arith.constant 0 : i32
          %dma_wait3A_450 = tpu.memref_slice %arg9[%sub3A_443, %dma_wait3A_449] : memref<500x40xi32, #tpu.memory_space<vmem>> -> memref<1x40xi32, #tpu.memory_space<vmem>>
          %dma_wait3A_451 = tpu.memref_squeeze %dma_wait3A_450 : memref<1x40xi32, #tpu.memory_space<vmem>> -> memref<40xi32, #tpu.memory_space<vmem>>
          %dma_wait3A_452 = arith.constant 0 : i32
          %dma_wait3A_453 = arith.constant 0 : i32
          %dma_wait3A_454 = tpu.memref_slice %arg12[%dma_wait3A_452, %dma_wait3A_453] : memref<10112x64xf32, #tpu.memory_space<vmem_shared>> -> memref<10112x64xf32, #tpu.memory_space<vmem_shared>>
          tpu.wait_indirect_dma semaphore(%arg23 : memref<!tpu.dma_semaphore, #tpu.memory_space<semaphore_mem>>) src(%dma_wait3A_448 : memref<40x64xf32, #tpu.memory_space<vmem>>) dst(%dma_wait3A_454 : memref<10112x64xf32, #tpu.memory_space<vmem_shared>>)
        } else {
        }
        %add3A_408 = arith.constant 2 : i32
        %add3A_409 = arith.addi %add3A_283, %add3A_408 : i32
        %dma_start3A_410 = arith.constant 0 : i32
        %dma_start3A_411 = arith.constant 0 : i32
        %dma_start3A_412 = arith.constant 0 : i32
        %dma_start3A_413 = tpu.memref_slice %arg10[%dma_start3A_410, %dma_start3A_411, %dma_start3A_412] : memref<5x40x64xf32, #tpu.memory_space<vmem>> -> memref<1x40x64xf32, #tpu.memory_space<vmem>>
        %dma_start3A_414 = tpu.memref_squeeze %dma_start3A_413 : memref<1x40x64xf32, #tpu.memory_space<vmem>> -> memref<40x64xf32, #tpu.memory_space<vmem>>
        %dma_start3A_415 = arith.constant 0 : i32
        %dma_start3A_416 = tpu.memref_slice %arg8[%add3A_409, %dma_start3A_415] : memref<500x40xi32, #tpu.memory_space<vmem>> -> memref<1x40xi32, #tpu.memory_space<vmem>>
        %dma_start3A_417 = tpu.memref_squeeze %dma_start3A_416 : memref<1x40xi32, #tpu.memory_space<vmem>> -> memref<40xi32, #tpu.memory_space<vmem>>
        %dma_start3A_418 = arith.constant 0 : i32
        %dma_start3A_419 = arith.constant 0 : i32
        %dma_start3A_420 = tpu.memref_slice %arg3[%dma_start3A_418, %dma_start3A_419] : memref<20000x64xf32, #tpu.memory_space<hbm>> -> memref<20000x64xf32, #tpu.memory_space<hbm>>
        tpu.enqueue_indirect_dma source(%dma_start3A_420 : memref<20000x64xf32, #tpu.memory_space<hbm>>) target(%dma_start3A_414 : memref<40x64xf32, #tpu.memory_space<vmem>>) offsets(%dma_start3A_417 : memref<40xi32, #tpu.memory_space<vmem>>) semaphore(%arg13 : memref<!tpu.dma_semaphore, #tpu.memory_space<semaphore_mem>>)
        %mul3A_421 = arith.constant 10000 : i32
        %mul3A_422 = arith.muli %arg1, %mul3A_421 : i32
        %mul3A_423 = arith.constant 20 : i32
        %mul3A_424 = arith.muli %add3A_409, %mul3A_423 : i32
        %add3A_425 = arith.addi %mul3A_422, %mul3A_424 : i32
        %dma_start3A_426 = arith.constant 0 : i32
        %dma_start3A_427 = arith.constant 0 : i32
        %dma_start3A_428 = arith.constant 0 : i32
        %dma_start3A_429 = tpu.memref_slice %arg11[%dma_start3A_426, %dma_start3A_427, %dma_start3A_428] : memref<5x20x128xf32, #tpu.memory_space<vmem>> -> memref<1x20x128xf32, #tpu.memory_space<vmem>>
        %dma_start3A_430 = tpu.memref_squeeze %dma_start3A_429 : memref<1x20x128xf32, #tpu.memory_space<vmem>> -> memref<20x128xf32, #tpu.memory_space<vmem>>
        %dma_start3A_431 = arith.constant 0 : i32
        %dma_start3A_432 = tpu.memref_slice %arg2[%arg0, %add3A_425, %dma_start3A_431] : memref<2x160000x128xf32, #tpu.memory_space<hbm>> -> memref<1x20x128xf32, #tpu.memory_space<hbm>>
        %dma_start3A_433 = tpu.memref_squeeze %dma_start3A_432 : memref<1x20x128xf32, #tpu.memory_space<hbm>> -> memref<20x128xf32, #tpu.memory_space<hbm>>
        %dma_start3A_434 = arith.constant 0 : i32
        %dma_start3A_435 = arith.constant 0 : i32
        %dma_start3A_436 = tpu.memref_slice %arg11[%dma_start3A_426, %dma_start3A_434, %dma_start3A_435] : memref<5x20x128xf32, #tpu.memory_space<vmem>> -> memref<1x20x128xf32, #tpu.memory_space<vmem>>
        %dma_start3A_437 = tpu.memref_squeeze %dma_start3A_436 : memref<1x20x128xf32, #tpu.memory_space<vmem>> -> memref<20x128xf32, #tpu.memory_space<vmem>>
        %dma_start3A_438 = arith.constant 0 : i32
        %dma_start3A_439 = tpu.memref_slice %arg2[%arg0, %add3A_425, %dma_start3A_438] : memref<2x160000x128xf32, #tpu.memory_space<hbm>> -> memref<1x20x128xf32, #tpu.memory_space<hbm>>
        %dma_start3A_440 = tpu.memref_squeeze %dma_start3A_439 : memref<1x20x128xf32, #tpu.memory_space<hbm>> -> memref<20x128xf32, #tpu.memory_space<hbm>>
        tpu.enqueue_dma source(%dma_start3A_440 : memref<20x128xf32, #tpu.memory_space<hbm>>) target(%dma_start3A_437 : memref<20x128xf32, #tpu.memory_space<vmem>>) target_semaphore(%arg18 : memref<!tpu.dma_semaphore, #tpu.memory_space<semaphore_mem>>)
      } else {
      }
      %dma_wait3A_289 = arith.constant 3 : i32
      %dma_wait3A_290 = arith.constant 0 : i32
      %dma_wait3A_291 = arith.constant 0 : i32
      %dma_wait3A_292 = tpu.memref_slice %arg10[%dma_wait3A_289, %dma_wait3A_290, %dma_wait3A_291] : memref<5x40x64xf32, #tpu.memory_space<vmem>> -> memref<1x40x64xf32, #tpu.memory_space<vmem>>
      %dma_wait3A_293 = tpu.memref_squeeze %dma_wait3A_292 : memref<1x40x64xf32, #tpu.memory_space<vmem>> -> memref<40x64xf32, #tpu.memory_space<vmem>>
      %dma_wait3A_294 = arith.constant 0 : i32
      %dma_wait3A_295 = tpu.memref_slice %arg8[%add3A_283, %dma_wait3A_294] : memref<500x40xi32, #tpu.memory_space<vmem>> -> memref<1x40xi32, #tpu.memory_space<vmem>>
      %dma_wait3A_296 = tpu.memref_squeeze %dma_wait3A_295 : memref<1x40xi32, #tpu.memory_space<vmem>> -> memref<40xi32, #tpu.memory_space<vmem>>
      %dma_wait3A_297 = arith.constant 0 : i32
      %dma_wait3A_298 = arith.constant 0 : i32
      %dma_wait3A_299 = tpu.memref_slice %arg3[%dma_wait3A_297, %dma_wait3A_298] : memref<20000x64xf32, #tpu.memory_space<hbm>> -> memref<20000x64xf32, #tpu.memory_space<hbm>>
      tpu.wait_indirect_dma semaphore(%arg16 : memref<!tpu.dma_semaphore, #tpu.memory_space<semaphore_mem>>) src(%dma_wait3A_299 : memref<20000x64xf32, #tpu.memory_space<hbm>>) dst(%dma_wait3A_293 : memref<40x64xf32, #tpu.memory_space<vmem>>)
      %mul3A_300 = arith.constant 10000 : i32
      %mul3A_301 = arith.muli %arg1, %mul3A_300 : i32
      %mul3A_302 = arith.constant 20 : i32
      %mul3A_303 = arith.muli %add3A_283, %mul3A_302 : i32
      %add3A_304 = arith.addi %mul3A_301, %mul3A_303 : i32
      %dma_wait3A_305 = arith.constant 3 : i32
      %dma_wait3A_306 = arith.constant 0 : i32
      %dma_wait3A_307 = arith.constant 0 : i32
      %dma_wait3A_308 = tpu.memref_slice %arg11[%dma_wait3A_305, %dma_wait3A_306, %dma_wait3A_307] : memref<5x20x128xf32, #tpu.memory_space<vmem>> -> memref<1x20x128xf32, #tpu.memory_space<vmem>>
      %dma_wait3A_309 = tpu.memref_squeeze %dma_wait3A_308 : memref<1x20x128xf32, #tpu.memory_space<vmem>> -> memref<20x128xf32, #tpu.memory_space<vmem>>
      %dma_wait3A_310 = arith.constant 0 : i32
      %dma_wait3A_311 = tpu.memref_slice %arg2[%arg0, %add3A_304, %dma_wait3A_310] : memref<2x160000x128xf32, #tpu.memory_space<hbm>> -> memref<1x20x128xf32, #tpu.memory_space<hbm>>
      %dma_wait3A_312 = tpu.memref_squeeze %dma_wait3A_311 : memref<1x20x128xf32, #tpu.memory_space<hbm>> -> memref<20x128xf32, #tpu.memory_space<hbm>>
      %dma_wait3A_313 = arith.constant 0 : i32
      %dma_wait3A_314 = arith.constant 0 : i32
      %dma_wait3A_315 = tpu.memref_slice %arg11[%dma_wait3A_305, %dma_wait3A_313, %dma_wait3A_314] : memref<5x20x128xf32, #tpu.memory_space<vmem>> -> memref<1x20x128xf32, #tpu.memory_space<vmem>>
      %dma_wait3A_316 = tpu.memref_squeeze %dma_wait3A_315 : memref<1x20x128xf32, #tpu.memory_space<vmem>> -> memref<20x128xf32, #tpu.memory_space<vmem>>
      %dma_wait3A_317 = arith.constant 0 : i32
      %dma_wait3A_318 = tpu.memref_slice %arg2[%arg0, %add3A_304, %dma_wait3A_317] : memref<2x160000x128xf32, #tpu.memory_space<hbm>> -> memref<1x20x128xf32, #tpu.memory_space<hbm>>
      %dma_wait3A_319 = tpu.memref_squeeze %dma_wait3A_318 : memref<1x20x128xf32, #tpu.memory_space<hbm>> -> memref<20x128xf32, #tpu.memory_space<hbm>>
      tpu.wait_dma2 semaphore(%arg21 : memref<!tpu.dma_semaphore, #tpu.memory_space<semaphore_mem>>) src(%dma_wait3A_319 : memref<20x128xf32, #tpu.memory_space<hbm>>) dst(%dma_wait3A_316 : memref<20x128xf32, #tpu.memory_space<vmem>>)
      %scan3A_320 = arith.constant 3 : i32
      %scan3A_321 = arith.constant 3 : i32
      %scan3A_322 = arith.constant 0 : i32
      %scan3A_323 = arith.constant 0 : i32
      %scan3A_324 = arith.constant 20 : i32
      %scan3A_325 = arith.addi %scan3A_323, %scan3A_324 : i32
      %scan3A_326 = arith.constant 1 : i32
      %scan3A_327 = scf.for %scan3A_403 = %scan3A_323 to %scan3A_325 step %scan3A_326 iter_args(%scan3A_404 = %scan3A_322) -> (i32)  : i32 {
        %mul3A_405 = arith.constant 2 : i32
        %mul3A_406 = arith.muli %mul3A_405, %scan3A_403 : i32
        %get3A = arith.constant 0 : i32
        %get3A_407 = arith.constant 0 : i32
        %get3A_408 = tpu.memref_slice %arg10[%scan3A_320, %get3A, %get3A_407] : memref<5x40x64xf32, #tpu.memory_space<vmem>> -> memref<1x40x64xf32, #tpu.memory_space<vmem>>
        %get3A_409 = tpu.memref_squeeze %get3A_408 : memref<1x40x64xf32, #tpu.memory_space<vmem>> -> memref<40x64xf32, #tpu.memory_space<vmem>>
        %get3A_410 = arith.index_cast %mul3A_406 : i32 to index
        %get3A_411 = arith.constant 0 : index
        %get3A_412 = tpu.vector_load %get3A_409[%get3A_410, %get3A_411] {strides = array<i32>} : memref<40x64xf32, #tpu.memory_space<vmem>>, vector<1x16xf32>,
        %get3A_413 = vector.shape_cast %get3A_412 : vector<1x16xf32> to vector<16xf32>
        %get3A_414 = arith.constant 0 : i32
        %get3A_415 = arith.constant 0 : i32
        %get3A_416 = tpu.memref_slice %arg11[%scan3A_321, %get3A_414, %get3A_415] : memref<5x20x128xf32, #tpu.memory_space<vmem>> -> memref<1x20x128xf32, #tpu.memory_space<vmem>>
        %get3A_417 = tpu.memref_squeeze %get3A_416 : memref<1x20x128xf32, #tpu.memory_space<vmem>> -> memref<20x128xf32, #tpu.memory_space<vmem>>
        %get3A_418 = arith.index_cast %scan3A_403 : i32 to index
        %get3A_419 = arith.constant 0 : index
        %get3A_420 = tpu.vector_load %get3A_417[%get3A_418, %get3A_419] {strides = array<i32>} : memref<20x128xf32, #tpu.memory_space<vmem>>, vector<1x16xf32>,
        %get3A_421 = vector.shape_cast %get3A_420 : vector<1x16xf32> to vector<16xf32>
        %mul3A_422 = arith.mulf %get3A_413, %get3A_421 : vector<16xf32>
        %swap3A = arith.constant 0 : i32
        %swap3A_423 = arith.constant 0 : i32
        %swap3A_424 = tpu.memref_slice %arg10[%scan3A_320, %swap3A, %swap3A_423] : memref<5x40x64xf32, #tpu.memory_space<vmem>> -> memref<1x40x64xf32, #tpu.memory_space<vmem>>
        %swap3A_425 = tpu.memref_squeeze %swap3A_424 : memref<1x40x64xf32, #tpu.memory_space<vmem>> -> memref<40x64xf32, #tpu.memory_space<vmem>>
        %swap3A_426 = arith.index_cast %mul3A_406 : i32 to index
        %swap3A_427 = arith.constant 0 : index
        %swap3A_428 = tpu.vector_load %swap3A_425[%swap3A_426, %swap3A_427] {strides = array<i32>} : memref<40x64xf32, #tpu.memory_space<vmem>>, vector<1x16xf32>,
        %swap3A_429 = vector.shape_cast %swap3A_428 : vector<1x16xf32> to vector<16xf32>
        %swap3A_430 = vector.shape_cast %mul3A_422 : vector<16xf32> to vector<1x16xf32>
        tpu.vector_store %swap3A_425[%swap3A_426, %swap3A_427], %swap3A_430 {strides = array<i32>} : memref<40x64xf32, #tpu.memory_space<vmem>>, vector<1x16xf32>,
        %add3A_431 = arith.constant 1 : i32
        %add3A_432 = arith.addi %mul3A_406, %add3A_431 : i32
        %get3A_433 = arith.constant 0 : i32
        %get3A_434 = arith.constant 0 : i32
        %get3A_435 = tpu.memref_slice %arg10[%scan3A_320, %get3A_433, %get3A_434] : memref<5x40x64xf32, #tpu.memory_space<vmem>> -> memref<1x40x64xf32, #tpu.memory_space<vmem>>
        %get3A_436 = tpu.memref_squeeze %get3A_435 : memref<1x40x64xf32, #tpu.memory_space<vmem>> -> memref<40x64xf32, #tpu.memory_space<vmem>>
        %get3A_437 = arith.index_cast %add3A_432 : i32 to index
        %get3A_438 = arith.constant 0 : index
        %get3A_439 = tpu.vector_load %get3A_436[%get3A_437, %get3A_438] {strides = array<i32>} : memref<40x64xf32, #tpu.memory_space<vmem>>, vector<1x16xf32>,
        %get3A_440 = vector.shape_cast %get3A_439 : vector<1x16xf32> to vector<16xf32>
        %get3A_441 = arith.constant 0 : i32
        %get3A_442 = arith.constant 0 : i32
        %get3A_443 = tpu.memref_slice %arg11[%scan3A_321, %get3A_441, %get3A_442] : memref<5x20x128xf32, #tpu.memory_space<vmem>> -> memref<1x20x128xf32, #tpu.memory_space<vmem>>
        %get3A_444 = tpu.memref_squeeze %get3A_443 : memref<1x20x128xf32, #tpu.memory_space<vmem>> -> memref<20x128xf32, #tpu.memory_space<vmem>>
        %get3A_445 = arith.index_cast %scan3A_403 : i32 to index
        %get3A_446 = arith.constant 64 : index
        %get3A_447 = tpu.vector_load %get3A_444[%get3A_445, %get3A_446] {strides = array<i32>} : memref<20x128xf32, #tpu.memory_space<vmem>>, vector<1x16xf32>,
        %get3A_448 = vector.shape_cast %get3A_447 : vector<1x16xf32> to vector<16xf32>
        %mul3A_449 = arith.mulf %get3A_440, %get3A_448 : vector<16xf32>
        %add3A_450 = arith.constant 1 : i32
        %add3A_451 = arith.addi %mul3A_406, %add3A_450 : i32
        %swap3A_452 = arith.constant 0 : i32
        %swap3A_453 = arith.constant 0 : i32
        %swap3A_454 = tpu.memref_slice %arg10[%scan3A_320, %swap3A_452, %swap3A_453] : memref<5x40x64xf32, #tpu.memory_space<vmem>> -> memref<1x40x64xf32, #tpu.memory_space<vmem>>
        %swap3A_455 = tpu.memref_squeeze %swap3A_454 : memref<1x40x64xf32, #tpu.memory_space<vmem>> -> memref<40x64xf32, #tpu.memory_space<vmem>>
        %swap3A_456 = arith.index_cast %add3A_451 : i32 to index
        %swap3A_457 = arith.constant 0 : index
        %swap3A_458 = tpu.vector_load %swap3A_455[%swap3A_456, %swap3A_457] {strides = array<i32>} : memref<40x64xf32, #tpu.memory_space<vmem>>, vector<1x16xf32>,
        %swap3A_459 = vector.shape_cast %swap3A_458 : vector<1x16xf32> to vector<16xf32>
        %swap3A_460 = vector.shape_cast %mul3A_449 : vector<16xf32> to vector<1x16xf32>
        tpu.vector_store %swap3A_455[%swap3A_456, %swap3A_457], %swap3A_460 {strides = array<i32>} : memref<40x64xf32, #tpu.memory_space<vmem>>, vector<1x16xf32>,
        %get3A_461 = arith.constant 0 : i32
        %get3A_462 = arith.constant 0 : i32
        %get3A_463 = tpu.memref_slice %arg10[%scan3A_320, %get3A_461, %get3A_462] : memref<5x40x64xf32, #tpu.memory_space<vmem>> -> memref<1x40x64xf32, #tpu.memory_space<vmem>>
        %get3A_464 = tpu.memref_squeeze %get3A_463 : memref<1x40x64xf32, #tpu.memory_space<vmem>> -> memref<40x64xf32, #tpu.memory_space<vmem>>
        %get3A_465 = arith.index_cast %mul3A_406 : i32 to index
        %get3A_466 = arith.constant 16 : index
        %get3A_467 = tpu.vector_load %get3A_464[%get3A_465, %get3A_466] {strides = array<i32>} : memref<40x64xf32, #tpu.memory_space<vmem>>, vector<1x16xf32>,
        %get3A_468 = vector.shape_cast %get3A_467 : vector<1x16xf32> to vector<16xf32>
        %get3A_469 = arith.constant 0 : i32
        %get3A_470 = arith.constant 0 : i32
        %get3A_471 = tpu.memref_slice %arg11[%scan3A_321, %get3A_469, %get3A_470] : memref<5x20x128xf32, #tpu.memory_space<vmem>> -> memref<1x20x128xf32, #tpu.memory_space<vmem>>
        %get3A_472 = tpu.memref_squeeze %get3A_471 : memref<1x20x128xf32, #tpu.memory_space<vmem>> -> memref<20x128xf32, #tpu.memory_space<vmem>>
        %get3A_473 = arith.index_cast %scan3A_403 : i32 to index
        %get3A_474 = arith.constant 16 : index
        %get3A_475 = tpu.vector_load %get3A_472[%get3A_473, %get3A_474] {strides = array<i32>} : memref<20x128xf32, #tpu.memory_space<vmem>>, vector<1x16xf32>,
        %get3A_476 = vector.shape_cast %get3A_475 : vector<1x16xf32> to vector<16xf32>
        %mul3A_477 = arith.mulf %get3A_468, %get3A_476 : vector<16xf32>
        %swap3A_478 = arith.constant 0 : i32
        %swap3A_479 = arith.constant 0 : i32
        %swap3A_480 = tpu.memref_slice %arg10[%scan3A_320, %swap3A_478, %swap3A_479] : memref<5x40x64xf32, #tpu.memory_space<vmem>> -> memref<1x40x64xf32, #tpu.memory_space<vmem>>
        %swap3A_481 = tpu.memref_squeeze %swap3A_480 : memref<1x40x64xf32, #tpu.memory_space<vmem>> -> memref<40x64xf32, #tpu.memory_space<vmem>>
        %swap3A_482 = arith.index_cast %mul3A_406 : i32 to index
        %swap3A_483 = arith.constant 16 : index
        %swap3A_484 = tpu.vector_load %swap3A_481[%swap3A_482, %swap3A_483] {strides = array<i32>} : memref<40x64xf32, #tpu.memory_space<vmem>>, vector<1x16xf32>,
        %swap3A_485 = vector.shape_cast %swap3A_484 : vector<1x16xf32> to vector<16xf32>
        %swap3A_486 = vector.shape_cast %mul3A_477 : vector<16xf32> to vector<1x16xf32>
        tpu.vector_store %swap3A_481[%swap3A_482, %swap3A_483], %swap3A_486 {strides = array<i32>} : memref<40x64xf32, #tpu.memory_space<vmem>>, vector<1x16xf32>,
        %add3A_487 = arith.constant 1 : i32
        %add3A_488 = arith.addi %mul3A_406, %add3A_487 : i32
        %get3A_489 = arith.constant 0 : i32
        %get3A_490 = arith.constant 0 : i32
        %get3A_491 = tpu.memref_slice %arg10[%scan3A_320, %get3A_489, %get3A_490] : memref<5x40x64xf32, #tpu.memory_space<vmem>> -> memref<1x40x64xf32, #tpu.memory_space<vmem>>
        %get3A_492 = tpu.memref_squeeze %get3A_491 : memref<1x40x64xf32, #tpu.memory_space<vmem>> -> memref<40x64xf32, #tpu.memory_space<vmem>>
        %get3A_493 = arith.index_cast %add3A_488 : i32 to index
        %get3A_494 = arith.constant 16 : index
        %get3A_495 = tpu.vector_load %get3A_492[%get3A_493, %get3A_494] {strides = array<i32>} : memref<40x64xf32, #tpu.memory_space<vmem>>, vector<1x16xf32>,
        %get3A_496 = vector.shape_cast %get3A_495 : vector<1x16xf32> to vector<16xf32>
        %get3A_497 = arith.constant 0 : i32
        %get3A_498 = arith.constant 0 : i32
        %get3A_499 = tpu.memref_slice %arg11[%scan3A_321, %get3A_497, %get3A_498] : memref<5x20x128xf32, #tpu.memory_space<vmem>> -> memref<1x20x128xf32, #tpu.memory_space<vmem>>
        %get3A_500 = tpu.memref_squeeze %get3A_499 : memref<1x20x128xf32, #tpu.memory_space<vmem>> -> memref<20x128xf32, #tpu.memory_space<vmem>>
        %get3A_501 = arith.index_cast %scan3A_403 : i32 to index
        %get3A_502 = arith.constant 80 : index
        %get3A_503 = tpu.vector_load %get3A_500[%get3A_501, %get3A_502] {strides = array<i32>} : memref<20x128xf32, #tpu.memory_space<vmem>>, vector<1x16xf32>,
        %get3A_504 = vector.shape_cast %get3A_503 : vector<1x16xf32> to vector<16xf32>
        %mul3A_505 = arith.mulf %get3A_496, %get3A_504 : vector<16xf32>
        %add3A_506 = arith.constant 1 : i32
        %add3A_507 = arith.addi %mul3A_406, %add3A_506 : i32
        %swap3A_508 = arith.constant 0 : i32
        %swap3A_509 = arith.constant 0 : i32
        %swap3A_510 = tpu.memref_slice %arg10[%scan3A_320, %swap3A_508, %swap3A_509] : memref<5x40x64xf32, #tpu.memory_space<vmem>> -> memref<1x40x64xf32, #tpu.memory_space<vmem>>
        %swap3A_511 = tpu.memref_squeeze %swap3A_510 : memref<1x40x64xf32, #tpu.memory_space<vmem>> -> memref<40x64xf32, #tpu.memory_space<vmem>>
        %swap3A_512 = arith.index_cast %add3A_507 : i32 to index
        %swap3A_513 = arith.constant 16 : index
        %swap3A_514 = tpu.vector_load %swap3A_511[%swap3A_512, %swap3A_513] {strides = array<i32>} : memref<40x64xf32, #tpu.memory_space<vmem>>, vector<1x16xf32>,
        %swap3A_515 = vector.shape_cast %swap3A_514 : vector<1x16xf32> to vector<16xf32>
        %swap3A_516 = vector.shape_cast %mul3A_505 : vector<16xf32> to vector<1x16xf32>
        tpu.vector_store %swap3A_511[%swap3A_512, %swap3A_513], %swap3A_516 {strides = array<i32>} : memref<40x64xf32, #tpu.memory_space<vmem>>, vector<1x16xf32>,
        %get3A_517 = arith.constant 0 : i32
        %get3A_518 = arith.constant 0 : i32
        %get3A_519 = tpu.memref_slice %arg10[%scan3A_320, %get3A_517, %get3A_518] : memref<5x40x64xf32, #tpu.memory_space<vmem>> -> memref<1x40x64xf32, #tpu.memory_space<vmem>>
        %get3A_520 = tpu.memref_squeeze %get3A_519 : memref<1x40x64xf32, #tpu.memory_space<vmem>> -> memref<40x64xf32, #tpu.memory_space<vmem>>
        %get3A_521 = arith.index_cast %mul3A_406 : i32 to index
        %get3A_522 = arith.constant 32 : index
        %get3A_523 = tpu.vector_load %get3A_520[%get3A_521, %get3A_522] {strides = array<i32>} : memref<40x64xf32, #tpu.memory_space<vmem>>, vector<1x16xf32>,
        %get3A_524 = vector.shape_cast %get3A_523 : vector<1x16xf32> to vector<16xf32>
        %get3A_525 = arith.constant 0 : i32
        %get3A_526 = arith.constant 0 : i32
        %get3A_527 = tpu.memref_slice %arg11[%scan3A_321, %get3A_525, %get3A_526] : memref<5x20x128xf32, #tpu.memory_space<vmem>> -> memref<1x20x128xf32, #tpu.memory_space<vmem>>
        %get3A_528 = tpu.memref_squeeze %get3A_527 : memref<1x20x128xf32, #tpu.memory_space<vmem>> -> memref<20x128xf32, #tpu.memory_space<vmem>>
        %get3A_529 = arith.index_cast %scan3A_403 : i32 to index
        %get3A_530 = arith.constant 32 : index
        %get3A_531 = tpu.vector_load %get3A_528[%get3A_529, %get3A_530] {strides = array<i32>} : memref<20x128xf32, #tpu.memory_space<vmem>>, vector<1x16xf32>,
        %get3A_532 = vector.shape_cast %get3A_531 : vector<1x16xf32> to vector<16xf32>
        %mul3A_533 = arith.mulf %get3A_524, %get3A_532 : vector<16xf32>
        %swap3A_534 = arith.constant 0 : i32
        %swap3A_535 = arith.constant 0 : i32
        %swap3A_536 = tpu.memref_slice %arg10[%scan3A_320, %swap3A_534, %swap3A_535] : memref<5x40x64xf32, #tpu.memory_space<vmem>> -> memref<1x40x64xf32, #tpu.memory_space<vmem>>
        %swap3A_537 = tpu.memref_squeeze %swap3A_536 : memref<1x40x64xf32, #tpu.memory_space<vmem>> -> memref<40x64xf32, #tpu.memory_space<vmem>>
        %swap3A_538 = arith.index_cast %mul3A_406 : i32 to index
        %swap3A_539 = arith.constant 32 : index
        %swap3A_540 = tpu.vector_load %swap3A_537[%swap3A_538, %swap3A_539] {strides = array<i32>} : memref<40x64xf32, #tpu.memory_space<vmem>>, vector<1x16xf32>,
        %swap3A_541 = vector.shape_cast %swap3A_540 : vector<1x16xf32> to vector<16xf32>
        %swap3A_542 = vector.shape_cast %mul3A_533 : vector<16xf32> to vector<1x16xf32>
        tpu.vector_store %swap3A_537[%swap3A_538, %swap3A_539], %swap3A_542 {strides = array<i32>} : memref<40x64xf32, #tpu.memory_space<vmem>>, vector<1x16xf32>,
        %add3A_543 = arith.constant 1 : i32
        %add3A_544 = arith.addi %mul3A_406, %add3A_543 : i32
        %get3A_545 = arith.constant 0 : i32
        %get3A_546 = arith.constant 0 : i32
        %get3A_547 = tpu.memref_slice %arg10[%scan3A_320, %get3A_545, %get3A_546] : memref<5x40x64xf32, #tpu.memory_space<vmem>> -> memref<1x40x64xf32, #tpu.memory_space<vmem>>
        %get3A_548 = tpu.memref_squeeze %get3A_547 : memref<1x40x64xf32, #tpu.memory_space<vmem>> -> memref<40x64xf32, #tpu.memory_space<vmem>>
        %get3A_549 = arith.index_cast %add3A_544 : i32 to index
        %get3A_550 = arith.constant 32 : index
        %get3A_551 = tpu.vector_load %get3A_548[%get3A_549, %get3A_550] {strides = array<i32>} : memref<40x64xf32, #tpu.memory_space<vmem>>, vector<1x16xf32>,
        %get3A_552 = vector.shape_cast %get3A_551 : vector<1x16xf32> to vector<16xf32>
        %get3A_553 = arith.constant 0 : i32
        %get3A_554 = arith.constant 0 : i32
        %get3A_555 = tpu.memref_slice %arg11[%scan3A_321, %get3A_553, %get3A_554] : memref<5x20x128xf32, #tpu.memory_space<vmem>> -> memref<1x20x128xf32, #tpu.memory_space<vmem>>
        %get3A_556 = tpu.memref_squeeze %get3A_555 : memref<1x20x128xf32, #tpu.memory_space<vmem>> -> memref<20x128xf32, #tpu.memory_space<vmem>>
        %get3A_557 = arith.index_cast %scan3A_403 : i32 to index
        %get3A_558 = arith.constant 96 : index
        %get3A_559 = tpu.vector_load %get3A_556[%get3A_557, %get3A_558] {strides = array<i32>} : memref<20x128xf32, #tpu.memory_space<vmem>>, vector<1x16xf32>,
        %get3A_560 = vector.shape_cast %get3A_559 : vector<1x16xf32> to vector<16xf32>
        %mul3A_561 = arith.mulf %get3A_552, %get3A_560 : vector<16xf32>
        %add3A_562 = arith.constant 1 : i32
        %add3A_563 = arith.addi %mul3A_406, %add3A_562 : i32
        %swap3A_564 = arith.constant 0 : i32
        %swap3A_565 = arith.constant 0 : i32
        %swap3A_566 = tpu.memref_slice %arg10[%scan3A_320, %swap3A_564, %swap3A_565] : memref<5x40x64xf32, #tpu.memory_space<vmem>> -> memref<1x40x64xf32, #tpu.memory_space<vmem>>
        %swap3A_567 = tpu.memref_squeeze %swap3A_566 : memref<1x40x64xf32, #tpu.memory_space<vmem>> -> memref<40x64xf32, #tpu.memory_space<vmem>>
        %swap3A_568 = arith.index_cast %add3A_563 : i32 to index
        %swap3A_569 = arith.constant 32 : index
        %swap3A_570 = tpu.vector_load %swap3A_567[%swap3A_568, %swap3A_569] {strides = array<i32>} : memref<40x64xf32, #tpu.memory_space<vmem>>, vector<1x16xf32>,
        %swap3A_571 = vector.shape_cast %swap3A_570 : vector<1x16xf32> to vector<16xf32>
        %swap3A_572 = vector.shape_cast %mul3A_561 : vector<16xf32> to vector<1x16xf32>
        tpu.vector_store %swap3A_567[%swap3A_568, %swap3A_569], %swap3A_572 {strides = array<i32>} : memref<40x64xf32, #tpu.memory_space<vmem>>, vector<1x16xf32>,
        %get3A_573 = arith.constant 0 : i32
        %get3A_574 = arith.constant 0 : i32
        %get3A_575 = tpu.memref_slice %arg10[%scan3A_320, %get3A_573, %get3A_574] : memref<5x40x64xf32, #tpu.memory_space<vmem>> -> memref<1x40x64xf32, #tpu.memory_space<vmem>>
        %get3A_576 = tpu.memref_squeeze %get3A_575 : memref<1x40x64xf32, #tpu.memory_space<vmem>> -> memref<40x64xf32, #tpu.memory_space<vmem>>
        %get3A_577 = arith.index_cast %mul3A_406 : i32 to index
        %get3A_578 = arith.constant 48 : index
        %get3A_579 = tpu.vector_load %get3A_576[%get3A_577, %get3A_578] {strides = array<i32>} : memref<40x64xf32, #tpu.memory_space<vmem>>, vector<1x16xf32>,
        %get3A_580 = vector.shape_cast %get3A_579 : vector<1x16xf32> to vector<16xf32>
        %get3A_581 = arith.constant 0 : i32
        %get3A_582 = arith.constant 0 : i32
        %get3A_583 = tpu.memref_slice %arg11[%scan3A_321, %get3A_581, %get3A_582] : memref<5x20x128xf32, #tpu.memory_space<vmem>> -> memref<1x20x128xf32, #tpu.memory_space<vmem>>
        %get3A_584 = tpu.memref_squeeze %get3A_583 : memref<1x20x128xf32, #tpu.memory_space<vmem>> -> memref<20x128xf32, #tpu.memory_space<vmem>>
        %get3A_585 = arith.index_cast %scan3A_403 : i32 to index
        %get3A_586 = arith.constant 48 : index
        %get3A_587 = tpu.vector_load %get3A_584[%get3A_585, %get3A_586] {strides = array<i32>} : memref<20x128xf32, #tpu.memory_space<vmem>>, vector<1x16xf32>,
        %get3A_588 = vector.shape_cast %get3A_587 : vector<1x16xf32> to vector<16xf32>
        %mul3A_589 = arith.mulf %get3A_580, %get3A_588 : vector<16xf32>
        %swap3A_590 = arith.constant 0 : i32
        %swap3A_591 = arith.constant 0 : i32
        %swap3A_592 = tpu.memref_slice %arg10[%scan3A_320, %swap3A_590, %swap3A_591] : memref<5x40x64xf32, #tpu.memory_space<vmem>> -> memref<1x40x64xf32, #tpu.memory_space<vmem>>
        %swap3A_593 = tpu.memref_squeeze %swap3A_592 : memref<1x40x64xf32, #tpu.memory_space<vmem>> -> memref<40x64xf32, #tpu.memory_space<vmem>>
        %swap3A_594 = arith.index_cast %mul3A_406 : i32 to index
        %swap3A_595 = arith.constant 48 : index
        %swap3A_596 = tpu.vector_load %swap3A_593[%swap3A_594, %swap3A_595] {strides = array<i32>} : memref<40x64xf32, #tpu.memory_space<vmem>>, vector<1x16xf32>,
        %swap3A_597 = vector.shape_cast %swap3A_596 : vector<1x16xf32> to vector<16xf32>
        %swap3A_598 = vector.shape_cast %mul3A_589 : vector<16xf32> to vector<1x16xf32>
        tpu.vector_store %swap3A_593[%swap3A_594, %swap3A_595], %swap3A_598 {strides = array<i32>} : memref<40x64xf32, #tpu.memory_space<vmem>>, vector<1x16xf32>,
        %add3A_599 = arith.constant 1 : i32
        %add3A_600 = arith.addi %mul3A_406, %add3A_599 : i32
        %get3A_601 = arith.constant 0 : i32
        %get3A_602 = arith.constant 0 : i32
        %get3A_603 = tpu.memref_slice %arg10[%scan3A_320, %get3A_601, %get3A_602] : memref<5x40x64xf32, #tpu.memory_space<vmem>> -> memref<1x40x64xf32, #tpu.memory_space<vmem>>
        %get3A_604 = tpu.memref_squeeze %get3A_603 : memref<1x40x64xf32, #tpu.memory_space<vmem>> -> memref<40x64xf32, #tpu.memory_space<vmem>>
        %get3A_605 = arith.index_cast %add3A_600 : i32 to index
        %get3A_606 = arith.constant 48 : index
        %get3A_607 = tpu.vector_load %get3A_604[%get3A_605, %get3A_606] {strides = array<i32>} : memref<40x64xf32, #tpu.memory_space<vmem>>, vector<1x16xf32>,
        %get3A_608 = vector.shape_cast %get3A_607 : vector<1x16xf32> to vector<16xf32>
        %get3A_609 = arith.constant 0 : i32
        %get3A_610 = arith.constant 0 : i32
        %get3A_611 = tpu.memref_slice %arg11[%scan3A_321, %get3A_609, %get3A_610] : memref<5x20x128xf32, #tpu.memory_space<vmem>> -> memref<1x20x128xf32, #tpu.memory_space<vmem>>
        %get3A_612 = tpu.memref_squeeze %get3A_611 : memref<1x20x128xf32, #tpu.memory_space<vmem>> -> memref<20x128xf32, #tpu.memory_space<vmem>>
        %get3A_613 = arith.index_cast %scan3A_403 : i32 to index
        %get3A_614 = arith.constant 112 : index
        %get3A_615 = tpu.vector_load %get3A_612[%get3A_613, %get3A_614] {strides = array<i32>} : memref<20x128xf32, #tpu.memory_space<vmem>>, vector<1x16xf32>,
        %get3A_616 = vector.shape_cast %get3A_615 : vector<1x16xf32> to vector<16xf32>
        %mul3A_617 = arith.mulf %get3A_608, %get3A_616 : vector<16xf32>
        %add3A_618 = arith.constant 1 : i32
        %add3A_619 = arith.addi %mul3A_406, %add3A_618 : i32
        %swap3A_620 = arith.constant 0 : i32
        %swap3A_621 = arith.constant 0 : i32
        %swap3A_622 = tpu.memref_slice %arg10[%scan3A_320, %swap3A_620, %swap3A_621] : memref<5x40x64xf32, #tpu.memory_space<vmem>> -> memref<1x40x64xf32, #tpu.memory_space<vmem>>
        %swap3A_623 = tpu.memref_squeeze %swap3A_622 : memref<1x40x64xf32, #tpu.memory_space<vmem>> -> memref<40x64xf32, #tpu.memory_space<vmem>>
        %swap3A_624 = arith.index_cast %add3A_619 : i32 to index
        %swap3A_625 = arith.constant 48 : index
        %swap3A_626 = tpu.vector_load %swap3A_623[%swap3A_624, %swap3A_625] {strides = array<i32>} : memref<40x64xf32, #tpu.memory_space<vmem>>, vector<1x16xf32>,
        %swap3A_627 = vector.shape_cast %swap3A_626 : vector<1x16xf32> to vector<16xf32>
        %swap3A_628 = vector.shape_cast %mul3A_617 : vector<16xf32> to vector<1x16xf32>
        tpu.vector_store %swap3A_623[%swap3A_624, %swap3A_625], %swap3A_628 {strides = array<i32>} : memref<40x64xf32, #tpu.memory_space<vmem>>, vector<1x16xf32>,
        %scan3A_629 = arith.constant 0 : i32
        scf.yield %scan3A_629 : i32
      }
      %scan3A_328 = arith.constant 20 : i32
      %lt3A_329 = arith.constant 495 : i32
      %lt3A_330 = arith.cmpi slt, %add3A_283, %lt3A_329 : i32
      %convert_element_type3A_331 = arith.extui %lt3A_330 : i1 to i32
      %cond3A_332 = arith.constant 3 : i32
      %cond3A_333 = arith.constant 0 : i32
      %cond3A_334 = arith.cmpi ne, %convert_element_type3A_331, %cond3A_333 : i32
      scf.if %cond3A_334 {
        %dma_start3A_403 = arith.constant 0 : i32
        %dma_start3A_404 = arith.constant 0 : i32
        %dma_start3A_405 = tpu.memref_slice %arg10[%cond3A_332, %dma_start3A_403, %dma_start3A_404] : memref<5x40x64xf32, #tpu.memory_space<vmem>> -> memref<1x40x64xf32, #tpu.memory_space<vmem>>
        %dma_start3A_406 = tpu.memref_squeeze %dma_start3A_405 : memref<1x40x64xf32, #tpu.memory_space<vmem>> -> memref<40x64xf32, #tpu.memory_space<vmem>>
        %dma_start3A_407 = arith.constant 0 : i32
        %dma_start3A_408 = tpu.memref_slice %arg9[%add3A_283, %dma_start3A_407] : memref<500x40xi32, #tpu.memory_space<vmem>> -> memref<1x40xi32, #tpu.memory_space<vmem>>
        %dma_start3A_409 = tpu.memref_squeeze %dma_start3A_408 : memref<1x40xi32, #tpu.memory_space<vmem>> -> memref<40xi32, #tpu.memory_space<vmem>>
        %dma_start3A_410 = arith.constant 0 : i32
        %dma_start3A_411 = arith.constant 0 : i32
        %dma_start3A_412 = tpu.memref_slice %arg12[%dma_start3A_410, %dma_start3A_411] : memref<10112x64xf32, #tpu.memory_space<vmem_shared>> -> memref<10112x64xf32, #tpu.memory_space<vmem_shared>>
        tpu.enqueue_indirect_dma source(%dma_start3A_406 : memref<40x64xf32, #tpu.memory_space<vmem>>) target(%dma_start3A_412 : memref<10112x64xf32, #tpu.memory_space<vmem_shared>>) offsets(%dma_start3A_409 : memref<40xi32, #tpu.memory_space<vmem>>) semaphore(%arg26 : memref<!tpu.dma_semaphore, #tpu.memory_space<semaphore_mem>>) {add = true}
      } else {
      }
      %ge3A_335 = arith.constant 495 : i32
      %ge3A_336 = arith.cmpi sge, %add3A_283, %ge3A_335 : i32
      %convert_element_type3A_337 = arith.extui %ge3A_336 : i1 to i32
      %cond3A_338 = arith.constant 3 : i32
      %cond3A_339 = arith.constant 0 : i32
      %cond3A_340 = arith.cmpi ne, %convert_element_type3A_337, %cond3A_339 : i32
      scf.if %cond3A_340 {
        "tpu.region"() ({
          %run_scoped3A = tpu.sem_alloc : memref<!tpu.dma_semaphore, #tpu.memory_space<semaphore_mem>>
          %dma_start3A_403 = arith.constant 0 : i32
          %dma_start3A_404 = arith.constant 0 : i32
          %dma_start3A_405 = tpu.memref_slice %arg10[%cond3A_338, %dma_start3A_403, %dma_start3A_404] : memref<5x40x64xf32, #tpu.memory_space<vmem>> -> memref<1x40x64xf32, #tpu.memory_space<vmem>>
          %dma_start3A_406 = tpu.memref_squeeze %dma_start3A_405 : memref<1x40x64xf32, #tpu.memory_space<vmem>> -> memref<40x64xf32, #tpu.memory_space<vmem>>
          %dma_start3A_407 = arith.constant 0 : i32
          %dma_start3A_408 = tpu.memref_slice %arg9[%add3A_283, %dma_start3A_407] : memref<500x40xi32, #tpu.memory_space<vmem>> -> memref<1x40xi32, #tpu.memory_space<vmem>>
          %dma_start3A_409 = tpu.memref_squeeze %dma_start3A_408 : memref<1x40xi32, #tpu.memory_space<vmem>> -> memref<40xi32, #tpu.memory_space<vmem>>
          %dma_start3A_410 = arith.constant 0 : i32
          %dma_start3A_411 = arith.constant 0 : i32
          %dma_start3A_412 = tpu.memref_slice %arg12[%dma_start3A_410, %dma_start3A_411] : memref<10112x64xf32, #tpu.memory_space<vmem_shared>> -> memref<10112x64xf32, #tpu.memory_space<vmem_shared>>
          tpu.enqueue_indirect_dma source(%dma_start3A_406 : memref<40x64xf32, #tpu.memory_space<vmem>>) target(%dma_start3A_412 : memref<10112x64xf32, #tpu.memory_space<vmem_shared>>) offsets(%dma_start3A_409 : memref<40xi32, #tpu.memory_space<vmem>>) semaphore(%run_scoped3A : memref<!tpu.dma_semaphore, #tpu.memory_space<semaphore_mem>>) {add = true}
          %dma_wait3A_413 = arith.constant 0 : i32
          %dma_wait3A_414 = arith.constant 0 : i32
          %dma_wait3A_415 = tpu.memref_slice %arg10[%cond3A_338, %dma_wait3A_413, %dma_wait3A_414] : memref<5x40x64xf32, #tpu.memory_space<vmem>> -> memref<1x40x64xf32, #tpu.memory_space<vmem>>
          %dma_wait3A_416 = tpu.memref_squeeze %dma_wait3A_415 : memref<1x40x64xf32, #tpu.memory_space<vmem>> -> memref<40x64xf32, #tpu.memory_space<vmem>>
          %dma_wait3A_417 = arith.constant 0 : i32
          %dma_wait3A_418 = tpu.memref_slice %arg9[%add3A_283, %dma_wait3A_417] : memref<500x40xi32, #tpu.memory_space<vmem>> -> memref<1x40xi32, #tpu.memory_space<vmem>>
          %dma_wait3A_419 = tpu.memref_squeeze %dma_wait3A_418 : memref<1x40xi32, #tpu.memory_space<vmem>> -> memref<40xi32, #tpu.memory_space<vmem>>
          %dma_wait3A_420 = arith.constant 0 : i32
          %dma_wait3A_421 = arith.constant 0 : i32
          %dma_wait3A_422 = tpu.memref_slice %arg12[%dma_wait3A_420, %dma_wait3A_421] : memref<10112x64xf32, #tpu.memory_space<vmem_shared>> -> memref<10112x64xf32, #tpu.memory_space<vmem_shared>>
          tpu.wait_indirect_dma semaphore(%run_scoped3A : memref<!tpu.dma_semaphore, #tpu.memory_space<semaphore_mem>>) src(%dma_wait3A_416 : memref<40x64xf32, #tpu.memory_space<vmem>>) dst(%dma_wait3A_422 : memref<10112x64xf32, #tpu.memory_space<vmem_shared>>)
          tpu.yield
        }) : () -> ()
      } else {
      }
      %mul3A_341 = arith.constant 5 : i32
      %mul3A_342 = arith.muli %scan3A_99, %mul3A_341 : i32
      %add3A_343 = arith.constant 4 : i32
      %add3A_344 = arith.addi %mul3A_342, %add3A_343 : i32
      %lt3A_345 = arith.constant 498 : i32
      %lt3A_346 = arith.cmpi slt, %add3A_344, %lt3A_345 : i32
      %convert_element_type3A_347 = arith.extui %lt3A_346 : i1 to i32
      %cond3A_348 = arith.constant 0 : i32
      %cond3A_349 = arith.cmpi ne, %convert_element_type3A_347, %cond3A_348 : i32
      scf.if %cond3A_349 {
        %ge3A_403 = arith.constant 3 : i32
        %ge3A_404 = arith.cmpi sge, %add3A_344, %ge3A_403 : i32
        %convert_element_type3A_405 = arith.extui %ge3A_404 : i1 to i32
        %cond3A_406 = arith.constant 0 : i32
        %cond3A_407 = arith.cmpi ne, %convert_element_type3A_405, %cond3A_406 : i32
        scf.if %cond3A_407 {
          %add3A_441 = arith.constant 2 : i32
          %add3A_442 = arith.addi %add3A_344, %add3A_441 : i32
          %sub3A = arith.constant 5 : i32
          %sub3A_443 = arith.subi %add3A_442, %sub3A : i32
          %dma_wait3A_444 = arith.constant 1 : i32
          %dma_wait3A_445 = arith.constant 0 : i32
          %dma_wait3A_446 = arith.constant 0 : i32
          %dma_wait3A_447 = tpu.memref_slice %arg10[%dma_wait3A_444, %dma_wait3A_445, %dma_wait3A_446] : memref<5x40x64xf32, #tpu.memory_space<vmem>> -> memref<1x40x64xf32, #tpu.memory_space<vmem>>
          %dma_wait3A_448 = tpu.memref_squeeze %dma_wait3A_447 : memref<1x40x64xf32, #tpu.memory_space<vmem>> -> memref<40x64xf32, #tpu.memory_space<vmem>>
          %dma_wait3A_449 = arith.constant 0 : i32
          %dma_wait3A_450 = tpu.memref_slice %arg9[%sub3A_443, %dma_wait3A_449] : memref<500x40xi32, #tpu.memory_space<vmem>> -> memref<1x40xi32, #tpu.memory_space<vmem>>
          %dma_wait3A_451 = tpu.memref_squeeze %dma_wait3A_450 : memref<1x40xi32, #tpu.memory_space<vmem>> -> memref<40xi32, #tpu.memory_space<vmem>>
          %dma_wait3A_452 = arith.constant 0 : i32
          %dma_wait3A_453 = arith.constant 0 : i32
          %dma_wait3A_454 = tpu.memref_slice %arg12[%dma_wait3A_452, %dma_wait3A_453] : memref<10112x64xf32, #tpu.memory_space<vmem_shared>> -> memref<10112x64xf32, #tpu.memory_space<vmem_shared>>
          tpu.wait_indirect_dma semaphore(%arg24 : memref<!tpu.dma_semaphore, #tpu.memory_space<semaphore_mem>>) src(%dma_wait3A_448 : memref<40x64xf32, #tpu.memory_space<vmem>>) dst(%dma_wait3A_454 : memref<10112x64xf32, #tpu.memory_space<vmem_shared>>)
        } else {
        }
        %add3A_408 = arith.constant 2 : i32
        %add3A_409 = arith.addi %add3A_344, %add3A_408 : i32
        %dma_start3A_410 = arith.constant 1 : i32
        %dma_start3A_411 = arith.constant 0 : i32
        %dma_start3A_412 = arith.constant 0 : i32
        %dma_start3A_413 = tpu.memref_slice %arg10[%dma_start3A_410, %dma_start3A_411, %dma_start3A_412] : memref<5x40x64xf32, #tpu.memory_space<vmem>> -> memref<1x40x64xf32, #tpu.memory_space<vmem>>
        %dma_start3A_414 = tpu.memref_squeeze %dma_start3A_413 : memref<1x40x64xf32, #tpu.memory_space<vmem>> -> memref<40x64xf32, #tpu.memory_space<vmem>>
        %dma_start3A_415 = arith.constant 0 : i32
        %dma_start3A_416 = tpu.memref_slice %arg8[%add3A_409, %dma_start3A_415] : memref<500x40xi32, #tpu.memory_space<vmem>> -> memref<1x40xi32, #tpu.memory_space<vmem>>
        %dma_start3A_417 = tpu.memref_squeeze %dma_start3A_416 : memref<1x40xi32, #tpu.memory_space<vmem>> -> memref<40xi32, #tpu.memory_space<vmem>>
        %dma_start3A_418 = arith.constant 0 : i32
        %dma_start3A_419 = arith.constant 0 : i32
        %dma_start3A_420 = tpu.memref_slice %arg3[%dma_start3A_418, %dma_start3A_419] : memref<20000x64xf32, #tpu.memory_space<hbm>> -> memref<20000x64xf32, #tpu.memory_space<hbm>>
        tpu.enqueue_indirect_dma source(%dma_start3A_420 : memref<20000x64xf32, #tpu.memory_space<hbm>>) target(%dma_start3A_414 : memref<40x64xf32, #tpu.memory_space<vmem>>) offsets(%dma_start3A_417 : memref<40xi32, #tpu.memory_space<vmem>>) semaphore(%arg14 : memref<!tpu.dma_semaphore, #tpu.memory_space<semaphore_mem>>)
        %mul3A_421 = arith.constant 10000 : i32
        %mul3A_422 = arith.muli %arg1, %mul3A_421 : i32
        %mul3A_423 = arith.constant 20 : i32
        %mul3A_424 = arith.muli %add3A_409, %mul3A_423 : i32
        %add3A_425 = arith.addi %mul3A_422, %mul3A_424 : i32
        %dma_start3A_426 = arith.constant 1 : i32
        %dma_start3A_427 = arith.constant 0 : i32
        %dma_start3A_428 = arith.constant 0 : i32
        %dma_start3A_429 = tpu.memref_slice %arg11[%dma_start3A_426, %dma_start3A_427, %dma_start3A_428] : memref<5x20x128xf32, #tpu.memory_space<vmem>> -> memref<1x20x128xf32, #tpu.memory_space<vmem>>
        %dma_start3A_430 = tpu.memref_squeeze %dma_start3A_429 : memref<1x20x128xf32, #tpu.memory_space<vmem>> -> memref<20x128xf32, #tpu.memory_space<vmem>>
        %dma_start3A_431 = arith.constant 0 : i32
        %dma_start3A_432 = tpu.memref_slice %arg2[%arg0, %add3A_425, %dma_start3A_431] : memref<2x160000x128xf32, #tpu.memory_space<hbm>> -> memref<1x20x128xf32, #tpu.memory_space<hbm>>
        %dma_start3A_433 = tpu.memref_squeeze %dma_start3A_432 : memref<1x20x128xf32, #tpu.memory_space<hbm>> -> memref<20x128xf32, #tpu.memory_space<hbm>>
        %dma_start3A_434 = arith.constant 0 : i32
        %dma_start3A_435 = arith.constant 0 : i32
        %dma_start3A_436 = tpu.memref_slice %arg11[%dma_start3A_426, %dma_start3A_434, %dma_start3A_435] : memref<5x20x128xf32, #tpu.memory_space<vmem>> -> memref<1x20x128xf32, #tpu.memory_space<vmem>>
        %dma_start3A_437 = tpu.memref_squeeze %dma_start3A_436 : memref<1x20x128xf32, #tpu.memory_space<vmem>> -> memref<20x128xf32, #tpu.memory_space<vmem>>
        %dma_start3A_438 = arith.constant 0 : i32
        %dma_start3A_439 = tpu.memref_slice %arg2[%arg0, %add3A_425, %dma_start3A_438] : memref<2x160000x128xf32, #tpu.memory_space<hbm>> -> memref<1x20x128xf32, #tpu.memory_space<hbm>>
        %dma_start3A_440 = tpu.memref_squeeze %dma_start3A_439 : memref<1x20x128xf32, #tpu.memory_space<hbm>> -> memref<20x128xf32, #tpu.memory_space<hbm>>
        tpu.enqueue_dma source(%dma_start3A_440 : memref<20x128xf32, #tpu.memory_space<hbm>>) target(%dma_start3A_437 : memref<20x128xf32, #tpu.memory_space<vmem>>) target_semaphore(%arg19 : memref<!tpu.dma_semaphore, #tpu.memory_space<semaphore_mem>>)
      } else {
      }
      %dma_wait3A_350 = arith.constant 4 : i32
      %dma_wait3A_351 = arith.constant 0 : i32
      %dma_wait3A_352 = arith.constant 0 : i32
      %dma_wait3A_353 = tpu.memref_slice %arg10[%dma_wait3A_350, %dma_wait3A_351, %dma_wait3A_352] : memref<5x40x64xf32, #tpu.memory_space<vmem>> -> memref<1x40x64xf32, #tpu.memory_space<vmem>>
      %dma_wait3A_354 = tpu.memref_squeeze %dma_wait3A_353 : memref<1x40x64xf32, #tpu.memory_space<vmem>> -> memref<40x64xf32, #tpu.memory_space<vmem>>
      %dma_wait3A_355 = arith.constant 0 : i32
      %dma_wait3A_356 = tpu.memref_slice %arg8[%add3A_344, %dma_wait3A_355] : memref<500x40xi32, #tpu.memory_space<vmem>> -> memref<1x40xi32, #tpu.memory_space<vmem>>
      %dma_wait3A_357 = tpu.memref_squeeze %dma_wait3A_356 : memref<1x40xi32, #tpu.memory_space<vmem>> -> memref<40xi32, #tpu.memory_space<vmem>>
      %dma_wait3A_358 = arith.constant 0 : i32
      %dma_wait3A_359 = arith.constant 0 : i32
      %dma_wait3A_360 = tpu.memref_slice %arg3[%dma_wait3A_358, %dma_wait3A_359] : memref<20000x64xf32, #tpu.memory_space<hbm>> -> memref<20000x64xf32, #tpu.memory_space<hbm>>
      tpu.wait_indirect_dma semaphore(%arg17 : memref<!tpu.dma_semaphore, #tpu.memory_space<semaphore_mem>>) src(%dma_wait3A_360 : memref<20000x64xf32, #tpu.memory_space<hbm>>) dst(%dma_wait3A_354 : memref<40x64xf32, #tpu.memory_space<vmem>>)
      %mul3A_361 = arith.constant 10000 : i32
      %mul3A_362 = arith.muli %arg1, %mul3A_361 : i32
      %mul3A_363 = arith.constant 20 : i32
      %mul3A_364 = arith.muli %add3A_344, %mul3A_363 : i32
      %add3A_365 = arith.addi %mul3A_362, %mul3A_364 : i32
      %dma_wait3A_366 = arith.constant 4 : i32
      %dma_wait3A_367 = arith.constant 0 : i32
      %dma_wait3A_368 = arith.constant 0 : i32
      %dma_wait3A_369 = tpu.memref_slice %arg11[%dma_wait3A_366, %dma_wait3A_367, %dma_wait3A_368] : memref<5x20x128xf32, #tpu.memory_space<vmem>> -> memref<1x20x128xf32, #tpu.memory_space<vmem>>
      %dma_wait3A_370 = tpu.memref_squeeze %dma_wait3A_369 : memref<1x20x128xf32, #tpu.memory_space<vmem>> -> memref<20x128xf32, #tpu.memory_space<vmem>>
      %dma_wait3A_371 = arith.constant 0 : i32
      %dma_wait3A_372 = tpu.memref_slice %arg2[%arg0, %add3A_365, %dma_wait3A_371] : memref<2x160000x128xf32, #tpu.memory_space<hbm>> -> memref<1x20x128xf32, #tpu.memory_space<hbm>>
      %dma_wait3A_373 = tpu.memref_squeeze %dma_wait3A_372 : memref<1x20x128xf32, #tpu.memory_space<hbm>> -> memref<20x128xf32, #tpu.memory_space<hbm>>
      %dma_wait3A_374 = arith.constant 0 : i32
      %dma_wait3A_375 = arith.constant 0 : i32
      %dma_wait3A_376 = tpu.memref_slice %arg11[%dma_wait3A_366, %dma_wait3A_374, %dma_wait3A_375] : memref<5x20x128xf32, #tpu.memory_space<vmem>> -> memref<1x20x128xf32, #tpu.memory_space<vmem>>
      %dma_wait3A_377 = tpu.memref_squeeze %dma_wait3A_376 : memref<1x20x128xf32, #tpu.memory_space<vmem>> -> memref<20x128xf32, #tpu.memory_space<vmem>>
      %dma_wait3A_378 = arith.constant 0 : i32
      %dma_wait3A_379 = tpu.memref_slice %arg2[%arg0, %add3A_365, %dma_wait3A_378] : memref<2x160000x128xf32, #tpu.memory_space<hbm>> -> memref<1x20x128xf32, #tpu.memory_space<hbm>>
      %dma_wait3A_380 = tpu.memref_squeeze %dma_wait3A_379 : memref<1x20x128xf32, #tpu.memory_space<hbm>> -> memref<20x128xf32, #tpu.memory_space<hbm>>
      tpu.wait_dma2 semaphore(%arg22 : memref<!tpu.dma_semaphore, #tpu.memory_space<semaphore_mem>>) src(%dma_wait3A_380 : memref<20x128xf32, #tpu.memory_space<hbm>>) dst(%dma_wait3A_377 : memref<20x128xf32, #tpu.memory_space<vmem>>)
      %scan3A_381 = arith.constant 4 : i32
      %scan3A_382 = arith.constant 4 : i32
      %scan3A_383 = arith.constant 0 : i32
      %scan3A_384 = arith.constant 0 : i32
      %scan3A_385 = arith.constant 20 : i32
      %scan3A_386 = arith.addi %scan3A_384, %scan3A_385 : i32
      %scan3A_387 = arith.constant 1 : i32
      %scan3A_388 = scf.for %scan3A_403 = %scan3A_384 to %scan3A_386 step %scan3A_387 iter_args(%scan3A_404 = %scan3A_383) -> (i32)  : i32 {
        %mul3A_405 = arith.constant 2 : i32
        %mul3A_406 = arith.muli %mul3A_405, %scan3A_403 : i32
        %get3A = arith.constant 0 : i32
        %get3A_407 = arith.constant 0 : i32
        %get3A_408 = tpu.memref_slice %arg10[%scan3A_381, %get3A, %get3A_407] : memref<5x40x64xf32, #tpu.memory_space<vmem>> -> memref<1x40x64xf32, #tpu.memory_space<vmem>>
        %get3A_409 = tpu.memref_squeeze %get3A_408 : memref<1x40x64xf32, #tpu.memory_space<vmem>> -> memref<40x64xf32, #tpu.memory_space<vmem>>
        %get3A_410 = arith.index_cast %mul3A_406 : i32 to index
        %get3A_411 = arith.constant 0 : index
        %get3A_412 = tpu.vector_load %get3A_409[%get3A_410, %get3A_411] {strides = array<i32>} : memref<40x64xf32, #tpu.memory_space<vmem>>, vector<1x16xf32>,
        %get3A_413 = vector.shape_cast %get3A_412 : vector<1x16xf32> to vector<16xf32>
        %get3A_414 = arith.constant 0 : i32
        %get3A_415 = arith.constant 0 : i32
        %get3A_416 = tpu.memref_slice %arg11[%scan3A_382, %get3A_414, %get3A_415] : memref<5x20x128xf32, #tpu.memory_space<vmem>> -> memref<1x20x128xf32, #tpu.memory_space<vmem>>
        %get3A_417 = tpu.memref_squeeze %get3A_416 : memref<1x20x128xf32, #tpu.memory_space<vmem>> -> memref<20x128xf32, #tpu.memory_space<vmem>>
        %get3A_418 = arith.index_cast %scan3A_403 : i32 to index
        %get3A_419 = arith.constant 0 : index
        %get3A_420 = tpu.vector_load %get3A_417[%get3A_418, %get3A_419] {strides = array<i32>} : memref<20x128xf32, #tpu.memory_space<vmem>>, vector<1x16xf32>,
        %get3A_421 = vector.shape_cast %get3A_420 : vector<1x16xf32> to vector<16xf32>
        %mul3A_422 = arith.mulf %get3A_413, %get3A_421 : vector<16xf32>
        %swap3A = arith.constant 0 : i32
        %swap3A_423 = arith.constant 0 : i32
        %swap3A_424 = tpu.memref_slice %arg10[%scan3A_381, %swap3A, %swap3A_423] : memref<5x40x64xf32, #tpu.memory_space<vmem>> -> memref<1x40x64xf32, #tpu.memory_space<vmem>>
        %swap3A_425 = tpu.memref_squeeze %swap3A_424 : memref<1x40x64xf32, #tpu.memory_space<vmem>> -> memref<40x64xf32, #tpu.memory_space<vmem>>
        %swap3A_426 = arith.index_cast %mul3A_406 : i32 to index
        %swap3A_427 = arith.constant 0 : index
        %swap3A_428 = tpu.vector_load %swap3A_425[%swap3A_426, %swap3A_427] {strides = array<i32>} : memref<40x64xf32, #tpu.memory_space<vmem>>, vector<1x16xf32>,
        %swap3A_429 = vector.shape_cast %swap3A_428 : vector<1x16xf32> to vector<16xf32>
        %swap3A_430 = vector.shape_cast %mul3A_422 : vector<16xf32> to vector<1x16xf32>
        tpu.vector_store %swap3A_425[%swap3A_426, %swap3A_427], %swap3A_430 {strides = array<i32>} : memref<40x64xf32, #tpu.memory_space<vmem>>, vector<1x16xf32>,
        %add3A_431 = arith.constant 1 : i32
        %add3A_432 = arith.addi %mul3A_406, %add3A_431 : i32
        %get3A_433 = arith.constant 0 : i32
        %get3A_434 = arith.constant 0 : i32
        %get3A_435 = tpu.memref_slice %arg10[%scan3A_381, %get3A_433, %get3A_434] : memref<5x40x64xf32, #tpu.memory_space<vmem>> -> memref<1x40x64xf32, #tpu.memory_space<vmem>>
        %get3A_436 = tpu.memref_squeeze %get3A_435 : memref<1x40x64xf32, #tpu.memory_space<vmem>> -> memref<40x64xf32, #tpu.memory_space<vmem>>
        %get3A_437 = arith.index_cast %add3A_432 : i32 to index
        %get3A_438 = arith.constant 0 : index
        %get3A_439 = tpu.vector_load %get3A_436[%get3A_437, %get3A_438] {strides = array<i32>} : memref<40x64xf32, #tpu.memory_space<vmem>>, vector<1x16xf32>,
        %get3A_440 = vector.shape_cast %get3A_439 : vector<1x16xf32> to vector<16xf32>
        %get3A_441 = arith.constant 0 : i32
        %get3A_442 = arith.constant 0 : i32
        %get3A_443 = tpu.memref_slice %arg11[%scan3A_382, %get3A_441, %get3A_442] : memref<5x20x128xf32, #tpu.memory_space<vmem>> -> memref<1x20x128xf32, #tpu.memory_space<vmem>>
        %get3A_444 = tpu.memref_squeeze %get3A_443 : memref<1x20x128xf32, #tpu.memory_space<vmem>> -> memref<20x128xf32, #tpu.memory_space<vmem>>
        %get3A_445 = arith.index_cast %scan3A_403 : i32 to index
        %get3A_446 = arith.constant 64 : index
        %get3A_447 = tpu.vector_load %get3A_444[%get3A_445, %get3A_446] {strides = array<i32>} : memref<20x128xf32, #tpu.memory_space<vmem>>, vector<1x16xf32>,
        %get3A_448 = vector.shape_cast %get3A_447 : vector<1x16xf32> to vector<16xf32>
        %mul3A_449 = arith.mulf %get3A_440, %get3A_448 : vector<16xf32>
        %add3A_450 = arith.constant 1 : i32
        %add3A_451 = arith.addi %mul3A_406, %add3A_450 : i32
        %swap3A_452 = arith.constant 0 : i32
        %swap3A_453 = arith.constant 0 : i32
        %swap3A_454 = tpu.memref_slice %arg10[%scan3A_381, %swap3A_452, %swap3A_453] : memref<5x40x64xf32, #tpu.memory_space<vmem>> -> memref<1x40x64xf32, #tpu.memory_space<vmem>>
        %swap3A_455 = tpu.memref_squeeze %swap3A_454 : memref<1x40x64xf32, #tpu.memory_space<vmem>> -> memref<40x64xf32, #tpu.memory_space<vmem>>
        %swap3A_456 = arith.index_cast %add3A_451 : i32 to index
        %swap3A_457 = arith.constant 0 : index
        %swap3A_458 = tpu.vector_load %swap3A_455[%swap3A_456, %swap3A_457] {strides = array<i32>} : memref<40x64xf32, #tpu.memory_space<vmem>>, vector<1x16xf32>,
        %swap3A_459 = vector.shape_cast %swap3A_458 : vector<1x16xf32> to vector<16xf32>
        %swap3A_460 = vector.shape_cast %mul3A_449 : vector<16xf32> to vector<1x16xf32>
        tpu.vector_store %swap3A_455[%swap3A_456, %swap3A_457], %swap3A_460 {strides = array<i32>} : memref<40x64xf32, #tpu.memory_space<vmem>>, vector<1x16xf32>,
        %get3A_461 = arith.constant 0 : i32
        %get3A_462 = arith.constant 0 : i32
        %get3A_463 = tpu.memref_slice %arg10[%scan3A_381, %get3A_461, %get3A_462] : memref<5x40x64xf32, #tpu.memory_space<vmem>> -> memref<1x40x64xf32, #tpu.memory_space<vmem>>
        %get3A_464 = tpu.memref_squeeze %get3A_463 : memref<1x40x64xf32, #tpu.memory_space<vmem>> -> memref<40x64xf32, #tpu.memory_space<vmem>>
        %get3A_465 = arith.index_cast %mul3A_406 : i32 to index
        %get3A_466 = arith.constant 16 : index
        %get3A_467 = tpu.vector_load %get3A_464[%get3A_465, %get3A_466] {strides = array<i32>} : memref<40x64xf32, #tpu.memory_space<vmem>>, vector<1x16xf32>,
        %get3A_468 = vector.shape_cast %get3A_467 : vector<1x16xf32> to vector<16xf32>
        %get3A_469 = arith.constant 0 : i32
        %get3A_470 = arith.constant 0 : i32
        %get3A_471 = tpu.memref_slice %arg11[%scan3A_382, %get3A_469, %get3A_470] : memref<5x20x128xf32, #tpu.memory_space<vmem>> -> memref<1x20x128xf32, #tpu.memory_space<vmem>>
        %get3A_472 = tpu.memref_squeeze %get3A_471 : memref<1x20x128xf32, #tpu.memory_space<vmem>> -> memref<20x128xf32, #tpu.memory_space<vmem>>
        %get3A_473 = arith.index_cast %scan3A_403 : i32 to index
        %get3A_474 = arith.constant 16 : index
        %get3A_475 = tpu.vector_load %get3A_472[%get3A_473, %get3A_474] {strides = array<i32>} : memref<20x128xf32, #tpu.memory_space<vmem>>, vector<1x16xf32>,
        %get3A_476 = vector.shape_cast %get3A_475 : vector<1x16xf32> to vector<16xf32>
        %mul3A_477 = arith.mulf %get3A_468, %get3A_476 : vector<16xf32>
        %swap3A_478 = arith.constant 0 : i32
        %swap3A_479 = arith.constant 0 : i32
        %swap3A_480 = tpu.memref_slice %arg10[%scan3A_381, %swap3A_478, %swap3A_479] : memref<5x40x64xf32, #tpu.memory_space<vmem>> -> memref<1x40x64xf32, #tpu.memory_space<vmem>>
        %swap3A_481 = tpu.memref_squeeze %swap3A_480 : memref<1x40x64xf32, #tpu.memory_space<vmem>> -> memref<40x64xf32, #tpu.memory_space<vmem>>
        %swap3A_482 = arith.index_cast %mul3A_406 : i32 to index
        %swap3A_483 = arith.constant 16 : index
        %swap3A_484 = tpu.vector_load %swap3A_481[%swap3A_482, %swap3A_483] {strides = array<i32>} : memref<40x64xf32, #tpu.memory_space<vmem>>, vector<1x16xf32>,
        %swap3A_485 = vector.shape_cast %swap3A_484 : vector<1x16xf32> to vector<16xf32>
        %swap3A_486 = vector.shape_cast %mul3A_477 : vector<16xf32> to vector<1x16xf32>
        tpu.vector_store %swap3A_481[%swap3A_482, %swap3A_483], %swap3A_486 {strides = array<i32>} : memref<40x64xf32, #tpu.memory_space<vmem>>, vector<1x16xf32>,
        %add3A_487 = arith.constant 1 : i32
        %add3A_488 = arith.addi %mul3A_406, %add3A_487 : i32
        %get3A_489 = arith.constant 0 : i32
        %get3A_490 = arith.constant 0 : i32
        %get3A_491 = tpu.memref_slice %arg10[%scan3A_381, %get3A_489, %get3A_490] : memref<5x40x64xf32, #tpu.memory_space<vmem>> -> memref<1x40x64xf32, #tpu.memory_space<vmem>>
        %get3A_492 = tpu.memref_squeeze %get3A_491 : memref<1x40x64xf32, #tpu.memory_space<vmem>> -> memref<40x64xf32, #tpu.memory_space<vmem>>
        %get3A_493 = arith.index_cast %add3A_488 : i32 to index
        %get3A_494 = arith.constant 16 : index
        %get3A_495 = tpu.vector_load %get3A_492[%get3A_493, %get3A_494] {strides = array<i32>} : memref<40x64xf32, #tpu.memory_space<vmem>>, vector<1x16xf32>,
        %get3A_496 = vector.shape_cast %get3A_495 : vector<1x16xf32> to vector<16xf32>
        %get3A_497 = arith.constant 0 : i32
        %get3A_498 = arith.constant 0 : i32
        %get3A_499 = tpu.memref_slice %arg11[%scan3A_382, %get3A_497, %get3A_498] : memref<5x20x128xf32, #tpu.memory_space<vmem>> -> memref<1x20x128xf32, #tpu.memory_space<vmem>>
        %get3A_500 = tpu.memref_squeeze %get3A_499 : memref<1x20x128xf32, #tpu.memory_space<vmem>> -> memref<20x128xf32, #tpu.memory_space<vmem>>
        %get3A_501 = arith.index_cast %scan3A_403 : i32 to index
        %get3A_502 = arith.constant 80 : index
        %get3A_503 = tpu.vector_load %get3A_500[%get3A_501, %get3A_502] {strides = array<i32>} : memref<20x128xf32, #tpu.memory_space<vmem>>, vector<1x16xf32>,
        %get3A_504 = vector.shape_cast %get3A_503 : vector<1x16xf32> to vector<16xf32>
        %mul3A_505 = arith.mulf %get3A_496, %get3A_504 : vector<16xf32>
        %add3A_506 = arith.constant 1 : i32
        %add3A_507 = arith.addi %mul3A_406, %add3A_506 : i32
        %swap3A_508 = arith.constant 0 : i32
        %swap3A_509 = arith.constant 0 : i32
        %swap3A_510 = tpu.memref_slice %arg10[%scan3A_381, %swap3A_508, %swap3A_509] : memref<5x40x64xf32, #tpu.memory_space<vmem>> -> memref<1x40x64xf32, #tpu.memory_space<vmem>>
        %swap3A_511 = tpu.memref_squeeze %swap3A_510 : memref<1x40x64xf32, #tpu.memory_space<vmem>> -> memref<40x64xf32, #tpu.memory_space<vmem>>
        %swap3A_512 = arith.index_cast %add3A_507 : i32 to index
        %swap3A_513 = arith.constant 16 : index
        %swap3A_514 = tpu.vector_load %swap3A_511[%swap3A_512, %swap3A_513] {strides = array<i32>} : memref<40x64xf32, #tpu.memory_space<vmem>>, vector<1x16xf32>,
        %swap3A_515 = vector.shape_cast %swap3A_514 : vector<1x16xf32> to vector<16xf32>
        %swap3A_516 = vector.shape_cast %mul3A_505 : vector<16xf32> to vector<1x16xf32>
        tpu.vector_store %swap3A_511[%swap3A_512, %swap3A_513], %swap3A_516 {strides = array<i32>} : memref<40x64xf32, #tpu.memory_space<vmem>>, vector<1x16xf32>,
        %get3A_517 = arith.constant 0 : i32
        %get3A_518 = arith.constant 0 : i32
        %get3A_519 = tpu.memref_slice %arg10[%scan3A_381, %get3A_517, %get3A_518] : memref<5x40x64xf32, #tpu.memory_space<vmem>> -> memref<1x40x64xf32, #tpu.memory_space<vmem>>
        %get3A_520 = tpu.memref_squeeze %get3A_519 : memref<1x40x64xf32, #tpu.memory_space<vmem>> -> memref<40x64xf32, #tpu.memory_space<vmem>>
        %get3A_521 = arith.index_cast %mul3A_406 : i32 to index
        %get3A_522 = arith.constant 32 : index
        %get3A_523 = tpu.vector_load %get3A_520[%get3A_521, %get3A_522] {strides = array<i32>} : memref<40x64xf32, #tpu.memory_space<vmem>>, vector<1x16xf32>,
        %get3A_524 = vector.shape_cast %get3A_523 : vector<1x16xf32> to vector<16xf32>
        %get3A_525 = arith.constant 0 : i32
        %get3A_526 = arith.constant 0 : i32
        %get3A_527 = tpu.memref_slice %arg11[%scan3A_382, %get3A_525, %get3A_526] : memref<5x20x128xf32, #tpu.memory_space<vmem>> -> memref<1x20x128xf32, #tpu.memory_space<vmem>>
        %get3A_528 = tpu.memref_squeeze %get3A_527 : memref<1x20x128xf32, #tpu.memory_space<vmem>> -> memref<20x128xf32, #tpu.memory_space<vmem>>
        %get3A_529 = arith.index_cast %scan3A_403 : i32 to index
        %get3A_530 = arith.constant 32 : index
        %get3A_531 = tpu.vector_load %get3A_528[%get3A_529, %get3A_530] {strides = array<i32>} : memref<20x128xf32, #tpu.memory_space<vmem>>, vector<1x16xf32>,
        %get3A_532 = vector.shape_cast %get3A_531 : vector<1x16xf32> to vector<16xf32>
        %mul3A_533 = arith.mulf %get3A_524, %get3A_532 : vector<16xf32>
        %swap3A_534 = arith.constant 0 : i32
        %swap3A_535 = arith.constant 0 : i32
        %swap3A_536 = tpu.memref_slice %arg10[%scan3A_381, %swap3A_534, %swap3A_535] : memref<5x40x64xf32, #tpu.memory_space<vmem>> -> memref<1x40x64xf32, #tpu.memory_space<vmem>>
        %swap3A_537 = tpu.memref_squeeze %swap3A_536 : memref<1x40x64xf32, #tpu.memory_space<vmem>> -> memref<40x64xf32, #tpu.memory_space<vmem>>
        %swap3A_538 = arith.index_cast %mul3A_406 : i32 to index
        %swap3A_539 = arith.constant 32 : index
        %swap3A_540 = tpu.vector_load %swap3A_537[%swap3A_538, %swap3A_539] {strides = array<i32>} : memref<40x64xf32, #tpu.memory_space<vmem>>, vector<1x16xf32>,
        %swap3A_541 = vector.shape_cast %swap3A_540 : vector<1x16xf32> to vector<16xf32>
        %swap3A_542 = vector.shape_cast %mul3A_533 : vector<16xf32> to vector<1x16xf32>
        tpu.vector_store %swap3A_537[%swap3A_538, %swap3A_539], %swap3A_542 {strides = array<i32>} : memref<40x64xf32, #tpu.memory_space<vmem>>, vector<1x16xf32>,
        %add3A_543 = arith.constant 1 : i32
        %add3A_544 = arith.addi %mul3A_406, %add3A_543 : i32
        %get3A_545 = arith.constant 0 : i32
        %get3A_546 = arith.constant 0 : i32
        %get3A_547 = tpu.memref_slice %arg10[%scan3A_381, %get3A_545, %get3A_546] : memref<5x40x64xf32, #tpu.memory_space<vmem>> -> memref<1x40x64xf32, #tpu.memory_space<vmem>>
        %get3A_548 = tpu.memref_squeeze %get3A_547 : memref<1x40x64xf32, #tpu.memory_space<vmem>> -> memref<40x64xf32, #tpu.memory_space<vmem>>
        %get3A_549 = arith.index_cast %add3A_544 : i32 to index
        %get3A_550 = arith.constant 32 : index
        %get3A_551 = tpu.vector_load %get3A_548[%get3A_549, %get3A_550] {strides = array<i32>} : memref<40x64xf32, #tpu.memory_space<vmem>>, vector<1x16xf32>,
        %get3A_552 = vector.shape_cast %get3A_551 : vector<1x16xf32> to vector<16xf32>
        %get3A_553 = arith.constant 0 : i32
        %get3A_554 = arith.constant 0 : i32
        %get3A_555 = tpu.memref_slice %arg11[%scan3A_382, %get3A_553, %get3A_554] : memref<5x20x128xf32, #tpu.memory_space<vmem>> -> memref<1x20x128xf32, #tpu.memory_space<vmem>>
        %get3A_556 = tpu.memref_squeeze %get3A_555 : memref<1x20x128xf32, #tpu.memory_space<vmem>> -> memref<20x128xf32, #tpu.memory_space<vmem>>
        %get3A_557 = arith.index_cast %scan3A_403 : i32 to index
        %get3A_558 = arith.constant 96 : index
        %get3A_559 = tpu.vector_load %get3A_556[%get3A_557, %get3A_558] {strides = array<i32>} : memref<20x128xf32, #tpu.memory_space<vmem>>, vector<1x16xf32>,
        %get3A_560 = vector.shape_cast %get3A_559 : vector<1x16xf32> to vector<16xf32>
        %mul3A_561 = arith.mulf %get3A_552, %get3A_560 : vector<16xf32>
        %add3A_562 = arith.constant 1 : i32
        %add3A_563 = arith.addi %mul3A_406, %add3A_562 : i32
        %swap3A_564 = arith.constant 0 : i32
        %swap3A_565 = arith.constant 0 : i32
        %swap3A_566 = tpu.memref_slice %arg10[%scan3A_381, %swap3A_564, %swap3A_565] : memref<5x40x64xf32, #tpu.memory_space<vmem>> -> memref<1x40x64xf32, #tpu.memory_space<vmem>>
        %swap3A_567 = tpu.memref_squeeze %swap3A_566 : memref<1x40x64xf32, #tpu.memory_space<vmem>> -> memref<40x64xf32, #tpu.memory_space<vmem>>
        %swap3A_568 = arith.index_cast %add3A_563 : i32 to index
        %swap3A_569 = arith.constant 32 : index
        %swap3A_570 = tpu.vector_load %swap3A_567[%swap3A_568, %swap3A_569] {strides = array<i32>} : memref<40x64xf32, #tpu.memory_space<vmem>>, vector<1x16xf32>,
        %swap3A_571 = vector.shape_cast %swap3A_570 : vector<1x16xf32> to vector<16xf32>
        %swap3A_572 = vector.shape_cast %mul3A_561 : vector<16xf32> to vector<1x16xf32>
        tpu.vector_store %swap3A_567[%swap3A_568, %swap3A_569], %swap3A_572 {strides = array<i32>} : memref<40x64xf32, #tpu.memory_space<vmem>>, vector<1x16xf32>,
        %get3A_573 = arith.constant 0 : i32
        %get3A_574 = arith.constant 0 : i32
        %get3A_575 = tpu.memref_slice %arg10[%scan3A_381, %get3A_573, %get3A_574] : memref<5x40x64xf32, #tpu.memory_space<vmem>> -> memref<1x40x64xf32, #tpu.memory_space<vmem>>
        %get3A_576 = tpu.memref_squeeze %get3A_575 : memref<1x40x64xf32, #tpu.memory_space<vmem>> -> memref<40x64xf32, #tpu.memory_space<vmem>>
        %get3A_577 = arith.index_cast %mul3A_406 : i32 to index
        %get3A_578 = arith.constant 48 : index
        %get3A_579 = tpu.vector_load %get3A_576[%get3A_577, %get3A_578] {strides = array<i32>} : memref<40x64xf32, #tpu.memory_space<vmem>>, vector<1x16xf32>,
        %get3A_580 = vector.shape_cast %get3A_579 : vector<1x16xf32> to vector<16xf32>
        %get3A_581 = arith.constant 0 : i32
        %get3A_582 = arith.constant 0 : i32
        %get3A_583 = tpu.memref_slice %arg11[%scan3A_382, %get3A_581, %get3A_582] : memref<5x20x128xf32, #tpu.memory_space<vmem>> -> memref<1x20x128xf32, #tpu.memory_space<vmem>>
        %get3A_584 = tpu.memref_squeeze %get3A_583 : memref<1x20x128xf32, #tpu.memory_space<vmem>> -> memref<20x128xf32, #tpu.memory_space<vmem>>
        %get3A_585 = arith.index_cast %scan3A_403 : i32 to index
        %get3A_586 = arith.constant 48 : index
        %get3A_587 = tpu.vector_load %get3A_584[%get3A_585, %get3A_586] {strides = array<i32>} : memref<20x128xf32, #tpu.memory_space<vmem>>, vector<1x16xf32>,
        %get3A_588 = vector.shape_cast %get3A_587 : vector<1x16xf32> to vector<16xf32>
        %mul3A_589 = arith.mulf %get3A_580, %get3A_588 : vector<16xf32>
        %swap3A_590 = arith.constant 0 : i32
        %swap3A_591 = arith.constant 0 : i32
        %swap3A_592 = tpu.memref_slice %arg10[%scan3A_381, %swap3A_590, %swap3A_591] : memref<5x40x64xf32, #tpu.memory_space<vmem>> -> memref<1x40x64xf32, #tpu.memory_space<vmem>>
        %swap3A_593 = tpu.memref_squeeze %swap3A_592 : memref<1x40x64xf32, #tpu.memory_space<vmem>> -> memref<40x64xf32, #tpu.memory_space<vmem>>
        %swap3A_594 = arith.index_cast %mul3A_406 : i32 to index
        %swap3A_595 = arith.constant 48 : index
        %swap3A_596 = tpu.vector_load %swap3A_593[%swap3A_594, %swap3A_595] {strides = array<i32>} : memref<40x64xf32, #tpu.memory_space<vmem>>, vector<1x16xf32>,
        %swap3A_597 = vector.shape_cast %swap3A_596 : vector<1x16xf32> to vector<16xf32>
        %swap3A_598 = vector.shape_cast %mul3A_589 : vector<16xf32> to vector<1x16xf32>
        tpu.vector_store %swap3A_593[%swap3A_594, %swap3A_595], %swap3A_598 {strides = array<i32>} : memref<40x64xf32, #tpu.memory_space<vmem>>, vector<1x16xf32>,
        %add3A_599 = arith.constant 1 : i32
        %add3A_600 = arith.addi %mul3A_406, %add3A_599 : i32
        %get3A_601 = arith.constant 0 : i32
        %get3A_602 = arith.constant 0 : i32
        %get3A_603 = tpu.memref_slice %arg10[%scan3A_381, %get3A_601, %get3A_602] : memref<5x40x64xf32, #tpu.memory_space<vmem>> -> memref<1x40x64xf32, #tpu.memory_space<vmem>>
        %get3A_604 = tpu.memref_squeeze %get3A_603 : memref<1x40x64xf32, #tpu.memory_space<vmem>> -> memref<40x64xf32, #tpu.memory_space<vmem>>
        %get3A_605 = arith.index_cast %add3A_600 : i32 to index
        %get3A_606 = arith.constant 48 : index
        %get3A_607 = tpu.vector_load %get3A_604[%get3A_605, %get3A_606] {strides = array<i32>} : memref<40x64xf32, #tpu.memory_space<vmem>>, vector<1x16xf32>,
        %get3A_608 = vector.shape_cast %get3A_607 : vector<1x16xf32> to vector<16xf32>
        %get3A_609 = arith.constant 0 : i32
        %get3A_610 = arith.constant 0 : i32
        %get3A_611 = tpu.memref_slice %arg11[%scan3A_382, %get3A_609, %get3A_610] : memref<5x20x128xf32, #tpu.memory_space<vmem>> -> memref<1x20x128xf32, #tpu.memory_space<vmem>>
        %get3A_612 = tpu.memref_squeeze %get3A_611 : memref<1x20x128xf32, #tpu.memory_space<vmem>> -> memref<20x128xf32, #tpu.memory_space<vmem>>
        %get3A_613 = arith.index_cast %scan3A_403 : i32 to index
        %get3A_614 = arith.constant 112 : index
        %get3A_615 = tpu.vector_load %get3A_612[%get3A_613, %get3A_614] {strides = array<i32>} : memref<20x128xf32, #tpu.memory_space<vmem>>, vector<1x16xf32>,
        %get3A_616 = vector.shape_cast %get3A_615 : vector<1x16xf32> to vector<16xf32>
        %mul3A_617 = arith.mulf %get3A_608, %get3A_616 : vector<16xf32>
        %add3A_618 = arith.constant 1 : i32
        %add3A_619 = arith.addi %mul3A_406, %add3A_618 : i32
        %swap3A_620 = arith.constant 0 : i32
        %swap3A_621 = arith.constant 0 : i32
        %swap3A_622 = tpu.memref_slice %arg10[%scan3A_381, %swap3A_620, %swap3A_621] : memref<5x40x64xf32, #tpu.memory_space<vmem>> -> memref<1x40x64xf32, #tpu.memory_space<vmem>>
        %swap3A_623 = tpu.memref_squeeze %swap3A_622 : memref<1x40x64xf32, #tpu.memory_space<vmem>> -> memref<40x64xf32, #tpu.memory_space<vmem>>
        %swap3A_624 = arith.index_cast %add3A_619 : i32 to index
        %swap3A_625 = arith.constant 48 : index
        %swap3A_626 = tpu.vector_load %swap3A_623[%swap3A_624, %swap3A_625] {strides = array<i32>} : memref<40x64xf32, #tpu.memory_space<vmem>>, vector<1x16xf32>,
        %swap3A_627 = vector.shape_cast %swap3A_626 : vector<1x16xf32> to vector<16xf32>
        %swap3A_628 = vector.shape_cast %mul3A_617 : vector<16xf32> to vector<1x16xf32>
        tpu.vector_store %swap3A_623[%swap3A_624, %swap3A_625], %swap3A_628 {strides = array<i32>} : memref<40x64xf32, #tpu.memory_space<vmem>>, vector<1x16xf32>,
        %scan3A_629 = arith.constant 0 : i32
        scf.yield %scan3A_629 : i32
      }
      %scan3A_389 = arith.constant 20 : i32
      %lt3A_390 = arith.constant 495 : i32
      %lt3A_391 = arith.cmpi slt, %add3A_344, %lt3A_390 : i32
      %convert_element_type3A_392 = arith.extui %lt3A_391 : i1 to i32
      %cond3A_393 = arith.constant 4 : i32
      %cond3A_394 = arith.constant 0 : i32
      %cond3A_395 = arith.cmpi ne, %convert_element_type3A_392, %cond3A_394 : i32
      scf.if %cond3A_395 {
        %dma_start3A_403 = arith.constant 0 : i32
        %dma_start3A_404 = arith.constant 0 : i32
        %dma_start3A_405 = tpu.memref_slice %arg10[%cond3A_393, %dma_start3A_403, %dma_start3A_404] : memref<5x40x64xf32, #tpu.memory_space<vmem>> -> memref<1x40x64xf32, #tpu.memory_space<vmem>>
        %dma_start3A_406 = tpu.memref_squeeze %dma_start3A_405 : memref<1x40x64xf32, #tpu.memory_space<vmem>> -> memref<40x64xf32, #tpu.memory_space<vmem>>
        %dma_start3A_407 = arith.constant 0 : i32
        %dma_start3A_408 = tpu.memref_slice %arg9[%add3A_344, %dma_start3A_407] : memref<500x40xi32, #tpu.memory_space<vmem>> -> memref<1x40xi32, #tpu.memory_space<vmem>>
        %dma_start3A_409 = tpu.memref_squeeze %dma_start3A_408 : memref<1x40xi32, #tpu.memory_space<vmem>> -> memref<40xi32, #tpu.memory_space<vmem>>
        %dma_start3A_410 = arith.constant 0 : i32
        %dma_start3A_411 = arith.constant 0 : i32
        %dma_start3A_412 = tpu.memref_slice %arg12[%dma_start3A_410, %dma_start3A_411] : memref<10112x64xf32, #tpu.memory_space<vmem_shared>> -> memref<10112x64xf32, #tpu.memory_space<vmem_shared>>
        tpu.enqueue_indirect_dma source(%dma_start3A_406 : memref<40x64xf32, #tpu.memory_space<vmem>>) target(%dma_start3A_412 : memref<10112x64xf32, #tpu.memory_space<vmem_shared>>) offsets(%dma_start3A_409 : memref<40xi32, #tpu.memory_space<vmem>>) semaphore(%arg27 : memref<!tpu.dma_semaphore, #tpu.memory_space<semaphore_mem>>) {add = true}
      } else {
      }
      %ge3A_396 = arith.constant 495 : i32
      %ge3A_397 = arith.cmpi sge, %add3A_344, %ge3A_396 : i32
      %convert_element_type3A_398 = arith.extui %ge3A_397 : i1 to i32
      %cond3A_399 = arith.constant 4 : i32
      %cond3A_400 = arith.constant 0 : i32
      %cond3A_401 = arith.cmpi ne, %convert_element_type3A_398, %cond3A_400 : i32
      scf.if %cond3A_401 {
        "tpu.region"() ({
          %run_scoped3A = tpu.sem_alloc : memref<!tpu.dma_semaphore, #tpu.memory_space<semaphore_mem>>
          %dma_start3A_403 = arith.constant 0 : i32
          %dma_start3A_404 = arith.constant 0 : i32
          %dma_start3A_405 = tpu.memref_slice %arg10[%cond3A_399, %dma_start3A_403, %dma_start3A_404] : memref<5x40x64xf32, #tpu.memory_space<vmem>> -> memref<1x40x64xf32, #tpu.memory_space<vmem>>
          %dma_start3A_406 = tpu.memref_squeeze %dma_start3A_405 : memref<1x40x64xf32, #tpu.memory_space<vmem>> -> memref<40x64xf32, #tpu.memory_space<vmem>>
          %dma_start3A_407 = arith.constant 0 : i32
          %dma_start3A_408 = tpu.memref_slice %arg9[%add3A_344, %dma_start3A_407] : memref<500x40xi32, #tpu.memory_space<vmem>> -> memref<1x40xi32, #tpu.memory_space<vmem>>
          %dma_start3A_409 = tpu.memref_squeeze %dma_start3A_408 : memref<1x40xi32, #tpu.memory_space<vmem>> -> memref<40xi32, #tpu.memory_space<vmem>>
          %dma_start3A_410 = arith.constant 0 : i32
          %dma_start3A_411 = arith.constant 0 : i32
          %dma_start3A_412 = tpu.memref_slice %arg12[%dma_start3A_410, %dma_start3A_411] : memref<10112x64xf32, #tpu.memory_space<vmem_shared>> -> memref<10112x64xf32, #tpu.memory_space<vmem_shared>>
          tpu.enqueue_indirect_dma source(%dma_start3A_406 : memref<40x64xf32, #tpu.memory_space<vmem>>) target(%dma_start3A_412 : memref<10112x64xf32, #tpu.memory_space<vmem_shared>>) offsets(%dma_start3A_409 : memref<40xi32, #tpu.memory_space<vmem>>) semaphore(%run_scoped3A : memref<!tpu.dma_semaphore, #tpu.memory_space<semaphore_mem>>) {add = true}
          %dma_wait3A_413 = arith.constant 0 : i32
          %dma_wait3A_414 = arith.constant 0 : i32
          %dma_wait3A_415 = tpu.memref_slice %arg10[%cond3A_399, %dma_wait3A_413, %dma_wait3A_414] : memref<5x40x64xf32, #tpu.memory_space<vmem>> -> memref<1x40x64xf32, #tpu.memory_space<vmem>>
          %dma_wait3A_416 = tpu.memref_squeeze %dma_wait3A_415 : memref<1x40x64xf32, #tpu.memory_space<vmem>> -> memref<40x64xf32, #tpu.memory_space<vmem>>
          %dma_wait3A_417 = arith.constant 0 : i32
          %dma_wait3A_418 = tpu.memref_slice %arg9[%add3A_344, %dma_wait3A_417] : memref<500x40xi32, #tpu.memory_space<vmem>> -> memref<1x40xi32, #tpu.memory_space<vmem>>
          %dma_wait3A_419 = tpu.memref_squeeze %dma_wait3A_418 : memref<1x40xi32, #tpu.memory_space<vmem>> -> memref<40xi32, #tpu.memory_space<vmem>>
          %dma_wait3A_420 = arith.constant 0 : i32
          %dma_wait3A_421 = arith.constant 0 : i32
          %dma_wait3A_422 = tpu.memref_slice %arg12[%dma_wait3A_420, %dma_wait3A_421] : memref<10112x64xf32, #tpu.memory_space<vmem_shared>> -> memref<10112x64xf32, #tpu.memory_space<vmem_shared>>
          tpu.wait_indirect_dma semaphore(%run_scoped3A : memref<!tpu.dma_semaphore, #tpu.memory_space<semaphore_mem>>) src(%dma_wait3A_416 : memref<40x64xf32, #tpu.memory_space<vmem>>) dst(%dma_wait3A_422 : memref<10112x64xf32, #tpu.memory_space<vmem_shared>>)
          tpu.yield
        }) : () -> ()
      } else {
      }
      %scan3A_402 = arith.constant 0 : i32
      scf.yield %scan3A_402 : i32
    }
    %scan3A_97 = arith.constant 100 : i32
    %barrier3A_98 = arith.constant 0 : index
    tpu.barrier barrier_id(%barrier3A_98)
    "tpu.region"() ({
      %run_scoped3A = tpu.sem_alloc : memref<!tpu.dma_semaphore, #tpu.memory_space<semaphore_mem>>
      %dma_start3A_99 = arith.constant 0 : i32
      %dma_start3A_100 = tpu.memref_slice %arg7[%arg0, %mul3A_15, %dma_start3A_99] : memref<2x10112x64xf32, #tpu.memory_space<hbm>> -> memref<1x632x64xf32, #tpu.memory_space<hbm>>
      %dma_start3A_101 = tpu.memref_squeeze %dma_start3A_100 : memref<1x632x64xf32, #tpu.memory_space<hbm>> -> memref<632x64xf32, #tpu.memory_space<hbm>>
      %dma_start3A_102 = arith.constant 0 : i32
      %dma_start3A_103 = tpu.memref_slice %arg12[%mul3A_15, %dma_start3A_102] : memref<10112x64xf32, #tpu.memory_space<vmem_shared>> -> memref<632x64xf32, #tpu.memory_space<vmem_shared>>
      tpu.enqueue_dma source(%dma_start3A_103 : memref<632x64xf32, #tpu.memory_space<vmem_shared>>) target(%dma_start3A_101 : memref<632x64xf32, #tpu.memory_space<hbm>>) target_semaphore(%run_scoped3A : memref<!tpu.dma_semaphore, #tpu.memory_space<semaphore_mem>>)
      %dma_wait3A_104 = arith.constant 0 : i32
      %dma_wait3A_105 = tpu.memref_slice %arg7[%arg0, %mul3A_15, %dma_wait3A_104] : memref<2x10112x64xf32, #tpu.memory_space<hbm>> -> memref<1x632x64xf32, #tpu.memory_space<hbm>>
      %dma_wait3A_106 = tpu.memref_squeeze %dma_wait3A_105 : memref<1x632x64xf32, #tpu.memory_space<hbm>> -> memref<632x64xf32, #tpu.memory_space<hbm>>
      %dma_wait3A_107 = arith.constant 0 : i32
      %dma_wait3A_108 = tpu.memref_slice %arg12[%mul3A_15, %dma_wait3A_107] : memref<10112x64xf32, #tpu.memory_space<vmem_shared>> -> memref<632x64xf32, #tpu.memory_space<vmem_shared>>
      tpu.wait_dma2 semaphore(%run_scoped3A : memref<!tpu.dma_semaphore, #tpu.memory_space<semaphore_mem>>) src(%dma_wait3A_108 : memref<632x64xf32, #tpu.memory_space<vmem_shared>>) dst(%dma_wait3A_106 : memref<632x64xf32, #tpu.memory_space<hbm>>)
      tpu.yield
    }) : () -> ()
    return
  }
}

module attributes {stable_mosaic.version = 14 : i64} {
  func.func @_mlp_body(%arg0: i32, %arg1: memref<3200x128xf32, #tpu.memory_space<vmem>>, %arg2: memref<128x128xbf16, #tpu.memory_space<vmem>>, %arg3: memref<1x128xf32, #tpu.memory_space<vmem>>, %arg4: memref<128x128xbf16, #tpu.memory_space<vmem>>, %arg5: memref<1x128xf32, #tpu.memory_space<vmem>>, %arg6: memref<2x1600x128xf32, #tpu.memory_space<vmem>>) attributes {dimension_semantics = [#tpu.dimension_semantics<arbitrary>], iteration_bounds = array<i64: 100>, scalar_prefetch = 0 : i64, scratch_operands = 0 : i64, tpu.core_type = #tpu.core_type<tc>, window_params = [{transform_indices = @transform_0, window_bounds = array<i64: 3200, 128>}, {pipeline_mode = #tpu.pipeline_mode<synchronous>, transform_indices = @transform_1, window_bounds = array<i64: 128, 128>}, {pipeline_mode = #tpu.pipeline_mode<synchronous>, transform_indices = @transform_2, window_bounds = array<i64: 1, 128>}, {pipeline_mode = #tpu.pipeline_mode<synchronous>, transform_indices = @transform_3, window_bounds = array<i64: 128, 128>}, {pipeline_mode = #tpu.pipeline_mode<synchronous>, transform_indices = @transform_4, window_bounds = array<i64: 1, 128>}, {transform_indices = @transform_5, window_bounds = array<i64: 2, 1600, 128>}]} {
    %get3A = arith.constant 0 : index
    %get3A_0 = arith.constant 0 : index
    %get3A_1 = vector.load %arg1[%get3A, %get3A_0] : memref<3200x128xf32, #tpu.memory_space<vmem>>, vector<3200x128xf32>
    %convert_element_type3A = arith.truncf %get3A_1 : vector<3200x128xf32> to vector<3200x128xbf16>
    %get3A_2 = arith.constant 0 : index
    %get3A_3 = arith.constant 0 : index
    %get3A_4 = vector.load %arg2[%get3A_2, %get3A_3] : memref<128x128xbf16, #tpu.memory_space<vmem>>, vector<128x128xbf16>
    %dot_general3A = arith.constant dense<0.000000e+00> : vector<3200x128xf32>
    %dot_general3A_5 = tpu.matmul %convert_element_type3A, %get3A_4, %dot_general3A {dimension_numbers = #tpu.dot_dimension_numbers<[1], [0], [0], [1], [0, 0, 1, 1], [], []>, transpose_lhs_hint = false} : vector<3200x128xbf16>, vector<128x128xbf16>, vector<3200x128xf32> -> vector<3200x128xf32>
    %get3A_6 = arith.constant 0 : index
    %get3A_7 = arith.constant 0 : index
    %get3A_8 = vector.load %arg3[%get3A_6, %get3A_7] : memref<1x128xf32, #tpu.memory_space<vmem>>, vector<1x128xf32>
    %add3A = vector.broadcast %get3A_8 : vector<1x128xf32> to vector<3200x128xf32>
    %add3A_9 = arith.addf %dot_general3A_5, %add3A : vector<3200x128xf32>
    %abs3A = math.absf %add3A_9 : vector<3200x128xf32>
    %neg3A = arith.constant 0.000000e+00 : f32
    %neg3A_10 = vector.broadcast %neg3A : f32 to vector<3200x128xf32>
    %neg3A_11 = arith.subf %neg3A_10, %abs3A : vector<3200x128xf32>
    %exp3A = math.exp %neg3A_11 : vector<3200x128xf32>
    %add3A_12 = arith.constant 1.000000e+00 : f32
    %add3A_13 = vector.broadcast %add3A_12 : f32 to vector<3200x128xf32>
    %add3A_14 = arith.addf %add3A_13, %exp3A : vector<3200x128xf32>
    %log3A = math.log %add3A_14 : vector<3200x128xf32>
    %max3A = arith.constant 0.000000e+00 : f32
    %max3A_15 = vector.broadcast %max3A : f32 to vector<3200x128xf32>
    %max3A_16 = arith.maximumf %add3A_9, %max3A_15 : vector<3200x128xf32>
    %add3A_17 = arith.addf %log3A, %max3A_16 : vector<3200x128xf32>
    %sub3A = arith.constant 0.693147182 : f32
    %sub3A_18 = vector.broadcast %sub3A : f32 to vector<3200x128xf32>
    %sub3A_19 = arith.subf %add3A_17, %sub3A_18 : vector<3200x128xf32>
    %convert_element_type3A_20 = arith.truncf %sub3A_19 : vector<3200x128xf32> to vector<3200x128xbf16>
    %get3A_21 = arith.constant 0 : index
    %get3A_22 = arith.constant 0 : index
    %get3A_23 = vector.load %arg4[%get3A_21, %get3A_22] : memref<128x128xbf16, #tpu.memory_space<vmem>>, vector<128x128xbf16>
    %dot_general3A_24 = arith.constant dense<0.000000e+00> : vector<3200x128xf32>
    %dot_general3A_25 = tpu.matmul %convert_element_type3A_20, %get3A_23, %dot_general3A_24 {dimension_numbers = #tpu.dot_dimension_numbers<[1], [0], [0], [1], [0, 0, 1, 1], [], []>, transpose_lhs_hint = false} : vector<3200x128xbf16>, vector<128x128xbf16>, vector<3200x128xf32> -> vector<3200x128xf32>
    %get3A_26 = arith.constant 0 : index
    %get3A_27 = arith.constant 0 : index
    %get3A_28 = vector.load %arg5[%get3A_26, %get3A_27] : memref<1x128xf32, #tpu.memory_space<vmem>>, vector<1x128xf32>
    %add3A_29 = vector.broadcast %get3A_28 : vector<1x128xf32> to vector<3200x128xf32>
    %add3A_30 = arith.addf %dot_general3A_25, %add3A_29 : vector<3200x128xf32>
    %reshape3A = vector.shape_cast %add3A_30 : vector<3200x128xf32> to vector<1600x2x128xf32>
    %slice3A = vector.extract_strided_slice %reshape3A {offsets = [0, 0, 0], sizes = [1600, 1, 64], strides = [1, 1, 1]} : vector<1600x2x128xf32> to vector<1600x1x64xf32>
    %squeeze3A = vector.shape_cast %slice3A : vector<1600x1x64xf32> to vector<1600x64xf32>
    %slice3A_31 = vector.extract_strided_slice %reshape3A {offsets = [0, 1, 0], sizes = [1600, 1, 64], strides = [1, 1, 1]} : vector<1600x2x128xf32> to vector<1600x1x64xf32>
    %squeeze3A_32 = vector.shape_cast %slice3A_31 : vector<1600x1x64xf32> to vector<1600x64xf32>
    %concatenate3A = tpu.concatenate %squeeze3A, %squeeze3A_32 in 1 : vector<1600x64xf32>, vector<1600x64xf32> -> vector<1600x128xf32>
    %swap3A = arith.constant 0 : index
    %swap3A_33 = arith.constant 0 : index
    %swap3A_34 = arith.constant 0 : index
    %swap3A_35 = vector.load %arg6[%swap3A, %swap3A_33, %swap3A_34] : memref<2x1600x128xf32, #tpu.memory_space<vmem>>, vector<1x1600x128xf32>
    %swap3A_36 = vector.shape_cast %swap3A_35 : vector<1x1600x128xf32> to vector<1600x128xf32>
    %swap3A_37 = vector.shape_cast %concatenate3A : vector<1600x128xf32> to vector<1x1600x128xf32>
    tpu.vector_store %arg6[%swap3A, %swap3A_33, %swap3A_34], %swap3A_37 {strides = array<i32>} : memref<2x1600x128xf32, #tpu.memory_space<vmem>>, vector<1x1600x128xf32>,
    %slice3A_38 = vector.extract_strided_slice %reshape3A {offsets = [0, 0, 64], sizes = [1600, 1, 64], strides = [1, 1, 1]} : vector<1600x2x128xf32> to vector<1600x1x64xf32>
    %squeeze3A_39 = vector.shape_cast %slice3A_38 : vector<1600x1x64xf32> to vector<1600x64xf32>
    %slice3A_40 = vector.extract_strided_slice %reshape3A {offsets = [0, 1, 64], sizes = [1600, 1, 64], strides = [1, 1, 1]} : vector<1600x2x128xf32> to vector<1600x1x64xf32>
    %squeeze3A_41 = vector.shape_cast %slice3A_40 : vector<1600x1x64xf32> to vector<1600x64xf32>
    %concatenate3A_42 = tpu.concatenate %squeeze3A_39, %squeeze3A_41 in 1 : vector<1600x64xf32>, vector<1600x64xf32> -> vector<1600x128xf32>
    %swap3A_43 = arith.constant 1 : index
    %swap3A_44 = arith.constant 0 : index
    %swap3A_45 = arith.constant 0 : index
    %swap3A_46 = vector.load %arg6[%swap3A_43, %swap3A_44, %swap3A_45] : memref<2x1600x128xf32, #tpu.memory_space<vmem>>, vector<1x1600x128xf32>
    %swap3A_47 = vector.shape_cast %swap3A_46 : vector<1x1600x128xf32> to vector<1600x128xf32>
    %swap3A_48 = vector.shape_cast %concatenate3A_42 : vector<1600x128xf32> to vector<1x1600x128xf32>
    tpu.vector_store %arg6[%swap3A_43, %swap3A_44, %swap3A_45], %swap3A_48 {strides = array<i32>} : memref<2x1600x128xf32, #tpu.memory_space<vmem>>, vector<1x1600x128xf32>,
    return
  }
  func.func @transform_0(%arg0: i32) -> (i32, i32) {
    %c0_i32 = arith.constant 0 : i32
    %c0_i32_0 = arith.constant 0 : i32
    return %arg0, %c0_i32 : i32, i32
  }
  func.func @transform_1(%arg0: i32) -> (i32, i32) {
    %c0_i32 = arith.constant 0 : i32
    %c0_i32_0 = arith.constant 0 : i32
    %c0_i32_1 = arith.constant 0 : i32
    return %c0_i32, %c0_i32_0 : i32, i32
  }
  func.func @transform_2(%arg0: i32) -> (i32, i32) {
    %c0_i32 = arith.constant 0 : i32
    %c0_i32_0 = arith.constant 0 : i32
    %c0_i32_1 = arith.constant 0 : i32
    return %c0_i32, %c0_i32_0 : i32, i32
  }
  func.func @transform_3(%arg0: i32) -> (i32, i32) {
    %c0_i32 = arith.constant 0 : i32
    %c0_i32_0 = arith.constant 0 : i32
    %c0_i32_1 = arith.constant 0 : i32
    return %c0_i32, %c0_i32_0 : i32, i32
  }
  func.func @transform_4(%arg0: i32) -> (i32, i32) {
    %c0_i32 = arith.constant 0 : i32
    %c0_i32_0 = arith.constant 0 : i32
    %c0_i32_1 = arith.constant 0 : i32
    return %c0_i32, %c0_i32_0 : i32, i32
  }
  func.func @transform_5(%arg0: i32) -> (i32, i32, i32) {
    %c0_i32 = arith.constant 0 : i32
    %c0_i32_0 = arith.constant 0 : i32
    %c0_i32_1 = arith.constant 0 : i32
    return %c0_i32, %arg0, %c0_i32_0 : i32, i32, i32
  }
}

</mosaic_0001>

<sc_bundles>
// kernel: kernel.4.cloned.1.call-start
scs
__scs_entry_jumppad:
0x0: {  	(pc) =	sbr.rel $0x88, $3  }
0x1: {  	(tag) =	ssettag $0x0;
	lr =	simm.s32 $0x1  }
0x2: {  	[smem:$0x3F9A] =	sst lr;
	_ =	strace $0xD0000000  }
0x3: {  	_ = 	snop  }
0x4: {  	_ = 	snop  }
0x5: {  	_ = 	snop  }
0x6: {  	_ = 	snop  }
0x7: {  	_ = 	snop  }
__scs_overlays_trampoline_lowered:
0x8: {  	[smem:$0x3FA9] =	sst s0  }
0x9: {  	[smem:$0x3FAA] =	sst s1  }
0xa: {  	[smem:$0x3FAB] =	sst s2  }
0xb: {  	[smem:$0x3FAC] =	sst s3  }
0xc: {  	[smem:$0x3FAD] =	sst s4  }
0xd: {  	[smem:$0x3FAE] =	sst s5  }
0xe: {  	[smem:$0x3FAF] =	sst s6  }
0xf: {  	[smem:$0x3FB0] =	sst s7  }
0x10: {  	[smem:$0x3FB1] =	sst s8  }
0x11: {  	[smem:$0x3FB2] =	sst s9;
	s0 =	simm.s32 @!p0 $0x0  }
0x12: {  	s1 =	sld [smem:$0x3F98];
	s0 =	simm.s32 @p0 $0x1  }
0x13: {  	[smem:$0x3FB3] =	sst s0;
	s0 =	simm.s32 @!p1 $0x0  }
0x14: {  	s2 =	sld [smem:$0x3F97];
	s0 =	simm.s32 @p1 $0x1  }
0x15: {  	[smem:$0x3FB4] =	sst s0;
	s0 =	simm.s32 @!p2 $0x0  }
0x16: {  	s3 =	sld [smem:$0x3FDB];
	s0 =	simm.s32 @p2 $0x1  }
0x17: {  	s4 =	simm.s32 $0x1BF5;
	[smem:$0x3FB6] =	sst s0  }
0x18: {  	s0 =	sld [smem:$0x3F99];
	_ =	swait.ge [sflag:s4], $0x0  }
0x19: {  	s7 =	sld [smem:$0x3F9A]  }
0x1a: {  	s8 =	sadd.s32 $0xFFFFE003, lr  }
0x1b: {  	s9 =	sadd.s32 $0xFFFFFEF7, lr;
	s5 =	simm.s32 $0xFFFFFFFF;
	p2 =	slt.u32 s8, $0xFFFFF086  }
0x1c: {  	p1 =	slt.u32 s9, $0xF7A;
	s5 =	simm.s32 @!p2 $0x0  }
0x1d: {  	s5 =	simm.s32 @p1 $0x1;
	p0 =	seq.s32 s7, s2  }
0x1e: {  	s7 =	smul.u32 @!p0 $0xF7A, s2;
	p2 =	seq.s32 @!p0 s5, $0x0  }
0x1f: {  	s9 =	smul.u32 $0xF7A, s1;
	s8 =	simm.s32 @!p0 $0x1BF5;
	p2 =	por !p2, p0  }
0x20: {  	[sflag:s8] =	ssyncset.s32 @!p0 $0xFFFFF086;
	s6 =	sadd.s32 @!p0 s3, s7;
	s7 =	simm.s32 @!p0 $0x108  }
0x21: {  	s3 =	sadd.s32 s3, s9;
	s6 =	sadd.s32 @!p0 $0x88, s6;
	s7 =	simm.s32 @p2 $0x1082  }
0x22: {  	[simem:s7], [sflag:s8] =	dma.local @!p0 [hbm:s6], $0xF7A  }
0x23: {  	s9 =	sor.u32 $0xD0000000, s2;
	s6 =	simm.s32 $0x108;
	_ =	swait.ge @!p0 [sflag:s8], $0x0  }
0x24: {  	s3 =	sadd.s32 $0x88, s3;
	s6 =	simm.s32 @!p1 $0x1082;
	[sflag:s4] =	ssyncset.s32 $0xFFFFF086  }
0x25: {  	[simem:s6], [sflag:s4] =	dma.local [hbm:s3], $0xF7A  }
0x26: {  	[smem:$0x3F9A] =	sst s1;
	(tag) =	ssettag s2;
	_ =	strace s9  }
0x27: {  	s1 =	sld [smem:$0x3FAA]  }
0x28: {  	s2 =	sld [smem:$0x3FAB]  }
0x29: {  	s4 =	sld [smem:$0x3FAD]  }
0x2a: {  	p0 =	seq.s32 s5, $0x0;
	s5 =	sld [smem:$0x3FAE]  }
0x2b: {  	s6 =	sld [smem:$0x3FAF]  }
0x2c: {  	s7 =	sld [smem:$0x3FB0]  }
0x2d: {  	s3 =	simm.s32 $0x108;
	s8 =	sld [smem:$0x3FB1]  }
0x2e: {  	s3 =	simm.s32 @!p0 $0x1082;
	s9 =	sld [smem:$0x3FB2]  }
0x2f: {  	lr =	sadd.s32 s0, s3;
	s0 =	sld [smem:$0x3FA9]  }
0x30: {  	s3 =	sld [smem:$0x3FAC]  }
0x31: {  	[smem:$0x3FB5] =	sst s10  }
0x32: {  	s10 =	sld [smem:$0x3FB3];
	_ =	sdelay $0x3  }
0x33: {  	p0 =	seq.s32 s10, $0x1;
	s10 =	sld [smem:$0x3FB5];
	_ =	sdelay $0x3  }
0x34: {  	[smem:$0x3FB5] =	sst s10  }
0x35: {  	s10 =	sld [smem:$0x3FB4];
	_ =	sdelay $0x3  }
0x36: {  	p1 =	seq.s32 s10, $0x1;
	s10 =	sld [smem:$0x3FB5];
	_ =	sdelay $0x3  }
0x37: {  	[smem:$0x3FB5] =	sst s10  }
0x38: {  	s10 =	sld [smem:$0x3FB6]  }
0x39: {  	_ = 	snop;
	(pc) =	sbr.ind lr, $3  }
0x3a: {  	_ = 	snop  }
0x3b: {  	_ = 	snop  }
0x3c: {  	p2 =	seq.s32 s10, $0x1;
	s10 =	sld [smem:$0x3FB5]  }
0x3d: {  	_ =	shalt  }
0x3e: {  	_ =	shalt  }
0x3f: {  	_ =	shalt  }
0x40: {  	_ =	shalt  }
0x41: {  	_ =	shalt  }
0x42: {  	_ =	shalt  }
0x43: {  	_ =	shalt  }
0x44: {  	_ =	shalt  }
0x45: {  	_ =	shalt  }
0x46: {  	_ =	shalt  }
0x47: {  	_ =	shalt  }
0x48: {  	_ =	shalt  }
0x49: {  	_ =	shalt  }
0x4a: {  	_ =	shalt  }
0x4b: {  	_ =	shalt  }
0x4c: {  	_ =	shalt  }
0x4d: {  	_ =	shalt  }
0x4e: {  	_ =	shalt  }
0x4f: {  	_ =	shalt  }
0x50: {  	_ =	shalt  }
0x51: {  	_ =	shalt  }
0x52: {  	_ =	shalt  }
0x53: {  	_ =	shalt  }
0x54: {  	_ =	shalt  }
0x55: {  	_ =	shalt  }
0x56: {  	_ =	shalt  }
0x57: {  	_ =	shalt  }
0x58: {  	_ =	shalt  }
0x59: {  	_ =	shalt  }
0x5a: {  	_ =	shalt  }
0x5b: {  	_ =	shalt  }
0x5c: {  	_ =	shalt  }
0x5d: {  	_ =	shalt  }
0x5e: {  	_ =	shalt  }
0x5f: {  	_ =	shalt  }
0x60: {  	_ =	shalt  }
0x61: {  	_ =	shalt  }
0x62: {  	_ =	shalt  }
0x63: {  	_ =	shalt  }
0x64: {  	_ =	shalt  }
0x65: {  	_ =	shalt  }
0x66: {  	_ =	shalt  }
0x67: {  	_ =	shalt  }
0x68: {  	_ =	shalt  }
0x69: {  	_ =	shalt  }
0x6a: {  	_ =	shalt  }
0x6b: {  	_ =	shalt  }
0x6c: {  	_ =	shalt  }
0x6d: {  	_ =	shalt  }
0x6e: {  	_ =	shalt  }
0x6f: {  	_ =	shalt  }
0x70: {  	_ =	shalt  }
0x71: {  	_ =	shalt  }
0x72: {  	_ =	shalt  }
0x73: {  	_ =	shalt  }
0x74: {  	_ =	shalt  }
0x75: {  	_ =	shalt  }
0x76: {  	_ =	shalt  }
0x77: {  	_ =	shalt  }
0x78: {  	_ =	shalt  }
0x79: {  	_ =	shalt  }
0x7a: {  	_ =	shalt  }
0x7b: {  	_ =	shalt  }
0x7c: {  	_ =	shalt  }
0x7d: {  	_ =	shalt  }
0x7e: {  	_ =	shalt  }
0x7f: {  	_ =	shalt  }
0x80: {  	_ =	shalt  }
0x81: {  	_ =	shalt  }
0x82: {  	_ =	shalt  }
0x83: {  	_ =	shalt  }
0x84: {  	_ =	shalt  }
0x85: {  	_ =	shalt  }
0x86: {  	_ =	shalt  }
0x87: {  	_ =	shalt  }
.Lfunc_end0:
.L_simem_size_0:
called_computation_lowered:
.L_overlay_start_0:
0x88: {  	s2 =	sld [smem:$0x3FD9]  }
0x89: {  	s3 =	sld [smem:$0x3FFE];
	_ =	sdelay $0x1  }
0x8a: {  	s1 =	srdreg.scid  }
0x8b: {  	s0 =	sand.u32 $0x1, s1  }
0x8c: {  	s17 =	sshll.u32 s0, $0xA;
	s2 =	sadd.s32 s3, s2  }
0x8d: {  	s2 =	sadd.s32 s2, s17  }
0x8e: {  	[smem:$0x3FC1] =	sst s2  }
0x8f: {  	_ = 	snop  }
0x90: {  	s2 =	sld [smem:$0x3FC9]  }
0x91: {  	s18 =	sld [smem:$0x3FD0];
	(tm) =	ssettm $0x1  }
0x92: {  	s4 =	sld [smem:$0x3FFB];
	_ =	sdelay $0x3  }
0x93: {  	_ =	strace s4  }
0x94: {  	s4 =	sld [smem:$0x3FFC];
	_ =	sdelay $0x3  }
0x95: {  	_ =	strace s4  }
0x96: {  	s4 =	sld [smem:$0x3FFD];
	_ =	sdelay $0x3  }
0x97: {  	_ =	strace s4  }
0x98: {  	_ =	strace $0x8FFFFFFF  }
0x99: {  	s19 =	sld [smem:$0x3FDB];
	_ =	sdelay $0x1  }
0x9a: {  	s5 =	simm.s32 $_scs_section_size  }
0x9b: {  	s6 =	simm.s32 $_size__tile_overlayer_lowered;
	s7 =	simm.s32 $_tile_overlayer_lowered  }
0x9c: {  	s22 =	simm.s32 $0x1BFF;
	s21 =	sshll.u32 s7, $0x1;
	s4 =	sadd.s32 s5, s19  }
0x9d: {  	s8 =	simm.s32 $0x0;
	s20 =	sshll.u32 s6, $0x1;
	s6 =	sadd.s32 s21, s4  }
0x9e: {  	[timem:s8], [sflag:s22] =	dma.local [hbm:s6], s20  }
0x9f: {  	_ =	swait.ge [sflag:s22], s20  }
0xa0: {  	s5 =	ssub.s32 $0x0, s20;
	[sflag:s22] =	ssyncset.done $0x0  }
0xa1: {  	[sflag:s22] =	ssyncadd.s32 s5;
	_ =	sdelay $0x1  }
0xa2: {  	s23 =	simm.s32 $0x1B8B  }
0xa3: {  	_ =	swait.ge [sflag:s23], $0x1  }
0xa4: {  	[sflag:s23] =	ssyncset.done $0x0  }
0xa5: {  	s25 =	simm.s32 $0x1B8E;
	s24 =	sld [smem:$0x3FFE];
	[sflag:s23] =	ssyncadd.s32 $0xFFFFFFFF  }
0xa6: {  	s26 =	simm.s32 $execute0_lowered;
	[smem:$0x3FD2] =	sst s25  }
0xa7: {  	s6 =	sshll.u32 s26, $0x1;
	_ =	strace $0x80000046;
	[dreg:$0x1] =	wrdreg $0xFFFFFFFF  }
0xa8: {  	s28 =	simm.s32 $_size_execute0_lowered;
	s4 =	sadd.s32 s4, s6;
	[dreg:$0x0] =	wrdreg $0x0  }
0xa9: {  	s6 =	sshll.u32 s28, $0x1;
	[dreg:$0x2] =	wrdreg s4  }
0xaa: {  	[dreg:$0x3] =	wrdreg s6  }
0xab: {  	[dreg:$0x4] =	wrdreg $0xC0  }
0xac: {  	_ =	task [dreg:s8], $0x5FFFF  }
0xad: {  	[dreg:$0x1] =	wrdreg $0xFFFFFFFF  }
0xae: {  	[dreg:$0x0] =	wrdreg $0x60  }
0xaf: {  	[dreg:$0x2] =	wrdreg s24  }
0xb0: {  	[dreg:$0x3] =	wrdreg s2  }
0xb1: {  	[dreg:$0x4] =	wrdreg s18  }
0xb2: {  	[dreg:$0x5] =	wrdreg $0x100400  }
0xb3: {  	[dreg:$0x6] =	wrdreg $0x9  }
0xb4: {  	_ =	task.clear_ibuf [dreg:s8], $0x7FFFF;
	_ =	strace $0x90000046  }
0xb5: {  	s29 =	simm.s32 $0x9;
	_ =	strace $0x80000048  }
0xb6: {  	_ =	swait.ge [sflag:s29], $0x1  }
0xb7: {  	[sflag:s29] =	ssyncadd.s32 $0xFFFFFFFF  }
0xb8: {  	_ =	strace $0x90000048  }
0xb9: {  	_ =	sfence  }
0xba: {  	s30 =	sld [smem:$0x0];
	_ =	sdelay $0x2  }
0xbb: {  	s31 =	sshll.u32 s1, $0xD;
	s1 =	sshrl.u32 s1, $0x2  }
0xbc: {  	s3 =	sand.u32 $0x4000, s31;
	s1 =	sadd.s32 s1, s30  }
0xbd: {  	s0 =	sor.u32 s3, s0;
	s1 =	sshll.u32 s1, $0x11  }
0xbe: {  	s0 =	sor.u32 s1, s0  }
0xbf: {  	s0 =	sadd.s32 $0x8F2B, s0  }
0xc0: {  	[sflag:s0] =	ssyncadd.remote.s32 $0x1  }
0xc1: {  	_ =	sfence.sel $0xFFFF  }
0xc2: {  	[dreg:$0x0] =	wrdreg $0xFFFFFFFF;
	(pc) =	sbr.abs _section_cstart, $3  }
0xc3: {  	[dreg:$0x1] =	wrdreg $0xFFFFFFFF  }
0xc4: {  	_ =	task.clear_ibuf [dreg:s8], $0x2FFFF;
	_ =	strace $0x9FFFFFFF  }
0xc5: {  	(tm) =	ssettm $0x7FFFFFFF  }
tec
execute0_lowered:
.L_overlay_start_1:
0x0: {  	(tag) =	ssettag $0x1  }
0x1: {  	s0 =	rddreg [dreg:$0x0]  }
0x2: {  	s2 =	rddreg [dreg:$0x1]  }
0x3: {  	s1 =	rddreg [dreg:$0x2]  }
0x4: {  	s3 =	rddreg [dreg:$0x3]  }
0x5: {  	s12 =	stileid.u32;
	s5 =	srdreg.scid;
	s7 =	simm.s32 $0x0  }
0x6: {  	s18 =	simm.s32 $0x10;
	s19 =	simm.s32 $0x1;
	s20 =	simm.s32 $0x6  }
0x7: {  	s30 =	simm.s32 $0x11;
	s31 =	simm.s32 $0xE;
	s4 =	smul.u32 $0x4E20, s12  }
0x8: {  	s16 =	simm.s32 $0x2;
	s13 =	simm.s32 $0x8;
	s8 =	smul.u32 $0x9E00, s12  }
0x9: {  	s14 =	simm.s32 $0x4;
	s15 =	simm.s32 $0x9;
	s23 =	smul.u32 $0x138800, s12  }
0xa: {  	s6 =	sand.u32 $0x1, s5;
	s28 =	sshll.u32 s12, $0x6;
	s12 =	smul.u32 $0x2710, s12  }
0xb: {  	[smem:$0x7FF] =	sst s7;
	s5 =	sadd.s32 $0xA000, s0;
	s21 =	smul.u32 $0x9E000, s6  }
0xc: {  	s11 =	sadd.s32 $0x4EC000, s0;
	_ =	strace $0x80000047;
	s10 =	smul.u32 $0x4E200, s6  }
0xd: {  	[dreg:$0x5] =	wrdreg s11;
	s11 =	simm.s32 $0x5;
	s9 =	sshrl.u32 s4, $0x3  }
0xe: {  	s9 =	sadd.s32 s9, s0;
	s7 =	sadd.s32 s8, s21;
	s4 =	sadd.s32 s4, s10  }
0xf: {  	s8 =	sadd.s32 s8, s3;
	s21 =	simm.s32 $0x28;
	s10 =	simm.s32 $0xA  }
0x10: {  	s22 =	sshrl.u32 s7, $0x3;
	s7 =	smul.u32 $0x1388000, s6;
	s6 =	ssub.s32 $0x2, s6  }
0x11: {  	s4 =	sshrl.u32 s4, $0x3;
	s26 =	sadd.s32 $0x200, s9;
	s17 =	sshrl.u32 s8, $0x3  }
0x12: {  	s9 =	simm.s32 $0x3;
	s0 =	sadd.s32 s22, s0;
	s24 =	sshrl.u32 s6, $0x1  }
0x13: {  	s1 =	sadd.s32 s1, s4;
	[dreg:$0x7] =	wrdreg s26;
	s4 =	sor.u32 $0x1C10, s28  }
0x14: {  	s22 =	simm.s32 $0x9C40;
	[dreg:$0xd] =	wrdreg s17;
	s6 =	ssub.s32 s6, s24  }
0x15: {  	[dreg:$0x6] =	wrdreg s1;
	s25 =	sadd.s32 s23, s7;
	s0 =	sadd.s32 $0x4ED400, s0  }
.Ltmp0:
0x16: {  	s24 =	simm.s32 $0xA640;
	[dreg:$0x8] =	wrdreg s4;
	(pc) =	sbr.rel .LBB2_1-.Ltmp0, $4  }
0x17: {  	s1 =	sshrl.u32 s25, $0x3;
	[dreg:$0xb] =	wrdreg s0;
	s29 =	smax.u32 s6, $0x1  }
0x18: {  	s23 =	simm.s32 $0x7;
	s1 =	sadd.s32 s5, s1;
	[dreg:$0xc] =	wrdreg s29  }
0x19: {  	s25 =	simm.s32 $0xF;
	[dreg:$0x9] =	wrdreg s1;
	s1 =	sadd.s32 $0x140, s1  }
0x1a: {  	s6 =	simm.s32 $0xC440;
	[dreg:$0xa] =	wrdreg s1;
	s1 =	simm.s32 $0x0  }
.LBB2_22:
0x1b: {  	[spmem:s3] =	stream.indirect.scatter.add.f32 [tilespmem:s6], [sflag:$0x10], $0x40, s0, s21, $0xb8;
	[tilespmem:$0x19E40] =	vst v63  }
0x1c: {  	s18 =	simm.s32 $0x10  }
0x1d: {  	_ =	swait.ge [sflag:s18], $0xA00  }
0x1e: {  	[sflag:s18] =	ssyncset.done $0x0  }
0x1f: {  	[sflag:s18] =	ssyncadd.s32 $0xFFFFF600  }
0x20: {  	[bflag:$0x0] =	sbarrier.arrive $0xFFFF  }
0x21: {  	s4 =	rddreg [dreg:$0x8]  }
0x22: {  	s28 =	rddreg [dreg:$0xb]  }
0x23: {  	s17 =	rddreg [dreg:$0xd]  }
0x24: {  	[hbm:s28], [sflag:s4] =	dma.local [spmem:s17], $0x13C0  }
0x25: {  	_ =	swait.ge [sflag:s18], $0x13C0  }
0x26: {  	s1 =	rddreg [dreg:$0xe]  }
0x27: {  	s29 =	rddreg [dreg:$0xc];
	s1 =	sadd.s32 $0x1, s1  }
0x28: {  	p0 =	sne.s32 s1, s29  }
.Ltmp1:
0x29: {  	_ = 	snop;
	(pc) =	sbr.rel @!p0 .LBB2_23-.Ltmp1, $3  }
0x2a: {  	_ =	sdelay $0x1  }
0x2b: {  	[sflag:s18] =	ssyncset.done $0x0  }
0x2c: {  	[sflag:s18] =	ssyncadd.s32 $0xFFFFEC40  }
.LBB2_1:
0x2d: {  	[dreg:$0xe] =	wrdreg s1  }
0x2e: {  	s0 =	simm.s32 $0x0;
	s28 =	rddreg [dreg:$0x6]  }
0x2f: {  	[tilespmem:s0], [sflag:$0x1] =	stream.linear.gather [hbm4b:s28+s0], $0x4E20, $0x38;
	[tilespmem:$0x19E40] =	vst v63  }
0x30: {  	s29 =	rddreg [dreg:$0x7];
	s8 =	simm.s32 $0x4E20  }
0x31: {  	[tilespmem:s8], [sflag:$0x6] =	stream.linear.gather [hbm4b:s29+s0], $0x4E20, $0x38;
	[tilespmem:$0x19E40] =	vst v63  }
0x32: {  	s8 =	rddreg [dreg:$0x5]  }
0x33: {  	[spmem:s17], [sflag:s4] =	dma.local [hbm:s8], $0x13C0  }
0x34: {  	_ =	swait.ge [sflag:s18], $0x13C0  }
0x35: {  	[sflag:s18] =	ssyncset.done $0x0  }
0x36: {  	[sflag:s18] =	ssyncadd.s32 $0xFFFFEC40  }
0x37: {  	_ =	swait.ge [sflag:s19], $0x4E20  }
0x38: {  	[sflag:s19] =	ssyncset.done $0x0  }
0x39: {  	[sflag:s19] =	ssyncadd.s32 $0xFFFFB1E0  }
0x3a: {  	_ =	swait.ge [sflag:s20], $0x4E20  }
0x3b: {  	[sflag:s20] =	ssyncset.done $0x0  }
0x3c: {  	[sflag:s20] =	ssyncadd.s32 $0xFFFFB1E0  }
0x3d: {  	[tilespmem:s22], [sflag:$0x1] =	stream.indirect.gather [hbm4b:s2+s21], $0x40, s0, s21, $0xb8;
	[tilespmem:$0x19E40] =	vst v63  }
0x3e: {  	s26 =	simm.s32 $0xCE40;
	s18 =	rddreg [dreg:$0x9]  }
0x3f: {  	[tilespmem:s26], [sflag:$0x6] =	stream.linear.gather [hbm4b:s18+s0], $0xA00, $0x38;
	[tilespmem:$0x19E40] =	vst v63  }
0x40: {  	_ = 	snop  }
0x41: {  	[tilespmem:s24], [sflag:$0x2] =	stream.indirect.gather [hbm4b:s2+s21], $0x40, s21, s21, $0xb8;
	[tilespmem:$0x19E40] =	vst v63  }
0x42: {  	s29 =	simm.s32 $0xD840;
	s28 =	rddreg [dreg:$0xa]  }
0x43: {  	[tilespmem:s29], [sflag:$0x7] =	stream.linear.gather [hbm4b:s28+s0], $0xA00, $0x38;
	[tilespmem:$0x19E40] =	vst v63  }
0x44: {  	s4 =	simm.s32 $0x0;
	[bflag:$0x0] =	sbarrier.arrive $0xFFFF  }
.LBB2_2:
0x45: {  	s18 =	smul.u32 $0x5, s4  }
0x46: {  	p1 =	seq.s32 s4, $0x0  }
0x47: {  	s0 =	simm.s32 @!p1 $0xD;
	s26 =	sadd.s32 $0x2, s18  }
0x48: {  	_ =	swait.ge @!p1 [sflag:s0], $0xA00;
	s17 =	smul.u32 $0xA0, s26  }
0x49: {  	s1 =	simm.s32 $0xB040;
	[sflag:s0] =	ssyncset.done @!p1 $0x0  }
0x4a: {  	s26 =	smul.u32 $0x14, s26;
	[sflag:s0] =	ssyncadd.s32 @!p1 $0xFFFFF600;
	s29 =	sshra.s32 s17, $0x2  }
0x4b: {  	[tilespmem:s1], [sflag:$0x3] =	stream.indirect.gather [hbm4b:s2+s21], $0x40, s29, s21, $0xb8;
	[tilespmem:$0x19E40] =	vst v63  }
0x4c: {  	s1 =	sadd.s32 s12, s26  }
0x4d: {  	s0 =	sshll.u32 s1, $0x7  }
0x4e: {  	s0 =	sadd.s32 s7, s0  }
0x4f: {  	s0 =	sshrl.u32 s0, $0x3  }
0x50: {  	s8 =	simm.s32 $0x0;
	s29 =	simm.s32 $0xE240;
	s0 =	sadd.s32 s5, s0  }
0x51: {  	[tilespmem:s29], [sflag:$0x8] =	stream.linear.gather [hbm4b:s0+s8], $0xA00, $0x38;
	[tilespmem:$0x19E40] =	vst v63  }
0x52: {  	_ =	swait.ge [sflag:s19], $0xA00  }
0x53: {  	[sflag:s19] =	ssyncset.done $0x0  }
0x54: {  	[sflag:s19] =	ssyncadd.s32 $0xFFFFF600  }
0x55: {  	_ =	swait.ge [sflag:s20], $0xA00  }
0x56: {  	[sflag:s20] =	ssyncset.done $0x0  }
0x57: {  	s26 =	simm.s32 $0x0;
	[sflag:s20] =	ssyncadd.s32 $0xFFFFF600  }
0x58: {  	v7 =	vld [tilespmem:s26+$0xCE40]  }
0x59: {  	v11 =	vld [tilespmem:s26+$0xCE80]  }
0x5a: {  	v5 =	vld [tilespmem:s26+$0xCE50]  }
0x5b: {  	v4 =	vld [tilespmem:s26+$0xCE90]  }
0x5c: {  	v3 =	vld [tilespmem:s26+$0xCE60]  }
0x5d: {  	v2 =	vld [tilespmem:s26+$0xCEA0]  }
0x5e: {  	v1 =	vld [tilespmem:s26+$0xCE70]  }
0x5f: {  	v0 =	vld [tilespmem:s26+$0xCEB0]  }
0x60: {  	v12 =	vld [tilespmem:s26+$0x9C40]  }
0x61: {  	v13 =	vld [tilespmem:s26+$0x9C80]  }
0x62: {  	v10 =	vld [tilespmem:s26+$0x9C50]  }
0x63: {  	v9 =	vld [tilespmem:s26+$0x9C90]  }
0x64: {  	v8 =	vld [tilespmem:s26+$0x9C60]  }
0x65: {  	v6 =	vld [tilespmem:s26+$0x9CA0];
	v12 =	vmul.f32 v7, v12  }
0x66: {  	s28 =	simm.s32 $0x200;
	v11 =	vmul.f32 v11, v13;
	v7 =	vld [tilespmem:s26+$0x9C70]  }
.LBB2_3:
0x67: {  	s0 =	sshra.s32 s28, $0x2;
	p0 =	sne.s32 s28, $0x2600;
	[tilespmem:s26+$0x9C40] =	vst v12;
	v5 =	vmul.f32 v5, v10;
	v10 =	vld [tilespmem:s26+$0x9CB0]  }
0x68: {  	v12 =	vld [tilespmem:s0+$0xCE40];
	[tilespmem:s26+$0x9C80] =	vst v11;
	v4 =	vmul.f32 v4, v9  }
0x69: {  	v11 =	vld [tilespmem:s0+$0xCE80];
	[tilespmem:s26+$0x9C50] =	vst v5;
	v3 =	vmul.f32 v3, v8  }
0x6a: {  	v5 =	vld [tilespmem:s0+$0xCE50];
	[tilespmem:s26+$0x9C90] =	vst v4;
	v2 =	vmul.f32 v2, v6  }
0x6b: {  	v4 =	vld [tilespmem:s0+$0xCE90];
	[tilespmem:s26+$0x9C60] =	vst v3;
	v1 =	vmul.f32 v1, v7  }
0x6c: {  	v3 =	vld [tilespmem:s0+$0xCE60];
	[tilespmem:s26+$0x9CA0] =	vst v2;
	v0 =	vmul.f32 v0, v10  }
0x6d: {  	v2 =	vld [tilespmem:s0+$0xCEA0];
	[tilespmem:s26+$0x9C70] =	vst v1  }
0x6e: {  	v1 =	vld [tilespmem:s0+$0xCE70];
	[tilespmem:s26+$0x9CB0] =	vst v0;
	s26 =	smov.u32 s0  }
0x6f: {  	v0 =	vld [tilespmem:s26+$0xCEB0]  }
0x70: {  	v6 =	vld [tilespmem:s26+$0x9C40]  }
0x71: {  	v7 =	vld [tilespmem:s26+$0x9C80]  }
.Ltmp2:
0x72: {  	v10 =	vld [tilespmem:s26+$0x9C50];
	(pc) =	sbr.rel @p0 .LBB2_3-.Ltmp2, $4  }
0x73: {  	v9 =	vld [tilespmem:s26+$0x9C90]  }
0x74: {  	v8 =	vld [tilespmem:s26+$0x9C60]  }
0x75: {  	v12 =	vmul.f32 v12, v6;
	v6 =	vld [tilespmem:s26+$0x9CA0]  }
0x76: {  	s28 =	sadd.s32 $0x200, s28;
	v11 =	vmul.f32 v11, v7;
	v7 =	vld [tilespmem:s26+$0x9C70]  }
0x77: {  	[tilespmem:s26+$0x9C40] =	vst v12;
	v5 =	vmul.f32 v5, v10;
	v63 =	vld [tilespmem:s26+$0x9CB0]  }
0x78: {  	[tilespmem:s26+$0x9C80] =	vst v11;
	v4 =	vmul.f32 v4, v9  }
0x79: {  	p0 =	sne.s32 s4, $0x63;
	[tilespmem:s26+$0x9C50] =	vst v5;
	v3 =	vmul.f32 v3, v8  }
.Ltmp3:
0x7a: {  	[tilespmem:s26+$0x9C90] =	vst v4;
	v2 =	vmul.f32 v2, v6;
	(pc) =	sbr.rel @p0 .LBB2_6-.Ltmp3, $4  }
0x7b: {  	[tilespmem:s26+$0x9C60] =	vst v3;
	v1 =	vmul.f32 v1, v7  }
0x7c: {  	[tilespmem:s26+$0x9CA0] =	vst v2;
	v0 =	vmul.f32 v0, v63  }
0x7d: {  	[tilespmem:s26+$0x9C70] =	vst v1  }
0x7e: {  	[tilespmem:s26+$0x9CB0] =	vst v0  }
.Ltmp4:
0x7f: {  	s0 =	simm.s32 $0x9B78;
	(pc) =	sbr.rel .LBB2_7-.Ltmp4, $4  }
0x80: {  	[spmem:s3] =	stream.indirect.scatter.add.f32 [tilespmem:s22], [sflag:$0x11], $0x40, s0, s21, $0xb8;
	[tilespmem:$0x19E40] =	vst v63  }
0x81: {  	_ =	swait.ge [sflag:s30], $0xA00  }
0x82: {  	[sflag:s30] =	ssyncset.done $0x0  }
0x83: {  	s26 =	simm.s32 $0x1F0;
	[sflag:s30] =	ssyncadd.s32 $0xFFFFF600  }
.LBB2_6:
0x84: {  	s0 =	smul.u32 $0x320, s4  }
.Ltmp5:
0x85: {  	_ = 	snop;
	(pc) =	sbr.rel @p1 .LBB2_8-.Ltmp5, $4  }
0x86: {  	_ = 	snop  }
0x87: {  	s0 =	sshra.s32 s0, $0x2  }
0x88: {  	s26 =	sadd.s32 $0x1, s18;
	s0 =	sadd.s32 $0x4E20, s0  }
0x89: {  	[spmem:s3] =	stream.indirect.scatter.add.f32 [tilespmem:s22], [sflag:$0xB], $0x40, s0, s21, $0xb8;
	[tilespmem:$0x19E40] =	vst v63  }
.LBB2_7:
0x8a: {  	_ =	swait.ge [sflag:s31], $0xA00  }
0x8b: {  	[sflag:s31] =	ssyncset.done $0x0  }
0x8c: {  	[sflag:s31] =	ssyncadd.s32 $0xFFFFF600  }
.LBB2_8:
0x8d: {  	s0 =	sadd.s32 $0x3, s18  }
0x8e: {  	s29 =	smul.u32 $0xA0, s0  }
0x8f: {  	s0 =	smul.u32 $0x14, s0;
	_ =	sdelay $0x1  }
0x90: {  	s1 =	simm.s32 $0xBA40;
	s28 =	sshra.s32 s29, $0x2;
	s0 =	sadd.s32 s12, s0  }
0x91: {  	[tilespmem:s1], [sflag:$0x4] =	stream.indirect.gather [hbm4b:s2+s21], $0x40, s28, s21, $0xb8;
	[tilespmem:$0x19E40] =	vst v63  }
0x92: {  	s0 =	sshll.u32 s0, $0x7  }
0x93: {  	s0 =	sadd.s32 s7, s0  }
0x94: {  	s0 =	sshrl.u32 s0, $0x3  }
0x95: {  	s8 =	simm.s32 $0xEC40;
	s28 =	simm.s32 $0x0;
	s0 =	sadd.s32 s5, s0  }
0x96: {  	[tilespmem:s8], [sflag:$0x9] =	stream.linear.gather [hbm4b:s0+s28], $0xA00, $0x38;
	[tilespmem:$0x19E40] =	vst v63  }
0x97: {  	_ =	swait.ge [sflag:s16], $0xA00  }
0x98: {  	[sflag:s16] =	ssyncset.done $0x0  }
0x99: {  	[sflag:s16] =	ssyncadd.s32 $0xFFFFF600  }
0x9a: {  	_ =	swait.ge [sflag:s23], $0xA00  }
0x9b: {  	[sflag:s23] =	ssyncset.done $0x0  }
0x9c: {  	s28 =	simm.s32 $0x0;
	[sflag:s23] =	ssyncadd.s32 $0xFFFFF600  }
0x9d: {  	v7 =	vld [tilespmem:s28+$0xD840]  }
0x9e: {  	v11 =	vld [tilespmem:s28+$0xD880]  }
0x9f: {  	v5 =	vld [tilespmem:s28+$0xD850]  }
0xa0: {  	v4 =	vld [tilespmem:s28+$0xD890]  }
0xa1: {  	v3 =	vld [tilespmem:s28+$0xD860]  }
0xa2: {  	v2 =	vld [tilespmem:s28+$0xD8A0]  }
0xa3: {  	v1 =	vld [tilespmem:s28+$0xD870]  }
0xa4: {  	v0 =	vld [tilespmem:s28+$0xD8B0]  }
0xa5: {  	v12 =	vld [tilespmem:s28+$0xA640]  }
0xa6: {  	v13 =	vld [tilespmem:s28+$0xA680]  }
0xa7: {  	v10 =	vld [tilespmem:s28+$0xA650]  }
0xa8: {  	v9 =	vld [tilespmem:s28+$0xA690]  }
0xa9: {  	v8 =	vld [tilespmem:s28+$0xA660]  }
0xaa: {  	v6 =	vld [tilespmem:s28+$0xA6A0];
	v12 =	vmul.f32 v7, v12  }
0xab: {  	s0 =	simm.s32 $0x200;
	v11 =	vmul.f32 v11, v13;
	v7 =	vld [tilespmem:s28+$0xA670]  }
.LBB2_9:
0xac: {  	s1 =	sshra.s32 s0, $0x2;
	p2 =	sne.s32 s0, $0x2600;
	[tilespmem:s28+$0xA640] =	vst v12;
	v5 =	vmul.f32 v5, v10;
	v10 =	vld [tilespmem:s28+$0xA6B0]  }
0xad: {  	v12 =	vld [tilespmem:s1+$0xD840];
	[tilespmem:s28+$0xA680] =	vst v11;
	v4 =	vmul.f32 v4, v9  }
0xae: {  	v11 =	vld [tilespmem:s1+$0xD880];
	[tilespmem:s28+$0xA650] =	vst v5;
	v3 =	vmul.f32 v3, v8  }
0xaf: {  	v5 =	vld [tilespmem:s1+$0xD850];
	[tilespmem:s28+$0xA690] =	vst v4;
	v2 =	vmul.f32 v2, v6  }
0xb0: {  	v4 =	vld [tilespmem:s1+$0xD890];
	[tilespmem:s28+$0xA660] =	vst v3;
	v1 =	vmul.f32 v1, v7  }
0xb1: {  	v3 =	vld [tilespmem:s1+$0xD860];
	[tilespmem:s28+$0xA6A0] =	vst v2;
	v0 =	vmul.f32 v0, v10  }
0xb2: {  	v2 =	vld [tilespmem:s1+$0xD8A0];
	[tilespmem:s28+$0xA670] =	vst v1  }
0xb3: {  	v1 =	vld [tilespmem:s1+$0xD870];
	[tilespmem:s28+$0xA6B0] =	vst v0;
	s28 =	smov.u32 s1  }
0xb4: {  	v0 =	vld [tilespmem:s28+$0xD8B0]  }
0xb5: {  	v6 =	vld [tilespmem:s28+$0xA640]  }
0xb6: {  	v7 =	vld [tilespmem:s28+$0xA680]  }
.Ltmp6:
0xb7: {  	v10 =	vld [tilespmem:s28+$0xA650];
	(pc) =	sbr.rel @p2 .LBB2_9-.Ltmp6, $4  }
0xb8: {  	v9 =	vld [tilespmem:s28+$0xA690]  }
0xb9: {  	v8 =	vld [tilespmem:s28+$0xA660]  }
0xba: {  	v12 =	vmul.f32 v12, v6;
	v6 =	vld [tilespmem:s28+$0xA6A0]  }
0xbb: {  	s0 =	sadd.s32 $0x200, s0;
	v11 =	vmul.f32 v11, v7;
	v7 =	vld [tilespmem:s28+$0xA670]  }
0xbc: {  	[tilespmem:s28+$0xA640] =	vst v12;
	v5 =	vmul.f32 v5, v10;
	v63 =	vld [tilespmem:s28+$0xA6B0]  }
0xbd: {  	[tilespmem:s28+$0xA680] =	vst v11;
	v4 =	vmul.f32 v4, v9  }
0xbe: {  	[tilespmem:s28+$0xA650] =	vst v5;
	v3 =	vmul.f32 v3, v8  }
.Ltmp7:
0xbf: {  	[tilespmem:s28+$0xA690] =	vst v4;
	v2 =	vmul.f32 v2, v6;
	(pc) =	sbr.rel @p0 .LBB2_12-.Ltmp7, $4  }
0xc0: {  	s0 =	smul.u32 $0xA0, s26;
	[tilespmem:s28+$0xA660] =	vst v3;
	v1 =	vmul.f32 v1, v7  }
0xc1: {  	[tilespmem:s28+$0xA6A0] =	vst v2;
	v0 =	vmul.f32 v0, v63  }
0xc2: {  	s0 =	sshra.s32 s0, $0x2;
	[tilespmem:s28+$0xA670] =	vst v1  }
0xc3: {  	s0 =	sadd.s32 $0x4E20, s0;
	[tilespmem:s28+$0xA6B0] =	vst v0  }
.Ltmp8:
0xc4: {  	(pc) =	sbr.rel .LBB2_13-.Ltmp8, $4  }
0xc5: {  	[spmem:s3] =	stream.indirect.scatter.add.f32 [tilespmem:s24], [sflag:$0x11], $0x40, s0, s21, $0xb8;
	[tilespmem:$0x19E40] =	vst v63  }
0xc6: {  	_ =	swait.ge [sflag:s30], $0xA00  }
0xc7: {  	[sflag:s30] =	ssyncset.done $0x0  }
0xc8: {  	[sflag:s30] =	ssyncadd.s32 $0xFFFFF600  }
.LBB2_12:
.Ltmp9:
0xc9: {  	(pc) =	sbr.rel @p1 .LBB2_14-.Ltmp9, $2  }
0xca: {  	_ =	sdelay $0x2  }
0xcb: {  	[spmem:s3] =	stream.indirect.scatter.add.f32 [tilespmem:s24], [sflag:$0xC], $0x40, s0, s21, $0xb8;
	[tilespmem:$0x19E40] =	vst v63  }
.LBB2_13:
0xcc: {  	_ =	swait.ge [sflag:s25], $0xA00  }
0xcd: {  	[sflag:s25] =	ssyncset.done $0x0  }
0xce: {  	[sflag:s25] =	ssyncadd.s32 $0xFFFFF600  }
.LBB2_14:
0xcf: {  	s0 =	sadd.s32 $0x4, s18  }
0xd0: {  	s1 =	smul.u32 $0xA0, s0  }
0xd1: {  	s0 =	smul.u32 $0x14, s0;
	_ =	sdelay $0x1  }
0xd2: {  	s26 =	sshra.s32 s1, $0x2;
	s0 =	sadd.s32 s12, s0  }
0xd3: {  	[tilespmem:s6], [sflag:$0x5] =	stream.indirect.gather [hbm4b:s2+s21], $0x40, s26, s21, $0xb8;
	[tilespmem:$0x19E40] =	vst v63  }
0xd4: {  	s0 =	sshll.u32 s0, $0x7  }
0xd5: {  	s0 =	sadd.s32 s7, s0  }
0xd6: {  	s0 =	sshrl.u32 s0, $0x3  }
0xd7: {  	s8 =	simm.s32 $0xF640;
	s1 =	simm.s32 $0x0;
	s0 =	sadd.s32 s5, s0  }
0xd8: {  	[tilespmem:s8], [sflag:$0xA] =	stream.linear.gather [hbm4b:s0+s1], $0xA00, $0x38;
	[tilespmem:$0x19E40] =	vst v63  }
0xd9: {  	_ =	swait.ge [sflag:s9], $0xA00  }
0xda: {  	[sflag:s9] =	ssyncset.done $0x0  }
0xdb: {  	[sflag:s9] =	ssyncadd.s32 $0xFFFFF600  }
0xdc: {  	_ =	swait.ge [sflag:s13], $0xA00  }
0xdd: {  	[sflag:s13] =	ssyncset.done $0x0  }
0xde: {  	s28 =	simm.s32 $0x0;
	[sflag:s13] =	ssyncadd.s32 $0xFFFFF600  }
0xdf: {  	v7 =	vld [tilespmem:s28+$0xE240]  }
0xe0: {  	v11 =	vld [tilespmem:s28+$0xE280]  }
0xe1: {  	v5 =	vld [tilespmem:s28+$0xE250]  }
0xe2: {  	v4 =	vld [tilespmem:s28+$0xE290]  }
0xe3: {  	v3 =	vld [tilespmem:s28+$0xE260]  }
0xe4: {  	v2 =	vld [tilespmem:s28+$0xE2A0]  }
0xe5: {  	v1 =	vld [tilespmem:s28+$0xE270]  }
0xe6: {  	v0 =	vld [tilespmem:s28+$0xE2B0]  }
0xe7: {  	v12 =	vld [tilespmem:s28+$0xB040]  }
0xe8: {  	v13 =	vld [tilespmem:s28+$0xB080]  }
0xe9: {  	v10 =	vld [tilespmem:s28+$0xB050]  }
0xea: {  	v9 =	vld [tilespmem:s28+$0xB090]  }
0xeb: {  	v8 =	vld [tilespmem:s28+$0xB060]  }
0xec: {  	v6 =	vld [tilespmem:s28+$0xB0A0];
	v12 =	vmul.f32 v7, v12  }
0xed: {  	s0 =	simm.s32 $0x200;
	v11 =	vmul.f32 v11, v13;
	v7 =	vld [tilespmem:s28+$0xB070]  }
.LBB2_15:
0xee: {  	s1 =	sshra.s32 s0, $0x2;
	p1 =	sne.s32 s0, $0x2600;
	[tilespmem:s28+$0xB040] =	vst v12;
	v5 =	vmul.f32 v5, v10;
	v10 =	vld [tilespmem:s28+$0xB0B0]  }
0xef: {  	v12 =	vld [tilespmem:s1+$0xE240];
	[tilespmem:s28+$0xB080] =	vst v11;
	v4 =	vmul.f32 v4, v9  }
0xf0: {  	v11 =	vld [tilespmem:s1+$0xE280];
	[tilespmem:s28+$0xB050] =	vst v5;
	v3 =	vmul.f32 v3, v8  }
0xf1: {  	v5 =	vld [tilespmem:s1+$0xE250];
	[tilespmem:s28+$0xB090] =	vst v4;
	v2 =	vmul.f32 v2, v6  }
0xf2: {  	v4 =	vld [tilespmem:s1+$0xE290];
	[tilespmem:s28+$0xB060] =	vst v3;
	v1 =	vmul.f32 v1, v7  }
0xf3: {  	v3 =	vld [tilespmem:s1+$0xE260];
	[tilespmem:s28+$0xB0A0] =	vst v2;
	v0 =	vmul.f32 v0, v10  }
0xf4: {  	v2 =	vld [tilespmem:s1+$0xE2A0];
	[tilespmem:s28+$0xB070] =	vst v1  }
0xf5: {  	v1 =	vld [tilespmem:s1+$0xE270];
	[tilespmem:s28+$0xB0B0] =	vst v0;
	s28 =	smov.u32 s1  }
0xf6: {  	v0 =	vld [tilespmem:s28+$0xE2B0]  }
0xf7: {  	v6 =	vld [tilespmem:s28+$0xB040]  }
0xf8: {  	v7 =	vld [tilespmem:s28+$0xB080]  }
.Ltmp10:
0xf9: {  	v10 =	vld [tilespmem:s28+$0xB050];
	(pc) =	sbr.rel @p1 .LBB2_15-.Ltmp10, $4  }
0xfa: {  	v9 =	vld [tilespmem:s28+$0xB090]  }
0xfb: {  	v8 =	vld [tilespmem:s28+$0xB060]  }
0xfc: {  	v12 =	vmul.f32 v12, v6;
	v6 =	vld [tilespmem:s28+$0xB0A0]  }
0xfd: {  	s0 =	sadd.s32 $0x200, s0;
	v11 =	vmul.f32 v11, v7;
	v7 =	vld [tilespmem:s28+$0xB070]  }
0xfe: {  	[tilespmem:s28+$0xB040] =	vst v12;
	v5 =	vmul.f32 v5, v10;
	v10 =	vld [tilespmem:s28+$0xB0B0]  }
0xff: {  	[tilespmem:s28+$0xB080] =	vst v11;
	v4 =	vmul.f32 v4, v9  }
0x100: {  	[tilespmem:s28+$0xB050] =	vst v5;
	v3 =	vmul.f32 v3, v8  }
0x101: {  	[tilespmem:s28+$0xB090] =	vst v4;
	v2 =	vmul.f32 v2, v6  }
0x102: {  	[tilespmem:s28+$0xB060] =	vst v3;
	v1 =	vmul.f32 v1, v7  }
0x103: {  	[tilespmem:s28+$0xB0A0] =	vst v2;
	v0 =	vmul.f32 v0, v10  }
0x104: {  	s0 =	sshra.s32 @p0 s17, $0x2;
	[tilespmem:s28+$0xB070] =	vst v1  }
0x105: {  	s1 =	simm.s32 @p0 $0x28;
	s0 =	sadd.s32 @p0 $0x4E20, s0;
	[tilespmem:s28+$0xB0B0] =	vst v0;
	s28 =	simm.s32 @p0 $0xB040  }
0x106: {  	[spmem:s3] =	stream.indirect.scatter.add.f32 @p0 [tilespmem:s28], [sflag:$0xD], $0x40, s0, s1, $0xb8;
	[tilespmem:$0x19E40] =	vst v63  }
0x107: {  	s0 =	simm.s32 @p0 $0xB;
	s28 =	sadd.s32 @p0 $0x5, s18  }
0x108: {  	_ =	swait.ge @p0 [sflag:s0], $0xA00;
	s8 =	smul.u32 @p0 $0xA0, s28  }
0x109: {  	s28 =	smul.u32 @p0 $0x14, s28;
	[sflag:s0] =	ssyncset.done @p0 $0x0  }
0x10a: {  	[sflag:s0] =	ssyncadd.s32 @p0 $0xFFFFF600;
	s0 =	sshra.s32 @p0 s8, $0x2;
	s8 =	simm.s32 @p0 $0x9C40  }
0x10b: {  	[tilespmem:s8], [sflag:$0x1] =	stream.indirect.gather @p0 [hbm4b:s2+s1], $0x40, s0, s1, $0xb8;
	[tilespmem:$0x19E40] =	vst v63  }
0x10c: {  	s0 =	sadd.s32 @p0 s12, s28  }
0x10d: {  	s0 =	sshll.u32 @p0 s0, $0x7  }
0x10e: {  	s0 =	sadd.s32 @p0 s7, s0  }
0x10f: {  	s0 =	sshrl.u32 @p0 s0, $0x3  }
0x110: {  	s1 =	simm.s32 @p0 $0x0;
	s8 =	simm.s32 @p0 $0xCE40;
	s0 =	sadd.s32 @p0 s5, s0  }
0x111: {  	[tilespmem:s8], [sflag:$0x6] =	stream.linear.gather @p0 [hbm4b:s0+s1], $0xA00, $0x38;
	[tilespmem:$0x19E40] =	vst v63  }
0x112: {  	s0 =	sshra.s32 @!p0 s17, $0x2  }
0x113: {  	s1 =	simm.s32 @!p0 $0x28;
	s8 =	simm.s32 @!p0 $0xB040;
	s0 =	sadd.s32 @!p0 $0x4E20, s0  }
0x114: {  	[spmem:s3] =	stream.indirect.scatter.add.f32 @!p0 [tilespmem:s8], [sflag:$0x11], $0x40, s0, s1, $0xb8;
	[tilespmem:$0x19E40] =	vst v63  }
0x115: {  	s0 =	simm.s32 @!p0 $0x11  }
0x116: {  	_ =	swait.ge @!p0 [sflag:s0], $0xA00  }
0x117: {  	[sflag:s0] =	ssyncset.done @!p0 $0x0  }
0x118: {  	[sflag:s0] =	ssyncadd.s32 @!p0 $0xFFFFF600  }
0x119: {  	_ =	swait.ge [sflag:s14], $0xA00  }
0x11a: {  	[sflag:s14] =	ssyncset.done $0x0  }
0x11b: {  	[sflag:s14] =	ssyncadd.s32 $0xFFFFF600  }
0x11c: {  	_ =	swait.ge [sflag:s15], $0xA00  }
0x11d: {  	[sflag:s15] =	ssyncset.done $0x0  }
0x11e: {  	s17 =	simm.s32 $0x0;
	[sflag:s15] =	ssyncadd.s32 $0xFFFFF600  }
0x11f: {  	v7 =	vld [tilespmem:s17+$0xEC40]  }
0x120: {  	v11 =	vld [tilespmem:s17+$0xEC80]  }
0x121: {  	v5 =	vld [tilespmem:s17+$0xEC50]  }
0x122: {  	v4 =	vld [tilespmem:s17+$0xEC90]  }
0x123: {  	v3 =	vld [tilespmem:s17+$0xEC60]  }
0x124: {  	v2 =	vld [tilespmem:s17+$0xECA0]  }
0x125: {  	v1 =	vld [tilespmem:s17+$0xEC70]  }
0x126: {  	v0 =	vld [tilespmem:s17+$0xECB0]  }
0x127: {  	v12 =	vld [tilespmem:s17+$0xBA40]  }
0x128: {  	v13 =	vld [tilespmem:s17+$0xBA80]  }
0x129: {  	v10 =	vld [tilespmem:s17+$0xBA50]  }
0x12a: {  	v9 =	vld [tilespmem:s17+$0xBA90]  }
0x12b: {  	v8 =	vld [tilespmem:s17+$0xBA60]  }
0x12c: {  	v6 =	vld [tilespmem:s17+$0xBAA0];
	v12 =	vmul.f32 v7, v12  }
0x12d: {  	s0 =	simm.s32 $0x200;
	v11 =	vmul.f32 v11, v13;
	v7 =	vld [tilespmem:s17+$0xBA70]  }
.LBB2_17:
0x12e: {  	s1 =	sshra.s32 s0, $0x2;
	p1 =	sne.s32 s0, $0x2600;
	[tilespmem:s17+$0xBA40] =	vst v12;
	v5 =	vmul.f32 v5, v10;
	v10 =	vld [tilespmem:s17+$0xBAB0]  }
0x12f: {  	v12 =	vld [tilespmem:s1+$0xEC40];
	[tilespmem:s17+$0xBA80] =	vst v11;
	v4 =	vmul.f32 v4, v9  }
0x130: {  	v11 =	vld [tilespmem:s1+$0xEC80];
	[tilespmem:s17+$0xBA50] =	vst v5;
	v3 =	vmul.f32 v3, v8  }
0x131: {  	v5 =	vld [tilespmem:s1+$0xEC50];
	[tilespmem:s17+$0xBA90] =	vst v4;
	v2 =	vmul.f32 v2, v6  }
0x132: {  	v4 =	vld [tilespmem:s1+$0xEC90];
	[tilespmem:s17+$0xBA60] =	vst v3;
	v1 =	vmul.f32 v1, v7  }
0x133: {  	v3 =	vld [tilespmem:s1+$0xEC60];
	[tilespmem:s17+$0xBAA0] =	vst v2;
	v0 =	vmul.f32 v0, v10  }
0x134: {  	v2 =	vld [tilespmem:s1+$0xECA0];
	[tilespmem:s17+$0xBA70] =	vst v1  }
0x135: {  	v1 =	vld [tilespmem:s1+$0xEC70];
	[tilespmem:s17+$0xBAB0] =	vst v0;
	s17 =	smov.u32 s1  }
0x136: {  	v0 =	vld [tilespmem:s17+$0xECB0]  }
0x137: {  	v6 =	vld [tilespmem:s17+$0xBA40]  }
0x138: {  	v7 =	vld [tilespmem:s17+$0xBA80]  }
.Ltmp11:
0x139: {  	v10 =	vld [tilespmem:s17+$0xBA50];
	(pc) =	sbr.rel @p1 .LBB2_17-.Ltmp11, $4  }
0x13a: {  	v9 =	vld [tilespmem:s17+$0xBA90]  }
0x13b: {  	v8 =	vld [tilespmem:s17+$0xBA60]  }
0x13c: {  	v12 =	vmul.f32 v12, v6;
	v6 =	vld [tilespmem:s17+$0xBAA0]  }
0x13d: {  	s0 =	sadd.s32 $0x200, s0;
	v11 =	vmul.f32 v11, v7;
	v7 =	vld [tilespmem:s17+$0xBA70]  }
0x13e: {  	[tilespmem:s17+$0xBA40] =	vst v12;
	v5 =	vmul.f32 v5, v10;
	v10 =	vld [tilespmem:s17+$0xBAB0]  }
0x13f: {  	[tilespmem:s17+$0xBA80] =	vst v11;
	v4 =	vmul.f32 v4, v9  }
0x140: {  	[tilespmem:s17+$0xBA50] =	vst v5;
	v3 =	vmul.f32 v3, v8  }
0x141: {  	[tilespmem:s17+$0xBA90] =	vst v4;
	v2 =	vmul.f32 v2, v6  }
0x142: {  	[tilespmem:s17+$0xBA60] =	vst v3;
	v1 =	vmul.f32 v1, v7  }
0x143: {  	[tilespmem:s17+$0xBAA0] =	vst v2;
	v0 =	vmul.f32 v0, v10  }
0x144: {  	s0 =	sshra.s32 @p0 s29, $0x2;
	[tilespmem:s17+$0xBA70] =	vst v1  }
0x145: {  	s1 =	simm.s32 @p0 $0x28;
	s8 =	simm.s32 @p0 $0xBA40;
	s0 =	sadd.s32 @p0 $0x4E20, s0;
	[tilespmem:s17+$0xBAB0] =	vst v0  }
0x146: {  	[spmem:s3] =	stream.indirect.scatter.add.f32 @p0 [tilespmem:s8], [sflag:$0xE], $0x40, s0, s1, $0xb8;
	[tilespmem:$0x19E40] =	vst v63  }
0x147: {  	s0 =	simm.s32 @p0 $0xC;
	s8 =	sadd.s32 @p0 $0x6, s18  }
0x148: {  	_ =	swait.ge @p0 [sflag:s0], $0xA00;
	s17 =	smul.u32 @p0 $0xA0, s8  }
0x149: {  	s8 =	smul.u32 @p0 $0x14, s8;
	[sflag:s0] =	ssyncset.done @p0 $0x0  }
0x14a: {  	[sflag:s0] =	ssyncadd.s32 @p0 $0xFFFFF600;
	s0 =	sshra.s32 @p0 s17, $0x2;
	s17 =	simm.s32 @p0 $0xA640  }
0x14b: {  	[tilespmem:s17], [sflag:$0x2] =	stream.indirect.gather @p0 [hbm4b:s2+s1], $0x40, s0, s1, $0xb8;
	[tilespmem:$0x19E40] =	vst v63  }
0x14c: {  	s0 =	sadd.s32 @p0 s12, s8  }
0x14d: {  	s0 =	sshll.u32 @p0 s0, $0x7  }
0x14e: {  	s0 =	sadd.s32 @p0 s7, s0  }
0x14f: {  	s0 =	sshrl.u32 @p0 s0, $0x3  }
0x150: {  	s1 =	simm.s32 @p0 $0x0;
	s8 =	simm.s32 @p0 $0xD840;
	s0 =	sadd.s32 @p0 s5, s0  }
0x151: {  	[tilespmem:s8], [sflag:$0x7] =	stream.linear.gather @p0 [hbm4b:s0+s1], $0xA00, $0x38;
	[tilespmem:$0x19E40] =	vst v63  }
0x152: {  	s0 =	sshra.s32 @!p0 s29, $0x2  }
0x153: {  	s1 =	simm.s32 @!p0 $0x28;
	s8 =	simm.s32 @!p0 $0xBA40;
	s0 =	sadd.s32 @!p0 $0x4E20, s0  }
0x154: {  	[spmem:s3] =	stream.indirect.scatter.add.f32 @!p0 [tilespmem:s8], [sflag:$0x11], $0x40, s0, s1, $0xb8;
	[tilespmem:$0x19E40] =	vst v63  }
0x155: {  	s0 =	simm.s32 @!p0 $0x11  }
0x156: {  	_ =	swait.ge @!p0 [sflag:s0], $0xA00  }
0x157: {  	[sflag:s0] =	ssyncset.done @!p0 $0x0  }
0x158: {  	[sflag:s0] =	ssyncadd.s32 @!p0 $0xFFFFF600  }
0x159: {  	_ =	swait.ge [sflag:s11], $0xA00  }
0x15a: {  	[sflag:s11] =	ssyncset.done $0x0  }
0x15b: {  	[sflag:s11] =	ssyncadd.s32 $0xFFFFF600  }
0x15c: {  	_ =	swait.ge [sflag:s10], $0xA00  }
0x15d: {  	[sflag:s10] =	ssyncset.done $0x0  }
0x15e: {  	s17 =	simm.s32 $0x0;
	[sflag:s10] =	ssyncadd.s32 $0xFFFFF600  }
0x15f: {  	v7 =	vld [tilespmem:s17+$0xF640]  }
0x160: {  	v11 =	vld [tilespmem:s17+$0xF680]  }
0x161: {  	v5 =	vld [tilespmem:s17+$0xF650]  }
0x162: {  	v4 =	vld [tilespmem:s17+$0xF690]  }
0x163: {  	v3 =	vld [tilespmem:s17+$0xF660]  }
0x164: {  	v2 =	vld [tilespmem:s17+$0xF6A0]  }
0x165: {  	v1 =	vld [tilespmem:s17+$0xF670]  }
0x166: {  	v0 =	vld [tilespmem:s17+$0xF6B0]  }
0x167: {  	v12 =	vld [tilespmem:s17+$0xC440]  }
0x168: {  	v13 =	vld [tilespmem:s17+$0xC480]  }
0x169: {  	v10 =	vld [tilespmem:s17+$0xC450]  }
0x16a: {  	v9 =	vld [tilespmem:s17+$0xC490]  }
0x16b: {  	v8 =	vld [tilespmem:s17+$0xC460]  }
0x16c: {  	v6 =	vld [tilespmem:s17+$0xC4A0];
	v12 =	vmul.f32 v7, v12  }
0x16d: {  	s0 =	simm.s32 $0x200;
	v11 =	vmul.f32 v11, v13;
	v7 =	vld [tilespmem:s17+$0xC470]  }
.LBB2_19:
0x16e: {  	s1 =	sshra.s32 s0, $0x2;
	p0 =	sne.s32 s0, $0x2600;
	[tilespmem:s17+$0xC440] =	vst v12;
	v5 =	vmul.f32 v5, v10;
	v10 =	vld [tilespmem:s17+$0xC4B0]  }
0x16f: {  	v12 =	vld [tilespmem:s1+$0xF640];
	[tilespmem:s17+$0xC480] =	vst v11;
	v4 =	vmul.f32 v4, v9  }
0x170: {  	v11 =	vld [tilespmem:s1+$0xF680];
	[tilespmem:s17+$0xC450] =	vst v5;
	v3 =	vmul.f32 v3, v8  }
0x171: {  	v5 =	vld [tilespmem:s1+$0xF650];
	[tilespmem:s17+$0xC490] =	vst v4;
	v2 =	vmul.f32 v2, v6  }
0x172: {  	v4 =	vld [tilespmem:s1+$0xF690];
	[tilespmem:s17+$0xC460] =	vst v3;
	v1 =	vmul.f32 v1, v7  }
0x173: {  	v3 =	vld [tilespmem:s1+$0xF660];
	[tilespmem:s17+$0xC4A0] =	vst v2;
	v0 =	vmul.f32 v0, v10  }
0x174: {  	v2 =	vld [tilespmem:s1+$0xF6A0];
	[tilespmem:s17+$0xC470] =	vst v1  }
0x175: {  	v1 =	vld [tilespmem:s1+$0xF670];
	[tilespmem:s17+$0xC4B0] =	vst v0;
	s17 =	smov.u32 s1  }
0x176: {  	v0 =	vld [tilespmem:s17+$0xF6B0]  }
0x177: {  	v6 =	vld [tilespmem:s17+$0xC440]  }
0x178: {  	v7 =	vld [tilespmem:s17+$0xC480]  }
.Ltmp12:
0x179: {  	v10 =	vld [tilespmem:s17+$0xC450];
	(pc) =	sbr.rel @p0 .LBB2_19-.Ltmp12, $4  }
0x17a: {  	v9 =	vld [tilespmem:s17+$0xC490]  }
0x17b: {  	v8 =	vld [tilespmem:s17+$0xC460]  }
0x17c: {  	v12 =	vmul.f32 v12, v6;
	v6 =	vld [tilespmem:s17+$0xC4A0]  }
0x17d: {  	s0 =	sadd.s32 $0x200, s0;
	v11 =	vmul.f32 v11, v7;
	v7 =	vld [tilespmem:s17+$0xC470]  }
0x17e: {  	[tilespmem:s17+$0xC440] =	vst v12;
	v5 =	vmul.f32 v5, v10;
	v63 =	vld [tilespmem:s17+$0xC4B0]  }
0x17f: {  	[tilespmem:s17+$0xC480] =	vst v11;
	v4 =	vmul.f32 v4, v9  }
0x180: {  	p0 =	seq.s32 s4, $0x63;
	[tilespmem:s17+$0xC450] =	vst v5;
	v3 =	vmul.f32 v3, v8  }
.Ltmp13:
0x181: {  	[tilespmem:s17+$0xC490] =	vst v4;
	v2 =	vmul.f32 v2, v6;
	(pc) =	sbr.rel @p0 .LBB2_22-.Ltmp13, $4  }
0x182: {  	[tilespmem:s17+$0xC460] =	vst v3;
	v1 =	vmul.f32 v1, v7  }
0x183: {  	[tilespmem:s17+$0xC4A0] =	vst v2;
	v0 =	vmul.f32 v0, v63  }
0x184: {  	[tilespmem:s17+$0xC470] =	vst v1  }
0x185: {  	s0 =	sadd.s32 $0x4E20, s26;
	[tilespmem:s17+$0xC4B0] =	vst v0  }
.Ltmp14:
0x186: {  	(pc) =	sbr.rel .LBB2_2-.Ltmp14, $3  }
0x187: {  	_ =	sdelay $0x1  }
0x188: {  	[spmem:s3] =	stream.indirect.scatter.add.f32 [tilespmem:s6], [sflag:$0xF], $0x40, s0, s21, $0xb8;
	[tilespmem:$0x19E40] =	vst v63  }
0x189: {  	s4 =	sadd.s32 $0x1, s4  }
.LBB2_23:
0x18a: {  	_ =	sfence.sel $0x180000  }
0x18b: {  	[bflag:$0x0] =	sbarrier.arrive $0xFFFF  }
0x18c: {  	_ =	strace $0x90000047  }
0x18d: {  	s0 =	stileid.u32;
	[bflag:$0x2] =	sbarrier.arrive $0xFFFF  }
0x18e: {  	p0 =	sne.s32 s0, $0x0;
	s0 =	rddreg [dreg:$0x4]  }
0x18f: {  	s0 =	sadd.s32 @!p0 $0x100000, s0  }
0x190: {  	[sflag:s0] =	ssyncadd.tile.s32 @!p0 $0x1;
	_ =	shalt  }
.Lfunc_end2:
_tile_overlayer_lowered:
.L_overlay_start_2:
0x191: {  	(tag) =	ssettag $0x2  }
0x192: {  	s0 =	rddreg [dreg:$0x0];
	s2 =	stileid.u32  }
0x193: {  	s1 =	rddreg [dreg:$0x1];
	p0 =	sne.s32 s2, $0x0  }
0x194: {  	s3 =	rddreg [dreg:$0x2];
	[bflag:$0x3] =	sbarrier.arrive $0xFFFF;
	s2 =	simm.s32 @!p0 $0x1C10  }
0x195: {  	[timem:s3], [sflag:s2] =	dma.local @!p0 [hbm:s0], s1  }
0x196: {  	s0 =	simm.s32 @!p0 $0x10  }
0x197: {  	_ =	swait.ge @!p0 [sflag:s0], s1  }
0x198: {  	s1 =	ssub.s32 @!p0 $0x0, s1;
	[sflag:s0] =	ssyncset.done @!p0 $0x0  }
0x199: {  	[sflag:s0] =	ssyncadd.s32 @!p0 s1  }
0x19a: {  	[bflag:$0x3] =	sbarrier.arrive $0xFFFF  }
0x19b: {  	_ =	shalt  }

</sc_bundles>
